<compile_context>
chip_gen: v7x
topology: tpu7x:2x2x1
jax: 0.10.2.dev20260603
libtpu: 0.0.44.dev20260713+nightly
codegen_flags: <defaults>
</compile_context>

<pallas_src>
import functools

import jax
import jax.numpy as jnp
from jax import lax
from jax.experimental import pallas as pl
from jax.experimental.pallas import tpu as pltpu
from jax.experimental.pallas import tpu_sc as plsc

E = 8
K = 2
D = 1024
RH = 1024
SH = 4096
T = 4096
BT = 256
NB = 40
P = NB * BT
CH = 128
NCH = (K * T) // CH
ALPHA = 0.01

F32 = jnp.float32
BF16 = jnp.bfloat16
I32 = jnp.int32


def _sig(v):
    return 1.0 / (1.0 + jnp.exp(-v))


def _plan_body(x_ref, rw_ref, bias_ref, wl_ref, posa_ref, posb_ref, be_ref,
               loss_ref, oh_scr, basew_scr):
    logits = lax.dot_general(rw_ref[...].astype(BF16), x_ref[...],
                             (((1,), (1,)), ((), ())),
                             preferred_element_type=F32)
    scores = _sig(logits)
    sel = scores + bias_ref[...]
    iota_e = lax.broadcasted_iota(I32, (E, T), 0)
    m1 = jnp.max(sel, axis=0, keepdims=True)
    i1 = jnp.min(jnp.where(sel == m1, iota_e, E), axis=0, keepdims=True)
    sel2 = jnp.where(iota_e == i1, -jnp.inf, sel)
    m2 = jnp.max(sel2, axis=0, keepdims=True)
    i2 = jnp.min(jnp.where(sel2 == m2, iota_e, E), axis=0, keepdims=True)
    oh1 = (iota_e == i1).astype(F32)
    oh2 = (iota_e == i2).astype(F32)
    s1 = jnp.sum(scores * oh1, axis=0, keepdims=True)
    s2 = jnp.sum(scores * oh2, axis=0, keepdims=True)
    den = s1 + s2 + 1e-9
    wl_ref[0:1, :] = s1 / den
    wl_ref[1:2, :] = s2 / den

    seq = T // 2
    bmask = (lax.broadcasted_iota(I32, (1, T), 1) < seq).astype(F32)
    ohs = oh1 + oh2
    sn = scores / (jnp.sum(scores, axis=0, keepdims=True) + 1e-9)
    cnt0 = jnp.sum(ohs * bmask, axis=1, keepdims=True)
    cnt1 = jnp.sum(ohs * (1.0 - bmask), axis=1, keepdims=True)
    p0 = jnp.sum(sn * bmask, axis=1, keepdims=True) / seq
    p1 = jnp.sum(sn * (1.0 - bmask), axis=1, keepdims=True) / seq
    scale = E / (K * seq)
    loss = ALPHA * 0.5 * (jnp.sum(cnt0 * scale * p0) + jnp.sum(cnt1 * scale * p1))
    loss_ref[...] = jnp.full((1, 1), loss, F32)

    oh_scr[:, 0:T] = oh1
    oh_scr[:, T:2 * T] = oh2

    seg = (lax.broadcasted_iota(I32, (K * T, NCH), 0) // CH ==
           lax.broadcasted_iota(I32, (K * T, NCH), 1)).astype(F32)
    tot = lax.dot_general(oh_scr[...], seg, (((1,), (0,)), ((), ())),
                          preferred_element_type=F32,
                          precision=lax.Precision.HIGHEST)
    r64 = lax.broadcasted_iota(I32, (NCH, NCH), 0)
    c64 = lax.broadcasted_iota(I32, (NCH, NCH), 1)
    triu64 = (r64 < c64).astype(F32)
    pre = lax.dot_general(tot, triu64, (((1,), (0,)), ((), ())),
                          preferred_element_type=F32,
                          precision=lax.Precision.HIGHEST)
    counts = jnp.sum(tot, axis=1, keepdims=True)
    used = jnp.floor((counts + (BT - 1)) * (1.0 / BT))
    r8 = lax.broadcasted_iota(I32, (E, E), 0)
    c8 = lax.broadcasted_iota(I32, (E, E), 1)
    tril8 = (c8 < r8).astype(F32)
    start_blk = lax.dot_general(tril8, used, (((1,), (0,)), ((), ())),
                                preferred_element_type=F32,
                                precision=lax.Precision.HIGHEST)
    start_slot = start_blk * float(BT)
    bi = lax.broadcasted_iota(I32, (1, NB), 1).astype(F32)
    be = jnp.sum((bi >= start_blk).astype(F32), axis=0, keepdims=True) - 1.0
    be_ref[...] = be.astype(I32)

    segt = (lax.broadcasted_iota(I32, (NCH, K * T), 0) ==
            lax.broadcasted_iota(I32, (NCH, K * T), 1) // CH).astype(F32)
    basew_scr[...] = start_slot + lax.dot_general(
        pre, segt, (((1,), (0,)), ((), ())),
        preferred_element_type=F32, precision=lax.Precision.HIGHEST)

    rr = lax.broadcasted_iota(I32, (CH, CH), 0)
    cc = lax.broadcasted_iota(I32, (CH, CH), 1)
    triu128 = (rr < cc).astype(F32)

    def _pos_body(g, carry):
        rows_a = []
        rows_b = []
        for j in range(8):
            c = g * 8 + j
            off = pl.multiple_of(c * CH, CH)
            blk = oh_scr[:, pl.ds(off, CH)]
            basec = basew_scr[:, pl.ds(off, CH)]
            intra = lax.dot_general(blk, triu128, (((1,), (0,)), ((), ())),
                                    preferred_element_type=F32,
                                    precision=lax.Precision.HIGHEST)
            slot = jnp.sum((basec + intra) * blk, axis=0, keepdims=True)
            rows_a.append(2.0 * slot)
            rows_b.append(2.0 * slot + 1.0)
        row0 = pl.multiple_of(g * 8, 8)
        posa_ref[pl.ds(row0, 8), :] = jnp.concatenate(rows_a, 0).astype(I32)
        posb_ref[pl.ds(row0, 8), :] = jnp.concatenate(rows_b, 0).astype(I32)
        return carry
    lax.fori_loop(0, NCH // 8, _pos_body, 0)


def _plan(x2d, router_w, bias2d):
    return pl.pallas_call(
        _plan_body,
        out_shape=(
            jax.ShapeDtypeStruct((K, T), F32),
            jax.ShapeDtypeStruct((NCH, CH), I32),
            jax.ShapeDtypeStruct((NCH, CH), I32),
            jax.ShapeDtypeStruct((1, NB), I32),
            jax.ShapeDtypeStruct((1, 1), F32),
        ),
        scratch_shapes=[
            pltpu.VMEM((E, K * T), F32),
            pltpu.VMEM((E, K * T), F32),
        ],
    )(x2d, router_w, bias2d)


_CBT = 512


def _shared_body(x_ref, w1_ref, w2_ref, w3_ref, g0_ref, g1_ref, wl0_ref,
                 wl1_ref, o_ref):
    hblk = pl.program_id(1)
    xb = x_ref[...]
    h1 = lax.dot_general(xb, w1_ref[...], (((1,), (1,)), ((), ())),
                         preferred_element_type=F32)
    h2 = lax.dot_general(xb, w2_ref[...], (((1,), (1,)), ((), ())),
                         preferred_element_type=F32)
    g = (h1 * _sig(h1) * h2).astype(BF16)
    part = lax.dot_general(g, w3_ref[...], (((1,), (1,)), ((), ())),
                           preferred_element_type=F32)

    @pl.when(hblk == 0)
    def _():
        ri = lax.broadcasted_iota(I32, (_CBT, _CBT), 0)
        ci = lax.broadcasted_iota(I32, (_CBT, _CBT), 1)
        ident = (ri == ci).astype(F32)
        w0 = lax.dot_general(ident, wl0_ref[0], (((1,), (1,)), ((), ())),
                             preferred_element_type=F32,
                             precision=lax.Precision.HIGHEST)
        w1 = lax.dot_general(ident, wl1_ref[0], (((1,), (1,)), ((), ())),
                             preferred_element_type=F32,
                             precision=lax.Precision.HIGHEST)
        o_ref[...] = part + w0 * g0_ref[...] + w1 * g1_ref[...]

    @pl.when(hblk != 0)
    def _():
        o_ref[...] += part


def _shared_combine(x2d, sw1b, sw2b, sw3b, gath, wl):
    bt, bh = _CBT, 1024
    wl3 = wl.reshape(K, 1, T)
    return pl.pallas_call(
        _shared_body,
        grid=(T // bt, SH // bh),
        in_specs=[
            pl.BlockSpec((bt, D), lambda i, h: (i, 0)),
            pl.BlockSpec((bh, D), lambda i, h: (h, 0)),
            pl.BlockSpec((bh, D), lambda i, h: (h, 0)),
            pl.BlockSpec((D, bh), lambda i, h: (0, h)),
            pl.BlockSpec((bt, D), lambda i, h: (i, 0)),
            pl.BlockSpec((bt, D), lambda i, h: (i + T // bt, 0)),
            pl.BlockSpec((1, 1, bt), lambda i, h: (0, 0, i)),
            pl.BlockSpec((1, 1, bt), lambda i, h: (1, 0, i)),
        ],
        out_specs=pl.BlockSpec((bt, D), lambda i, h: (i, 0)),
        out_shape=jax.ShapeDtypeStruct((T, D), F32),
    )(x2d, sw1b, sw2b, sw3b, gath, gath, wl3, wl3)


def _gemm_body(be_ref, xs_ref, w12_ref, w3_ref, y_ref):
    xb = xs_ref[...].astype(BF16)
    h12 = lax.dot_general(xb, w12_ref[0], (((1,), (1,)), ((), ())),
                          preferred_element_type=F32)
    h1 = h12[:, :RH]
    h2 = h12[:, RH:]
    g = (h1 * _sig(h1) * h2).astype(BF16)
    y_ref[...] = lax.dot_general(g, w3_ref[0], (((1,), (1,)), ((), ())),
                                 preferred_element_type=F32)


def _grouped_gemm(be, xs, w12b, w3b):
    grid_spec = pltpu.PrefetchScalarGridSpec(
        num_scalar_prefetch=1,
        grid=(NB,),
        in_specs=[
            pl.BlockSpec((BT, D), lambda i, be_r: (i, 0)),
            pl.BlockSpec((1, 2 * RH, D), lambda i, be_r: (be_r[i], 0, 0)),
            pl.BlockSpec((1, D, RH), lambda i, be_r: (be_r[i], 0, 0)),
        ],
        out_specs=pl.BlockSpec((BT, D), lambda i, be_r: (i, 0)),
    )
    return pl.pallas_call(
        _gemm_body,
        grid_spec=grid_spec,
        out_shape=jax.ShapeDtypeStruct((P, D), F32),
    )(be, xs, w12b, w3b)


HD = D // 2
HQ = HD // 2
NW = 32
QW = (K * T * 2) // NW
CHUNKS = QW // 128


def _sc_scatter(x_half, idxh128):
    mesh = plsc.VectorSubcoreMesh(core_axis_name="c", subcore_axis_name="s")

    @functools.partial(
        pl.kernel, mesh=mesh,
        out_type=jax.ShapeDtypeStruct((P * 2, HD), F32),
        scratch_types=[pltpu.VMEM((CHUNKS, 128), I32),
                       pltpu.VMEM((128, HD), F32)],
    )
    def kern(x_hbm, i_hbm, xs_hbm, idx_v, data_v):
        wid = lax.axis_index("s") * 2 + lax.axis_index("c")
        qb = wid * QW
        src_base = qb - (2 * T) * (qb // (2 * T))
        pltpu.sync_copy(i_hbm.at[pl.ds(wid * CHUNKS, CHUNKS)], idx_v)
        for j in range(CHUNKS):
            pltpu.sync_copy(x_hbm.at[pl.ds(src_base + j * 128, 128)], data_v)
            pltpu.sync_copy(data_v, xs_hbm.at[idx_v.at[j]])

    return kern(x_half, idxh128)


def _sc_gather(y_half, idxh128):
    mesh = plsc.VectorSubcoreMesh(core_axis_name="c", subcore_axis_name="s")

    @functools.partial(
        pl.kernel, mesh=mesh,
        out_type=jax.ShapeDtypeStruct((K * T * 2, HD), F32),
        scratch_types=[pltpu.VMEM((CHUNKS, 128), I32),
                       pltpu.VMEM((128, HD), F32)],
    )
    def kern(y_hbm, i_hbm, g_hbm, idx_v, data_v):
        wid = lax.axis_index("s") * 2 + lax.axis_index("c")
        qb = wid * QW
        pltpu.sync_copy(i_hbm.at[pl.ds(wid * CHUNKS, CHUNKS)], idx_v)
        for j in range(CHUNKS):
            pltpu.sync_copy(y_hbm.at[idx_v.at[j]], data_v)
            pltpu.sync_copy(data_v, g_hbm.at[pl.ds(qb + j * 128, 128)])

    return kern(y_half, idxh128)


def kernel(x, w12, w3e, sw1, sw2, sw3, router_w, expert_bias):
    batch, seq, d = x.shape
    x2d = x.reshape(T, D)
    x_bf = x2d.astype(BF16)
    bias2d = expert_bias.reshape(E, 1)

    wl, posa, posb, be_raw, loss_raw = _plan(x_bf, router_w, bias2d)
    idxh128 = jnp.stack([posa, posb], axis=-1).reshape((K * T * 2) // 128, 128)
    be = be_raw.reshape(NB)

    xs_half = _sc_scatter(x2d.reshape(T * 2, HD), idxh128)
    y = _grouped_gemm(be, xs_half.reshape(P, D), w12.astype(BF16),
                      w3e.astype(BF16))
    g_half = _sc_gather(y.reshape(P * 2, HD), idxh128)
    out = _shared_combine(x_bf, sw1.astype(BF16), sw2.astype(BF16),
                          sw3.astype(BF16), g_half.reshape(K * T, D), wl)

    return out.reshape(batch, seq, d), loss_raw.reshape(())

# --- scband reference (transcript-rebuilt; emitter-appended) ---
"""Pipeline reference for scband-mo-e-3659312136194 (READ-ONLY COPY).

The authoritative reference and input builder live on the scoring server;
editing this copy changes nothing except your own understanding.
"""

import jax, jax.numpy as jnp
import numpy as np

N_ROUTED = 8
TOP_K = 2
D_MODEL = 1024
HIDDEN = 4096
EXPERT_SCALE = 4
ROUTED_HIDDEN = HIDDEN // EXPERT_SCALE
BALANCE_ALPHA = 0.01
BATCH = 2
SEQ = 2048


def setup_inputs(seed: int = 0) -> dict:
    key = jax.random.key(seed)
    ks = jax.random.split(key, 8)
    x = jax.random.normal(ks[0], (BATCH, SEQ, D_MODEL), dtype=jnp.float32)
    # GroupedExperts params: normal(0, 0.02)
    w12 = 0.02 * jax.random.normal(ks[1], (N_ROUTED, 2 * ROUTED_HIDDEN, D_MODEL), dtype=jnp.float32)
    w3e = 0.02 * jax.random.normal(ks[2], (N_ROUTED, D_MODEL, ROUTED_HIDDEN), dtype=jnp.float32)
    # Shared SwiGLU (nn.Linear weight layout: [out, in])
    lim1 = 1.0 / np.sqrt(D_MODEL)
    lim2 = 1.0 / np.sqrt(HIDDEN)
    sw1 = jax.random.uniform(ks[3], (HIDDEN, D_MODEL), jnp.float32, -lim1, lim1)
    sw2 = jax.random.uniform(ks[4], (HIDDEN, D_MODEL), jnp.float32, -lim1, lim1)
    sw3 = jax.random.uniform(ks[5], (D_MODEL, HIDDEN), jnp.float32, -lim2, lim2)
    router_w = jax.random.uniform(ks[6], (N_ROUTED, D_MODEL), jnp.float32, -lim1, lim1)
    expert_bias = jnp.zeros((N_ROUTED,), jnp.float32)
    return {"x": x, "w12": w12, "w3e": w3e, "sw1": sw1, "sw2": sw2, "sw3": sw3,
            "router_w": router_w, "expert_bias": expert_bias}


def reference(x, w12, w3e, sw1, sw2, sw3, router_w, expert_bias):
    batch, seq, d = x.shape
    # shared expert (single SwiGLU)
    shared_out = jnp.dot(jax.nn.silu(jnp.dot(x, sw1.T)) * jnp.dot(x, sw2.T), sw3.T)
    # router
    scores = jax.nn.sigmoid(jnp.dot(x, router_w.T))  # (b, s, E)
    selection_scores = scores + expert_bias
    _, top_idx = jax.lax.top_k(selection_scores, TOP_K)  # (b, s, k)
    top_scores = jnp.take_along_axis(scores, top_idx, axis=-1)
    top_scores = top_scores / (top_scores.sum(axis=-1, keepdims=True) + 1e-9)
    # routed experts: dense per-expert SwiGLU (math-equivalent to grouped GEMM dispatch)
    flat_x = x.reshape(-1, d)  # (T, d)
    h12 = jnp.einsum('td,ehd->teh', flat_x, w12)  # (T, E, 2*rh)
    h1, h2 = jnp.split(h12, 2, axis=-1)
    h = jax.nn.silu(h1) * h2
    out_all = jnp.einsum('teh,edh->ted', h, w3e)  # (T, E, d)
    flat_idx = top_idx.reshape(-1, TOP_K)
    flat_sc = top_scores.reshape(-1, TOP_K)
    gathered = jnp.take_along_axis(out_all, flat_idx[:, :, None], axis=1)  # (T, k, d)
    routed_out = (gathered * flat_sc[:, :, None]).sum(axis=1).reshape(batch, seq, d)
    # balance loss (balance_alpha > 0)
    flat_top_idx = top_idx.reshape(batch, -1)  # (b, s*k)
    counts = jax.nn.one_hot(flat_top_idx, N_ROUTED, dtype=x.dtype).sum(axis=1)  # (b, E)
    f_i = counts * (N_ROUTED / (TOP_K * seq))
    s_norm = scores / (scores.sum(axis=-1, keepdims=True) + 1e-9)
    p_i = s_norm.mean(axis=1)
    balance_loss = BALANCE_ALPHA * (f_i * p_i).sum(axis=-1).mean()
    return shared_out + routed_out, balance_loss

if __name__ == "__main__":
    import jax
    _d = setup_inputs()
    print(jax.jit(kernel)(*tuple(_d.values())))

</pallas_src>

<mosaic_0001>
#map = affine_map<(d0, d1) -> (0, 0)>
module attributes {stable_mosaic.version = 14 : i64} {
  func.func @kern(%arg0: i32, %arg1: i32, %arg2: memref<20480x512xf32, #tpu.memory_space<hbm>>, %arg3: memref<128x128xi32, #tpu.memory_space<hbm>>, %arg4: memref<16384x512xf32, #tpu.memory_space<hbm>>, %arg5: memref<4x128xi32, #tpu.memory_space<vmem>>, %arg6: memref<128x512xf32, #tpu.memory_space<vmem>>) attributes {dimension_semantics = [#tpu.dimension_semantics<core_parallel>, #tpu.dimension_semantics<subcore_parallel>], iteration_bounds = array<i64: 2, 16>, scalar_prefetch = 0 : i64, scratch_operands = 2 : i64, tpu.core_type = #tpu.core_type<sc_vector_subcore>, window_params = [{transform_indices = #map}, {transform_indices = #map}, {transform_indices = #map}]} {
    %mul3A = arith.constant 2 : i32
    %mul3A_0 = arith.muli %arg1, %mul3A : i32
    %add3A = arith.addi %mul3A_0, %arg0 : i32
    %mul3A_1 = arith.constant 512 : i32
    %mul3A_2 = arith.muli %add3A, %mul3A_1 : i32
    %mul3A_3 = arith.constant 4 : i32
    %mul3A_4 = arith.muli %add3A, %mul3A_3 : i32
    "tpu.region"() ({
      %run_scoped3A_16 = tpu.sem_alloc : memref<!tpu.dma_semaphore, #tpu.memory_space<semaphore_mem>>
      %dma_start3A = arith.constant 0 : i32
      %dma_start3A_17 = tpu.memref_slice %arg3[%mul3A_4, %dma_start3A] : memref<128x128xi32, #tpu.memory_space<hbm>> -> memref<4x128xi32, #tpu.memory_space<hbm>>
      %dma_start3A_18 = arith.constant 0 : i32
      %dma_start3A_19 = tpu.memref_slice %arg3[%mul3A_4, %dma_start3A_18] : memref<128x128xi32, #tpu.memory_space<hbm>> -> memref<4x128xi32, #tpu.memory_space<hbm>>
      tpu.enqueue_dma source(%dma_start3A_19 : memref<4x128xi32, #tpu.memory_space<hbm>>) target(%arg5 : memref<4x128xi32, #tpu.memory_space<vmem>>) target_semaphore(%run_scoped3A_16 : memref<!tpu.dma_semaphore, #tpu.memory_space<semaphore_mem>>)
      %dma_wait3A = arith.constant 0 : i32
      %dma_wait3A_20 = tpu.memref_slice %arg3[%mul3A_4, %dma_wait3A] : memref<128x128xi32, #tpu.memory_space<hbm>> -> memref<4x128xi32, #tpu.memory_space<hbm>>
      %dma_wait3A_21 = arith.constant 0 : i32
      %dma_wait3A_22 = tpu.memref_slice %arg3[%mul3A_4, %dma_wait3A_21] : memref<128x128xi32, #tpu.memory_space<hbm>> -> memref<4x128xi32, #tpu.memory_space<hbm>>
      tpu.wait_dma2 semaphore(%run_scoped3A_16 : memref<!tpu.dma_semaphore, #tpu.memory_space<semaphore_mem>>) src(%dma_wait3A_22 : memref<4x128xi32, #tpu.memory_space<hbm>>) dst(%arg5 : memref<4x128xi32, #tpu.memory_space<vmem>>)
      tpu.yield
    }) : () -> ()
    %run_scoped3A = arith.constant 0 : i32
    "tpu.region"() ({
      %run_scoped3A_16 = tpu.sem_alloc : memref<!tpu.dma_semaphore, #tpu.memory_space<semaphore_mem>>
      %dma_start3A = arith.constant 0 : i32
      %dma_start3A_17 = tpu.memref_slice %arg5[%run_scoped3A, %dma_start3A] : memref<4x128xi32, #tpu.memory_space<vmem>> -> memref<1x128xi32, #tpu.memory_space<vmem>>
      %dma_start3A_18 = tpu.memref_squeeze %dma_start3A_17 : memref<1x128xi32, #tpu.memory_space<vmem>> -> memref<128xi32, #tpu.memory_space<vmem>>
      %dma_start3A_19 = arith.constant 0 : i32
      %dma_start3A_20 = arith.constant 0 : i32
      %dma_start3A_21 = tpu.memref_slice %arg2[%dma_start3A_19, %dma_start3A_20] : memref<20480x512xf32, #tpu.memory_space<hbm>> -> memref<20480x512xf32, #tpu.memory_space<hbm>>
      tpu.enqueue_indirect_dma source(%dma_start3A_21 : memref<20480x512xf32, #tpu.memory_space<hbm>>) target(%arg6 : memref<128x512xf32, #tpu.memory_space<vmem>>) offsets(%dma_start3A_18 : memref<128xi32, #tpu.memory_space<vmem>>) semaphore(%run_scoped3A_16 : memref<!tpu.dma_semaphore, #tpu.memory_space<semaphore_mem>>)
      %dma_wait3A = arith.constant 0 : i32
      %dma_wait3A_22 = tpu.memref_slice %arg5[%run_scoped3A, %dma_wait3A] : memref<4x128xi32, #tpu.memory_space<vmem>> -> memref<1x128xi32, #tpu.memory_space<vmem>>
      %dma_wait3A_23 = tpu.memref_squeeze %dma_wait3A_22 : memref<1x128xi32, #tpu.memory_space<vmem>> -> memref<128xi32, #tpu.memory_space<vmem>>
      %dma_wait3A_24 = arith.constant 0 : i32
      %dma_wait3A_25 = arith.constant 0 : i32
      %dma_wait3A_26 = tpu.memref_slice %arg2[%dma_wait3A_24, %dma_wait3A_25] : memref<20480x512xf32, #tpu.memory_space<hbm>> -> memref<20480x512xf32, #tpu.memory_space<hbm>>
      tpu.wait_indirect_dma semaphore(%run_scoped3A_16 : memref<!tpu.dma_semaphore, #tpu.memory_space<semaphore_mem>>) src(%dma_wait3A_26 : memref<20480x512xf32, #tpu.memory_space<hbm>>) dst(%arg6 : memref<128x512xf32, #tpu.memory_space<vmem>>)
      tpu.yield
    }) : () -> ()
    %add3A_5 = arith.constant 0 : i32
    %add3A_6 = arith.addi %mul3A_2, %add3A_5 : i32
    "tpu.region"() ({
      %run_scoped3A_16 = tpu.sem_alloc : memref<!tpu.dma_semaphore, #tpu.memory_space<semaphore_mem>>
      %dma_start3A = arith.constant 0 : i32
      %dma_start3A_17 = tpu.memref_slice %arg4[%add3A_6, %dma_start3A] : memref<16384x512xf32, #tpu.memory_space<hbm>> -> memref<128x512xf32, #tpu.memory_space<hbm>>
      %dma_start3A_18 = arith.constant 0 : i32
      %dma_start3A_19 = tpu.memref_slice %arg4[%add3A_6, %dma_start3A_18] : memref<16384x512xf32, #tpu.memory_space<hbm>> -> memref<128x512xf32, #tpu.memory_space<hbm>>
      tpu.enqueue_dma source(%arg6 : memref<128x512xf32, #tpu.memory_space<vmem>>) target(%dma_start3A_19 : memref<128x512xf32, #tpu.memory_space<hbm>>) target_semaphore(%run_scoped3A_16 : memref<!tpu.dma_semaphore, #tpu.memory_space<semaphore_mem>>)
      %dma_wait3A = arith.constant 0 : i32
      %dma_wait3A_20 = tpu.memref_slice %arg4[%add3A_6, %dma_wait3A] : memref<16384x512xf32, #tpu.memory_space<hbm>> -> memref<128x512xf32, #tpu.memory_space<hbm>>
      %dma_wait3A_21 = arith.constant 0 : i32
      %dma_wait3A_22 = tpu.memref_slice %arg4[%add3A_6, %dma_wait3A_21] : memref<16384x512xf32, #tpu.memory_space<hbm>> -> memref<128x512xf32, #tpu.memory_space<hbm>>
      tpu.wait_dma2 semaphore(%run_scoped3A_16 : memref<!tpu.dma_semaphore, #tpu.memory_space<semaphore_mem>>) src(%arg6 : memref<128x512xf32, #tpu.memory_space<vmem>>) dst(%dma_wait3A_22 : memref<128x512xf32, #tpu.memory_space<hbm>>)
      tpu.yield
    }) : () -> ()
    %run_scoped3A_7 = arith.constant 1 : i32
    "tpu.region"() ({
      %run_scoped3A_16 = tpu.sem_alloc : memref<!tpu.dma_semaphore, #tpu.memory_space<semaphore_mem>>
      %dma_start3A = arith.constant 0 : i32
      %dma_start3A_17 = tpu.memref_slice %arg5[%run_scoped3A_7, %dma_start3A] : memref<4x128xi32, #tpu.memory_space<vmem>> -> memref<1x128xi32, #tpu.memory_space<vmem>>
      %dma_start3A_18 = tpu.memref_squeeze %dma_start3A_17 : memref<1x128xi32, #tpu.memory_space<vmem>> -> memref<128xi32, #tpu.memory_space<vmem>>
      %dma_start3A_19 = arith.constant 0 : i32
      %dma_start3A_20 = arith.constant 0 : i32
      %dma_start3A_21 = tpu.memref_slice %arg2[%dma_start3A_19, %dma_start3A_20] : memref<20480x512xf32, #tpu.memory_space<hbm>> -> memref<20480x512xf32, #tpu.memory_space<hbm>>
      tpu.enqueue_indirect_dma source(%dma_start3A_21 : memref<20480x512xf32, #tpu.memory_space<hbm>>) target(%arg6 : memref<128x512xf32, #tpu.memory_space<vmem>>) offsets(%dma_start3A_18 : memref<128xi32, #tpu.memory_space<vmem>>) semaphore(%run_scoped3A_16 : memref<!tpu.dma_semaphore, #tpu.memory_space<semaphore_mem>>)
      %dma_wait3A = arith.constant 0 : i32
      %dma_wait3A_22 = tpu.memref_slice %arg5[%run_scoped3A_7, %dma_wait3A] : memref<4x128xi32, #tpu.memory_space<vmem>> -> memref<1x128xi32, #tpu.memory_space<vmem>>
      %dma_wait3A_23 = tpu.memref_squeeze %dma_wait3A_22 : memref<1x128xi32, #tpu.memory_space<vmem>> -> memref<128xi32, #tpu.memory_space<vmem>>
      %dma_wait3A_24 = arith.constant 0 : i32
      %dma_wait3A_25 = arith.constant 0 : i32
      %dma_wait3A_26 = tpu.memref_slice %arg2[%dma_wait3A_24, %dma_wait3A_25] : memref<20480x512xf32, #tpu.memory_space<hbm>> -> memref<20480x512xf32, #tpu.memory_space<hbm>>
      tpu.wait_indirect_dma semaphore(%run_scoped3A_16 : memref<!tpu.dma_semaphore, #tpu.memory_space<semaphore_mem>>) src(%dma_wait3A_26 : memref<20480x512xf32, #tpu.memory_space<hbm>>) dst(%arg6 : memref<128x512xf32, #tpu.memory_space<vmem>>)
      tpu.yield
    }) : () -> ()
    %add3A_8 = arith.constant 128 : i32
    %add3A_9 = arith.addi %mul3A_2, %add3A_8 : i32
    "tpu.region"() ({
      %run_scoped3A_16 = tpu.sem_alloc : memref<!tpu.dma_semaphore, #tpu.memory_space<semaphore_mem>>
      %dma_start3A = arith.constant 0 : i32
      %dma_start3A_17 = tpu.memref_slice %arg4[%add3A_9, %dma_start3A] : memref<16384x512xf32, #tpu.memory_space<hbm>> -> memref<128x512xf32, #tpu.memory_space<hbm>>
      %dma_start3A_18 = arith.constant 0 : i32
      %dma_start3A_19 = tpu.memref_slice %arg4[%add3A_9, %dma_start3A_18] : memref<16384x512xf32, #tpu.memory_space<hbm>> -> memref<128x512xf32, #tpu.memory_space<hbm>>
      tpu.enqueue_dma source(%arg6 : memref<128x512xf32, #tpu.memory_space<vmem>>) target(%dma_start3A_19 : memref<128x512xf32, #tpu.memory_space<hbm>>) target_semaphore(%run_scoped3A_16 : memref<!tpu.dma_semaphore, #tpu.memory_space<semaphore_mem>>)
      %dma_wait3A = arith.constant 0 : i32
      %dma_wait3A_20 = tpu.memref_slice %arg4[%add3A_9, %dma_wait3A] : memref<16384x512xf32, #tpu.memory_space<hbm>> -> memref<128x512xf32, #tpu.memory_space<hbm>>
      %dma_wait3A_21 = arith.constant 0 : i32
      %dma_wait3A_22 = tpu.memref_slice %arg4[%add3A_9, %dma_wait3A_21] : memref<16384x512xf32, #tpu.memory_space<hbm>> -> memref<128x512xf32, #tpu.memory_space<hbm>>
      tpu.wait_dma2 semaphore(%run_scoped3A_16 : memref<!tpu.dma_semaphore, #tpu.memory_space<semaphore_mem>>) src(%arg6 : memref<128x512xf32, #tpu.memory_space<vmem>>) dst(%dma_wait3A_22 : memref<128x512xf32, #tpu.memory_space<hbm>>)
      tpu.yield
    }) : () -> ()
    %run_scoped3A_10 = arith.constant 2 : i32
    "tpu.region"() ({
      %run_scoped3A_16 = tpu.sem_alloc : memref<!tpu.dma_semaphore, #tpu.memory_space<semaphore_mem>>
      %dma_start3A = arith.constant 0 : i32
      %dma_start3A_17 = tpu.memref_slice %arg5[%run_scoped3A_10, %dma_start3A] : memref<4x128xi32, #tpu.memory_space<vmem>> -> memref<1x128xi32, #tpu.memory_space<vmem>>
      %dma_start3A_18 = tpu.memref_squeeze %dma_start3A_17 : memref<1x128xi32, #tpu.memory_space<vmem>> -> memref<128xi32, #tpu.memory_space<vmem>>
      %dma_start3A_19 = arith.constant 0 : i32
      %dma_start3A_20 = arith.constant 0 : i32
      %dma_start3A_21 = tpu.memref_slice %arg2[%dma_start3A_19, %dma_start3A_20] : memref<20480x512xf32, #tpu.memory_space<hbm>> -> memref<20480x512xf32, #tpu.memory_space<hbm>>
      tpu.enqueue_indirect_dma source(%dma_start3A_21 : memref<20480x512xf32, #tpu.memory_space<hbm>>) target(%arg6 : memref<128x512xf32, #tpu.memory_space<vmem>>) offsets(%dma_start3A_18 : memref<128xi32, #tpu.memory_space<vmem>>) semaphore(%run_scoped3A_16 : memref<!tpu.dma_semaphore, #tpu.memory_space<semaphore_mem>>)
      %dma_wait3A = arith.constant 0 : i32
      %dma_wait3A_22 = tpu.memref_slice %arg5[%run_scoped3A_10, %dma_wait3A] : memref<4x128xi32, #tpu.memory_space<vmem>> -> memref<1x128xi32, #tpu.memory_space<vmem>>
      %dma_wait3A_23 = tpu.memref_squeeze %dma_wait3A_22 : memref<1x128xi32, #tpu.memory_space<vmem>> -> memref<128xi32, #tpu.memory_space<vmem>>
      %dma_wait3A_24 = arith.constant 0 : i32
      %dma_wait3A_25 = arith.constant 0 : i32
      %dma_wait3A_26 = tpu.memref_slice %arg2[%dma_wait3A_24, %dma_wait3A_25] : memref<20480x512xf32, #tpu.memory_space<hbm>> -> memref<20480x512xf32, #tpu.memory_space<hbm>>
      tpu.wait_indirect_dma semaphore(%run_scoped3A_16 : memref<!tpu.dma_semaphore, #tpu.memory_space<semaphore_mem>>) src(%dma_wait3A_26 : memref<20480x512xf32, #tpu.memory_space<hbm>>) dst(%arg6 : memref<128x512xf32, #tpu.memory_space<vmem>>)
      tpu.yield
    }) : () -> ()
    %add3A_11 = arith.constant 256 : i32
    %add3A_12 = arith.addi %mul3A_2, %add3A_11 : i32
    "tpu.region"() ({
      %run_scoped3A_16 = tpu.sem_alloc : memref<!tpu.dma_semaphore, #tpu.memory_space<semaphore_mem>>
      %dma_start3A = arith.constant 0 : i32
      %dma_start3A_17 = tpu.memref_slice %arg4[%add3A_12, %dma_start3A] : memref<16384x512xf32, #tpu.memory_space<hbm>> -> memref<128x512xf32, #tpu.memory_space<hbm>>
      %dma_start3A_18 = arith.constant 0 : i32
      %dma_start3A_19 = tpu.memref_slice %arg4[%add3A_12, %dma_start3A_18] : memref<16384x512xf32, #tpu.memory_space<hbm>> -> memref<128x512xf32, #tpu.memory_space<hbm>>
      tpu.enqueue_dma source(%arg6 : memref<128x512xf32, #tpu.memory_space<vmem>>) target(%dma_start3A_19 : memref<128x512xf32, #tpu.memory_space<hbm>>) target_semaphore(%run_scoped3A_16 : memref<!tpu.dma_semaphore, #tpu.memory_space<semaphore_mem>>)
      %dma_wait3A = arith.constant 0 : i32
      %dma_wait3A_20 = tpu.memref_slice %arg4[%add3A_12, %dma_wait3A] : memref<16384x512xf32, #tpu.memory_space<hbm>> -> memref<128x512xf32, #tpu.memory_space<hbm>>
      %dma_wait3A_21 = arith.constant 0 : i32
      %dma_wait3A_22 = tpu.memref_slice %arg4[%add3A_12, %dma_wait3A_21] : memref<16384x512xf32, #tpu.memory_space<hbm>> -> memref<128x512xf32, #tpu.memory_space<hbm>>
      tpu.wait_dma2 semaphore(%run_scoped3A_16 : memref<!tpu.dma_semaphore, #tpu.memory_space<semaphore_mem>>) src(%arg6 : memref<128x512xf32, #tpu.memory_space<vmem>>) dst(%dma_wait3A_22 : memref<128x512xf32, #tpu.memory_space<hbm>>)
      tpu.yield
    }) : () -> ()
    %run_scoped3A_13 = arith.constant 3 : i32
    "tpu.region"() ({
      %run_scoped3A_16 = tpu.sem_alloc : memref<!tpu.dma_semaphore, #tpu.memory_space<semaphore_mem>>
      %dma_start3A = arith.constant 0 : i32
      %dma_start3A_17 = tpu.memref_slice %arg5[%run_scoped3A_13, %dma_start3A] : memref<4x128xi32, #tpu.memory_space<vmem>> -> memref<1x128xi32, #tpu.memory_space<vmem>>
      %dma_start3A_18 = tpu.memref_squeeze %dma_start3A_17 : memref<1x128xi32, #tpu.memory_space<vmem>> -> memref<128xi32, #tpu.memory_space<vmem>>
      %dma_start3A_19 = arith.constant 0 : i32
      %dma_start3A_20 = arith.constant 0 : i32
      %dma_start3A_21 = tpu.memref_slice %arg2[%dma_start3A_19, %dma_start3A_20] : memref<20480x512xf32, #tpu.memory_space<hbm>> -> memref<20480x512xf32, #tpu.memory_space<hbm>>
      tpu.enqueue_indirect_dma source(%dma_start3A_21 : memref<20480x512xf32, #tpu.memory_space<hbm>>) target(%arg6 : memref<128x512xf32, #tpu.memory_space<vmem>>) offsets(%dma_start3A_18 : memref<128xi32, #tpu.memory_space<vmem>>) semaphore(%run_scoped3A_16 : memref<!tpu.dma_semaphore, #tpu.memory_space<semaphore_mem>>)
      %dma_wait3A = arith.constant 0 : i32
      %dma_wait3A_22 = tpu.memref_slice %arg5[%run_scoped3A_13, %dma_wait3A] : memref<4x128xi32, #tpu.memory_space<vmem>> -> memref<1x128xi32, #tpu.memory_space<vmem>>
      %dma_wait3A_23 = tpu.memref_squeeze %dma_wait3A_22 : memref<1x128xi32, #tpu.memory_space<vmem>> -> memref<128xi32, #tpu.memory_space<vmem>>
      %dma_wait3A_24 = arith.constant 0 : i32
      %dma_wait3A_25 = arith.constant 0 : i32
      %dma_wait3A_26 = tpu.memref_slice %arg2[%dma_wait3A_24, %dma_wait3A_25] : memref<20480x512xf32, #tpu.memory_space<hbm>> -> memref<20480x512xf32, #tpu.memory_space<hbm>>
      tpu.wait_indirect_dma semaphore(%run_scoped3A_16 : memref<!tpu.dma_semaphore, #tpu.memory_space<semaphore_mem>>) src(%dma_wait3A_26 : memref<20480x512xf32, #tpu.memory_space<hbm>>) dst(%arg6 : memref<128x512xf32, #tpu.memory_space<vmem>>)
      tpu.yield
    }) : () -> ()
    %add3A_14 = arith.constant 384 : i32
    %add3A_15 = arith.addi %mul3A_2, %add3A_14 : i32
    "tpu.region"() ({
      %run_scoped3A_16 = tpu.sem_alloc : memref<!tpu.dma_semaphore, #tpu.memory_space<semaphore_mem>>
      %dma_start3A = arith.constant 0 : i32
      %dma_start3A_17 = tpu.memref_slice %arg4[%add3A_15, %dma_start3A] : memref<16384x512xf32, #tpu.memory_space<hbm>> -> memref<128x512xf32, #tpu.memory_space<hbm>>
      %dma_start3A_18 = arith.constant 0 : i32
      %dma_start3A_19 = tpu.memref_slice %arg4[%add3A_15, %dma_start3A_18] : memref<16384x512xf32, #tpu.memory_space<hbm>> -> memref<128x512xf32, #tpu.memory_space<hbm>>
      tpu.enqueue_dma source(%arg6 : memref<128x512xf32, #tpu.memory_space<vmem>>) target(%dma_start3A_19 : memref<128x512xf32, #tpu.memory_space<hbm>>) target_semaphore(%run_scoped3A_16 : memref<!tpu.dma_semaphore, #tpu.memory_space<semaphore_mem>>)
      %dma_wait3A = arith.constant 0 : i32
      %dma_wait3A_20 = tpu.memref_slice %arg4[%add3A_15, %dma_wait3A] : memref<16384x512xf32, #tpu.memory_space<hbm>> -> memref<128x512xf32, #tpu.memory_space<hbm>>
      %dma_wait3A_21 = arith.constant 0 : i32
      %dma_wait3A_22 = tpu.memref_slice %arg4[%add3A_15, %dma_wait3A_21] : memref<16384x512xf32, #tpu.memory_space<hbm>> -> memref<128x512xf32, #tpu.memory_space<hbm>>
      tpu.wait_dma2 semaphore(%run_scoped3A_16 : memref<!tpu.dma_semaphore, #tpu.memory_space<semaphore_mem>>) src(%arg6 : memref<128x512xf32, #tpu.memory_space<vmem>>) dst(%dma_wait3A_22 : memref<128x512xf32, #tpu.memory_space<hbm>>)
      tpu.yield
    }) : () -> ()
    return
  }
}

#map = affine_map<(d0, d1) -> (0, 0)>
module attributes {stable_mosaic.version = 14 : i64} {
  func.func @kern(%arg0: i32, %arg1: i32, %arg2: memref<8192x512xf32, #tpu.memory_space<hbm>>, %arg3: memref<128x128xi32, #tpu.memory_space<hbm>>, %arg4: memref<20480x512xf32, #tpu.memory_space<hbm>>, %arg5: memref<4x128xi32, #tpu.memory_space<vmem>>, %arg6: memref<128x512xf32, #tpu.memory_space<vmem>>) attributes {dimension_semantics = [#tpu.dimension_semantics<core_parallel>, #tpu.dimension_semantics<subcore_parallel>], iteration_bounds = array<i64: 2, 16>, scalar_prefetch = 0 : i64, scratch_operands = 2 : i64, tpu.core_type = #tpu.core_type<sc_vector_subcore>, window_params = [{transform_indices = #map}, {transform_indices = #map}, {transform_indices = #map}]} {
    %mul3A = arith.constant 2 : i32
    %mul3A_0 = arith.muli %arg1, %mul3A : i32
    %add3A = arith.addi %mul3A_0, %arg0 : i32
    %mul3A_1 = arith.constant 512 : i32
    %mul3A_2 = arith.muli %add3A, %mul3A_1 : i32
    %jit3A = arith.constant 8192 : i32
    %div3A = arith.divsi %mul3A_2, %jit3A : i32
    %sign3A = arith.constant 0 : i32
    %sign3A_3 = arith.cmpi sgt, %mul3A_2, %sign3A : i32
    %sign3A_4 = arith.extui %sign3A_3 : i1 to i32
    %sign3A_5 = arith.constant 0 : i32
    %sign3A_6 = arith.cmpi slt, %mul3A_2, %sign3A_5 : i32
    %sign3A_7 = arith.extui %sign3A_6 : i1 to i32
    %sign3A_8 = arith.subi %sign3A_4, %sign3A_7 : i32
    %sign3A_9 = arith.constant 0 : i32
    %sign3A_10 = arith.cmpi sgt, %jit3A, %sign3A_9 : i32
    %sign3A_11 = arith.extui %sign3A_10 : i1 to i32
    %sign3A_12 = arith.constant 0 : i32
    %sign3A_13 = arith.cmpi slt, %jit3A, %sign3A_12 : i32
    %sign3A_14 = arith.extui %sign3A_13 : i1 to i32
    %sign3A_15 = arith.subi %sign3A_11, %sign3A_14 : i32
    %ne3A = arith.cmpi ne, %sign3A_8, %sign3A_15 : i32
    %rem3A = arith.remsi %mul3A_2, %jit3A : i32
    %ne3A_16 = arith.constant 0 : i32
    %ne3A_17 = arith.cmpi ne, %rem3A, %ne3A_16 : i32
    %and3A = arith.andi %ne3A, %ne3A_17 : i1
    %sub3A = arith.constant 1 : i32
    %sub3A_18 = arith.subi %div3A, %sub3A : i32
    %select_n3A = arith.select %and3A, %sub3A_18, %div3A : i32
    %mul3A_19 = arith.constant 8192 : i32
    %mul3A_20 = arith.muli %mul3A_19, %select_n3A : i32
    %sub3A_21 = arith.subi %mul3A_2, %mul3A_20 : i32
    %mul3A_22 = arith.constant 4 : i32
    %mul3A_23 = arith.muli %add3A, %mul3A_22 : i32
    "tpu.region"() ({
      %run_scoped3A_35 = tpu.sem_alloc : memref<!tpu.dma_semaphore, #tpu.memory_space<semaphore_mem>>
      %dma_start3A = arith.constant 0 : i32
      %dma_start3A_36 = tpu.memref_slice %arg3[%mul3A_23, %dma_start3A] : memref<128x128xi32, #tpu.memory_space<hbm>> -> memref<4x128xi32, #tpu.memory_space<hbm>>
      %dma_start3A_37 = arith.constant 0 : i32
      %dma_start3A_38 = tpu.memref_slice %arg3[%mul3A_23, %dma_start3A_37] : memref<128x128xi32, #tpu.memory_space<hbm>> -> memref<4x128xi32, #tpu.memory_space<hbm>>
      tpu.enqueue_dma source(%dma_start3A_38 : memref<4x128xi32, #tpu.memory_space<hbm>>) target(%arg5 : memref<4x128xi32, #tpu.memory_space<vmem>>) target_semaphore(%run_scoped3A_35 : memref<!tpu.dma_semaphore, #tpu.memory_space<semaphore_mem>>)
      %dma_wait3A = arith.constant 0 : i32
      %dma_wait3A_39 = tpu.memref_slice %arg3[%mul3A_23, %dma_wait3A] : memref<128x128xi32, #tpu.memory_space<hbm>> -> memref<4x128xi32, #tpu.memory_space<hbm>>
      %dma_wait3A_40 = arith.constant 0 : i32
      %dma_wait3A_41 = tpu.memref_slice %arg3[%mul3A_23, %dma_wait3A_40] : memref<128x128xi32, #tpu.memory_space<hbm>> -> memref<4x128xi32, #tpu.memory_space<hbm>>
      tpu.wait_dma2 semaphore(%run_scoped3A_35 : memref<!tpu.dma_semaphore, #tpu.memory_space<semaphore_mem>>) src(%dma_wait3A_41 : memref<4x128xi32, #tpu.memory_space<hbm>>) dst(%arg5 : memref<4x128xi32, #tpu.memory_space<vmem>>)
      tpu.yield
    }) : () -> ()
    %add3A_24 = arith.constant 0 : i32
    %add3A_25 = arith.addi %sub3A_21, %add3A_24 : i32
    "tpu.region"() ({
      %run_scoped3A_35 = tpu.sem_alloc : memref<!tpu.dma_semaphore, #tpu.memory_space<semaphore_mem>>
      %dma_start3A = arith.constant 0 : i32
      %dma_start3A_36 = tpu.memref_slice %arg2[%add3A_25, %dma_start3A] : memref<8192x512xf32, #tpu.memory_space<hbm>> -> memref<128x512xf32, #tpu.memory_space<hbm>>
      %dma_start3A_37 = arith.constant 0 : i32
      %dma_start3A_38 = tpu.memref_slice %arg2[%add3A_25, %dma_start3A_37] : memref<8192x512xf32, #tpu.memory_space<hbm>> -> memref<128x512xf32, #tpu.memory_space<hbm>>
      tpu.enqueue_dma source(%dma_start3A_38 : memref<128x512xf32, #tpu.memory_space<hbm>>) target(%arg6 : memref<128x512xf32, #tpu.memory_space<vmem>>) target_semaphore(%run_scoped3A_35 : memref<!tpu.dma_semaphore, #tpu.memory_space<semaphore_mem>>)
      %dma_wait3A = arith.constant 0 : i32
      %dma_wait3A_39 = tpu.memref_slice %arg2[%add3A_25, %dma_wait3A] : memref<8192x512xf32, #tpu.memory_space<hbm>> -> memref<128x512xf32, #tpu.memory_space<hbm>>
      %dma_wait3A_40 = arith.constant 0 : i32
      %dma_wait3A_41 = tpu.memref_slice %arg2[%add3A_25, %dma_wait3A_40] : memref<8192x512xf32, #tpu.memory_space<hbm>> -> memref<128x512xf32, #tpu.memory_space<hbm>>
      tpu.wait_dma2 semaphore(%run_scoped3A_35 : memref<!tpu.dma_semaphore, #tpu.memory_space<semaphore_mem>>) src(%dma_wait3A_41 : memref<128x512xf32, #tpu.memory_space<hbm>>) dst(%arg6 : memref<128x512xf32, #tpu.memory_space<vmem>>)
      tpu.yield
    }) : () -> ()
    %run_scoped3A = arith.constant 0 : i32
    "tpu.region"() ({
      %run_scoped3A_35 = tpu.sem_alloc : memref<!tpu.dma_semaphore, #tpu.memory_space<semaphore_mem>>
      %dma_start3A = arith.constant 0 : i32
      %dma_start3A_36 = tpu.memref_slice %arg5[%run_scoped3A, %dma_start3A] : memref<4x128xi32, #tpu.memory_space<vmem>> -> memref<1x128xi32, #tpu.memory_space<vmem>>
      %dma_start3A_37 = tpu.memref_squeeze %dma_start3A_36 : memref<1x128xi32, #tpu.memory_space<vmem>> -> memref<128xi32, #tpu.memory_space<vmem>>
      %dma_start3A_38 = arith.constant 0 : i32
      %dma_start3A_39 = arith.constant 0 : i32
      %dma_start3A_40 = tpu.memref_slice %arg4[%dma_start3A_38, %dma_start3A_39] : memref<20480x512xf32, #tpu.memory_space<hbm>> -> memref<20480x512xf32, #tpu.memory_space<hbm>>
      tpu.enqueue_indirect_dma source(%arg6 : memref<128x512xf32, #tpu.memory_space<vmem>>) target(%dma_start3A_40 : memref<20480x512xf32, #tpu.memory_space<hbm>>) offsets(%dma_start3A_37 : memref<128xi32, #tpu.memory_space<vmem>>) semaphore(%run_scoped3A_35 : memref<!tpu.dma_semaphore, #tpu.memory_space<semaphore_mem>>)
      %dma_wait3A = arith.constant 0 : i32
      %dma_wait3A_41 = tpu.memref_slice %arg5[%run_scoped3A, %dma_wait3A] : memref<4x128xi32, #tpu.memory_space<vmem>> -> memref<1x128xi32, #tpu.memory_space<vmem>>
      %dma_wait3A_42 = tpu.memref_squeeze %dma_wait3A_41 : memref<1x128xi32, #tpu.memory_space<vmem>> -> memref<128xi32, #tpu.memory_space<vmem>>
      %dma_wait3A_43 = arith.constant 0 : i32
      %dma_wait3A_44 = arith.constant 0 : i32
      %dma_wait3A_45 = tpu.memref_slice %arg4[%dma_wait3A_43, %dma_wait3A_44] : memref<20480x512xf32, #tpu.memory_space<hbm>> -> memref<20480x512xf32, #tpu.memory_space<hbm>>
      tpu.wait_indirect_dma semaphore(%run_scoped3A_35 : memref<!tpu.dma_semaphore, #tpu.memory_space<semaphore_mem>>) src(%arg6 : memref<128x512xf32, #tpu.memory_space<vmem>>) dst(%dma_wait3A_45 : memref<20480x512xf32, #tpu.memory_space<hbm>>)
      tpu.yield
    }) : () -> ()
    %add3A_26 = arith.constant 128 : i32
    %add3A_27 = arith.addi %sub3A_21, %add3A_26 : i32
    "tpu.region"() ({
      %run_scoped3A_35 = tpu.sem_alloc : memref<!tpu.dma_semaphore, #tpu.memory_space<semaphore_mem>>
      %dma_start3A = arith.constant 0 : i32
      %dma_start3A_36 = tpu.memref_slice %arg2[%add3A_27, %dma_start3A] : memref<8192x512xf32, #tpu.memory_space<hbm>> -> memref<128x512xf32, #tpu.memory_space<hbm>>
      %dma_start3A_37 = arith.constant 0 : i32
      %dma_start3A_38 = tpu.memref_slice %arg2[%add3A_27, %dma_start3A_37] : memref<8192x512xf32, #tpu.memory_space<hbm>> -> memref<128x512xf32, #tpu.memory_space<hbm>>
      tpu.enqueue_dma source(%dma_start3A_38 : memref<128x512xf32, #tpu.memory_space<hbm>>) target(%arg6 : memref<128x512xf32, #tpu.memory_space<vmem>>) target_semaphore(%run_scoped3A_35 : memref<!tpu.dma_semaphore, #tpu.memory_space<semaphore_mem>>)
      %dma_wait3A = arith.constant 0 : i32
      %dma_wait3A_39 = tpu.memref_slice %arg2[%add3A_27, %dma_wait3A] : memref<8192x512xf32, #tpu.memory_space<hbm>> -> memref<128x512xf32, #tpu.memory_space<hbm>>
      %dma_wait3A_40 = arith.constant 0 : i32
      %dma_wait3A_41 = tpu.memref_slice %arg2[%add3A_27, %dma_wait3A_40] : memref<8192x512xf32, #tpu.memory_space<hbm>> -> memref<128x512xf32, #tpu.memory_space<hbm>>
      tpu.wait_dma2 semaphore(%run_scoped3A_35 : memref<!tpu.dma_semaphore, #tpu.memory_space<semaphore_mem>>) src(%dma_wait3A_41 : memref<128x512xf32, #tpu.memory_space<hbm>>) dst(%arg6 : memref<128x512xf32, #tpu.memory_space<vmem>>)
      tpu.yield
    }) : () -> ()
    %run_scoped3A_28 = arith.constant 1 : i32
    "tpu.region"() ({
      %run_scoped3A_35 = tpu.sem_alloc : memref<!tpu.dma_semaphore, #tpu.memory_space<semaphore_mem>>
      %dma_start3A = arith.constant 0 : i32
      %dma_start3A_36 = tpu.memref_slice %arg5[%run_scoped3A_28, %dma_start3A] : memref<4x128xi32, #tpu.memory_space<vmem>> -> memref<1x128xi32, #tpu.memory_space<vmem>>
      %dma_start3A_37 = tpu.memref_squeeze %dma_start3A_36 : memref<1x128xi32, #tpu.memory_space<vmem>> -> memref<128xi32, #tpu.memory_space<vmem>>
      %dma_start3A_38 = arith.constant 0 : i32
      %dma_start3A_39 = arith.constant 0 : i32
      %dma_start3A_40 = tpu.memref_slice %arg4[%dma_start3A_38, %dma_start3A_39] : memref<20480x512xf32, #tpu.memory_space<hbm>> -> memref<20480x512xf32, #tpu.memory_space<hbm>>
      tpu.enqueue_indirect_dma source(%arg6 : memref<128x512xf32, #tpu.memory_space<vmem>>) target(%dma_start3A_40 : memref<20480x512xf32, #tpu.memory_space<hbm>>) offsets(%dma_start3A_37 : memref<128xi32, #tpu.memory_space<vmem>>) semaphore(%run_scoped3A_35 : memref<!tpu.dma_semaphore, #tpu.memory_space<semaphore_mem>>)
      %dma_wait3A = arith.constant 0 : i32
      %dma_wait3A_41 = tpu.memref_slice %arg5[%run_scoped3A_28, %dma_wait3A] : memref<4x128xi32, #tpu.memory_space<vmem>> -> memref<1x128xi32, #tpu.memory_space<vmem>>
      %dma_wait3A_42 = tpu.memref_squeeze %dma_wait3A_41 : memref<1x128xi32, #tpu.memory_space<vmem>> -> memref<128xi32, #tpu.memory_space<vmem>>
      %dma_wait3A_43 = arith.constant 0 : i32
      %dma_wait3A_44 = arith.constant 0 : i32
      %dma_wait3A_45 = tpu.memref_slice %arg4[%dma_wait3A_43, %dma_wait3A_44] : memref<20480x512xf32, #tpu.memory_space<hbm>> -> memref<20480x512xf32, #tpu.memory_space<hbm>>
      tpu.wait_indirect_dma semaphore(%run_scoped3A_35 : memref<!tpu.dma_semaphore, #tpu.memory_space<semaphore_mem>>) src(%arg6 : memref<128x512xf32, #tpu.memory_space<vmem>>) dst(%dma_wait3A_45 : memref<20480x512xf32, #tpu.memory_space<hbm>>)
      tpu.yield
    }) : () -> ()
    %add3A_29 = arith.constant 256 : i32
    %add3A_30 = arith.addi %sub3A_21, %add3A_29 : i32
    "tpu.region"() ({
      %run_scoped3A_35 = tpu.sem_alloc : memref<!tpu.dma_semaphore, #tpu.memory_space<semaphore_mem>>
      %dma_start3A = arith.constant 0 : i32
      %dma_start3A_36 = tpu.memref_slice %arg2[%add3A_30, %dma_start3A] : memref<8192x512xf32, #tpu.memory_space<hbm>> -> memref<128x512xf32, #tpu.memory_space<hbm>>
      %dma_start3A_37 = arith.constant 0 : i32
      %dma_start3A_38 = tpu.memref_slice %arg2[%add3A_30, %dma_start3A_37] : memref<8192x512xf32, #tpu.memory_space<hbm>> -> memref<128x512xf32, #tpu.memory_space<hbm>>
      tpu.enqueue_dma source(%dma_start3A_38 : memref<128x512xf32, #tpu.memory_space<hbm>>) target(%arg6 : memref<128x512xf32, #tpu.memory_space<vmem>>) target_semaphore(%run_scoped3A_35 : memref<!tpu.dma_semaphore, #tpu.memory_space<semaphore_mem>>)
      %dma_wait3A = arith.constant 0 : i32
      %dma_wait3A_39 = tpu.memref_slice %arg2[%add3A_30, %dma_wait3A] : memref<8192x512xf32, #tpu.memory_space<hbm>> -> memref<128x512xf32, #tpu.memory_space<hbm>>
      %dma_wait3A_40 = arith.constant 0 : i32
      %dma_wait3A_41 = tpu.memref_slice %arg2[%add3A_30, %dma_wait3A_40] : memref<8192x512xf32, #tpu.memory_space<hbm>> -> memref<128x512xf32, #tpu.memory_space<hbm>>
      tpu.wait_dma2 semaphore(%run_scoped3A_35 : memref<!tpu.dma_semaphore, #tpu.memory_space<semaphore_mem>>) src(%dma_wait3A_41 : memref<128x512xf32, #tpu.memory_space<hbm>>) dst(%arg6 : memref<128x512xf32, #tpu.memory_space<vmem>>)
      tpu.yield
    }) : () -> ()
    %run_scoped3A_31 = arith.constant 2 : i32
    "tpu.region"() ({
      %run_scoped3A_35 = tpu.sem_alloc : memref<!tpu.dma_semaphore, #tpu.memory_space<semaphore_mem>>
      %dma_start3A = arith.constant 0 : i32
      %dma_start3A_36 = tpu.memref_slice %arg5[%run_scoped3A_31, %dma_start3A] : memref<4x128xi32, #tpu.memory_space<vmem>> -> memref<1x128xi32, #tpu.memory_space<vmem>>
      %dma_start3A_37 = tpu.memref_squeeze %dma_start3A_36 : memref<1x128xi32, #tpu.memory_space<vmem>> -> memref<128xi32, #tpu.memory_space<vmem>>
      %dma_start3A_38 = arith.constant 0 : i32
      %dma_start3A_39 = arith.constant 0 : i32
      %dma_start3A_40 = tpu.memref_slice %arg4[%dma_start3A_38, %dma_start3A_39] : memref<20480x512xf32, #tpu.memory_space<hbm>> -> memref<20480x512xf32, #tpu.memory_space<hbm>>
      tpu.enqueue_indirect_dma source(%arg6 : memref<128x512xf32, #tpu.memory_space<vmem>>) target(%dma_start3A_40 : memref<20480x512xf32, #tpu.memory_space<hbm>>) offsets(%dma_start3A_37 : memref<128xi32, #tpu.memory_space<vmem>>) semaphore(%run_scoped3A_35 : memref<!tpu.dma_semaphore, #tpu.memory_space<semaphore_mem>>)
      %dma_wait3A = arith.constant 0 : i32
      %dma_wait3A_41 = tpu.memref_slice %arg5[%run_scoped3A_31, %dma_wait3A] : memref<4x128xi32, #tpu.memory_space<vmem>> -> memref<1x128xi32, #tpu.memory_space<vmem>>
      %dma_wait3A_42 = tpu.memref_squeeze %dma_wait3A_41 : memref<1x128xi32, #tpu.memory_space<vmem>> -> memref<128xi32, #tpu.memory_space<vmem>>
      %dma_wait3A_43 = arith.constant 0 : i32
      %dma_wait3A_44 = arith.constant 0 : i32
      %dma_wait3A_45 = tpu.memref_slice %arg4[%dma_wait3A_43, %dma_wait3A_44] : memref<20480x512xf32, #tpu.memory_space<hbm>> -> memref<20480x512xf32, #tpu.memory_space<hbm>>
      tpu.wait_indirect_dma semaphore(%run_scoped3A_35 : memref<!tpu.dma_semaphore, #tpu.memory_space<semaphore_mem>>) src(%arg6 : memref<128x512xf32, #tpu.memory_space<vmem>>) dst(%dma_wait3A_45 : memref<20480x512xf32, #tpu.memory_space<hbm>>)
      tpu.yield
    }) : () -> ()
    %add3A_32 = arith.constant 384 : i32
    %add3A_33 = arith.addi %sub3A_21, %add3A_32 : i32
    "tpu.region"() ({
      %run_scoped3A_35 = tpu.sem_alloc : memref<!tpu.dma_semaphore, #tpu.memory_space<semaphore_mem>>
      %dma_start3A = arith.constant 0 : i32
      %dma_start3A_36 = tpu.memref_slice %arg2[%add3A_33, %dma_start3A] : memref<8192x512xf32, #tpu.memory_space<hbm>> -> memref<128x512xf32, #tpu.memory_space<hbm>>
      %dma_start3A_37 = arith.constant 0 : i32
      %dma_start3A_38 = tpu.memref_slice %arg2[%add3A_33, %dma_start3A_37] : memref<8192x512xf32, #tpu.memory_space<hbm>> -> memref<128x512xf32, #tpu.memory_space<hbm>>
      tpu.enqueue_dma source(%dma_start3A_38 : memref<128x512xf32, #tpu.memory_space<hbm>>) target(%arg6 : memref<128x512xf32, #tpu.memory_space<vmem>>) target_semaphore(%run_scoped3A_35 : memref<!tpu.dma_semaphore, #tpu.memory_space<semaphore_mem>>)
      %dma_wait3A = arith.constant 0 : i32
      %dma_wait3A_39 = tpu.memref_slice %arg2[%add3A_33, %dma_wait3A] : memref<8192x512xf32, #tpu.memory_space<hbm>> -> memref<128x512xf32, #tpu.memory_space<hbm>>
      %dma_wait3A_40 = arith.constant 0 : i32
      %dma_wait3A_41 = tpu.memref_slice %arg2[%add3A_33, %dma_wait3A_40] : memref<8192x512xf32, #tpu.memory_space<hbm>> -> memref<128x512xf32, #tpu.memory_space<hbm>>
      tpu.wait_dma2 semaphore(%run_scoped3A_35 : memref<!tpu.dma_semaphore, #tpu.memory_space<semaphore_mem>>) src(%dma_wait3A_41 : memref<128x512xf32, #tpu.memory_space<hbm>>) dst(%arg6 : memref<128x512xf32, #tpu.memory_space<vmem>>)
      tpu.yield
    }) : () -> ()
    %run_scoped3A_34 = arith.constant 3 : i32
    "tpu.region"() ({
      %run_scoped3A_35 = tpu.sem_alloc : memref<!tpu.dma_semaphore, #tpu.memory_space<semaphore_mem>>
      %dma_start3A = arith.constant 0 : i32
      %dma_start3A_36 = tpu.memref_slice %arg5[%run_scoped3A_34, %dma_start3A] : memref<4x128xi32, #tpu.memory_space<vmem>> -> memref<1x128xi32, #tpu.memory_space<vmem>>
      %dma_start3A_37 = tpu.memref_squeeze %dma_start3A_36 : memref<1x128xi32, #tpu.memory_space<vmem>> -> memref<128xi32, #tpu.memory_space<vmem>>
      %dma_start3A_38 = arith.constant 0 : i32
      %dma_start3A_39 = arith.constant 0 : i32
      %dma_start3A_40 = tpu.memref_slice %arg4[%dma_start3A_38, %dma_start3A_39] : memref<20480x512xf32, #tpu.memory_space<hbm>> -> memref<20480x512xf32, #tpu.memory_space<hbm>>
      tpu.enqueue_indirect_dma source(%arg6 : memref<128x512xf32, #tpu.memory_space<vmem>>) target(%dma_start3A_40 : memref<20480x512xf32, #tpu.memory_space<hbm>>) offsets(%dma_start3A_37 : memref<128xi32, #tpu.memory_space<vmem>>) semaphore(%run_scoped3A_35 : memref<!tpu.dma_semaphore, #tpu.memory_space<semaphore_mem>>)
      %dma_wait3A = arith.constant 0 : i32
      %dma_wait3A_41 = tpu.memref_slice %arg5[%run_scoped3A_34, %dma_wait3A] : memref<4x128xi32, #tpu.memory_space<vmem>> -> memref<1x128xi32, #tpu.memory_space<vmem>>
      %dma_wait3A_42 = tpu.memref_squeeze %dma_wait3A_41 : memref<1x128xi32, #tpu.memory_space<vmem>> -> memref<128xi32, #tpu.memory_space<vmem>>
      %dma_wait3A_43 = arith.constant 0 : i32
      %dma_wait3A_44 = arith.constant 0 : i32
      %dma_wait3A_45 = tpu.memref_slice %arg4[%dma_wait3A_43, %dma_wait3A_44] : memref<20480x512xf32, #tpu.memory_space<hbm>> -> memref<20480x512xf32, #tpu.memory_space<hbm>>
      tpu.wait_indirect_dma semaphore(%run_scoped3A_35 : memref<!tpu.dma_semaphore, #tpu.memory_space<semaphore_mem>>) src(%arg6 : memref<128x512xf32, #tpu.memory_space<vmem>>) dst(%dma_wait3A_45 : memref<20480x512xf32, #tpu.memory_space<hbm>>)
      tpu.yield
    }) : () -> ()
    return
  }
}

module attributes {stable_mosaic.version = 14 : i64} {
  func.func @_plan_body(%arg0: memref<4096x1024xbf16, #tpu.memory_space<vmem>>, %arg1: memref<8x1024xf32, #tpu.memory_space<vmem>>, %arg2: memref<8x1xf32, #tpu.memory_space<vmem>>, %arg3: memref<2x4096xf32, #tpu.memory_space<vmem>>, %arg4: memref<64x128xi32, #tpu.memory_space<vmem>>, %arg5: memref<64x128xi32, #tpu.memory_space<vmem>>, %arg6: memref<1x40xi32, #tpu.memory_space<vmem>>, %arg7: memref<1x1xf32, #tpu.memory_space<vmem>>, %arg8: memref<8x8192xf32, #tpu.memory_space<vmem>>, %arg9: memref<8x8192xf32, #tpu.memory_space<vmem>>) attributes {dimension_semantics = [], scalar_prefetch = 0 : i64, scratch_operands = 2 : i64, tpu.core_type = #tpu.core_type<tc>} {
    %get3A = arith.constant 0 : index
    %get3A_0 = arith.constant 0 : index
    %get3A_1 = vector.load %arg1[%get3A, %get3A_0] : memref<8x1024xf32, #tpu.memory_space<vmem>>, vector<8x1024xf32>
    %convert_element_type3A = arith.truncf %get3A_1 : vector<8x1024xf32> to vector<8x1024xbf16>
    %get3A_2 = arith.constant 0 : index
    %get3A_3 = arith.constant 0 : index
    %get3A_4 = vector.load %arg0[%get3A_2, %get3A_3] : memref<4096x1024xbf16, #tpu.memory_space<vmem>>, vector<4096x1024xbf16>
    %dot_general3A = arith.constant dense<0.000000e+00> : vector<8x4096xf32>
    %dot_general3A_5 = tpu.matmul %convert_element_type3A, %get3A_4, %dot_general3A {dimension_numbers = #tpu.dot_dimension_numbers<[1], [1], [0], [0], [0, 0, 1, 0], [], []>, transpose_lhs_hint = false} : vector<8x1024xbf16>, vector<4096x1024xbf16>, vector<8x4096xf32> -> vector<8x4096xf32>
    %neg3A = arith.constant 0.000000e+00 : f32
    %neg3A_6 = vector.broadcast %neg3A : f32 to vector<8x4096xf32>
    %neg3A_7 = arith.subf %neg3A_6, %dot_general3A_5 : vector<8x4096xf32>
    %exp3A = math.exp %neg3A_7 : vector<8x4096xf32>
    %add3A = arith.constant 1.000000e+00 : f32
    %add3A_8 = vector.broadcast %add3A : f32 to vector<8x4096xf32>
    %add3A_9 = arith.addf %add3A_8, %exp3A : vector<8x4096xf32>
    %div3A = arith.constant 1.000000e+00 : f32
    %div3A_10 = vector.broadcast %div3A : f32 to vector<8x4096xf32>
    %div3A_11 = arith.divf %div3A_10, %add3A_9 : vector<8x4096xf32>
    %get3A_12 = arith.constant 0 : index
    %get3A_13 = arith.constant 0 : index
    %get3A_14 = vector.load %arg2[%get3A_12, %get3A_13] : memref<8x1xf32, #tpu.memory_space<vmem>>, vector<8x1xf32>
    %add3A_15 = vector.broadcast %get3A_14 : vector<8x1xf32> to vector<8x4096xf32>
    %add3A_16 = arith.addf %div3A_11, %add3A_15 : vector<8x4096xf32>
    %iota3A = tpu.iota {dimensions = array<i32: 0>} : vector<8x4096xi32>
    %reduce_max3A = arith.constant dense<0xFF800000> : vector<4096xf32>
    %reduce_max3A_17 = vector.multi_reduction <maximumf>, %add3A_16, %reduce_max3A [0] : vector<8x4096xf32> to vector<4096xf32>
    %broadcast_in_dim3A = vector.shape_cast %reduce_max3A_17 : vector<4096xf32> to vector<1x4096xf32>
    %eq3A = vector.broadcast %broadcast_in_dim3A : vector<1x4096xf32> to vector<8x4096xf32>
    %eq3A_18 = arith.cmpf oeq, %add3A_16, %eq3A : vector<8x4096xf32>
    %jit3A = arith.constant 8 : i32
    %broadcast_in_dim3A_19 = vector.broadcast %jit3A : i32 to vector<8x4096xi32>
    %select_n3A = arith.select %eq3A_18, %iota3A, %broadcast_in_dim3A_19 : vector<8x4096xi1>, vector<8x4096xi32>
    %reduce_min3A = arith.constant dense<2147483647> : vector<4096xi32>
    %reduce_min3A_20 = vector.multi_reduction <minsi>, %select_n3A, %reduce_min3A [0] : vector<8x4096xi32> to vector<4096xi32>
    %broadcast_in_dim3A_21 = vector.shape_cast %reduce_min3A_20 : vector<4096xi32> to vector<1x4096xi32>
    %eq3A_22 = vector.broadcast %broadcast_in_dim3A_21 : vector<1x4096xi32> to vector<8x4096xi32>
    %eq3A_23 = arith.cmpi eq, %iota3A, %eq3A_22 : vector<8x4096xi32>
    %jit3A_24 = arith.constant 0xFF800000 : f32
    %broadcast_in_dim3A_25 = vector.broadcast %jit3A_24 : f32 to vector<8x4096xf32>
    %select_n3A_26 = arith.select %eq3A_23, %broadcast_in_dim3A_25, %add3A_16 : vector<8x4096xi1>, vector<8x4096xf32>
    %reduce_max3A_27 = arith.constant dense<0xFF800000> : vector<4096xf32>
    %reduce_max3A_28 = vector.multi_reduction <maximumf>, %select_n3A_26, %reduce_max3A_27 [0] : vector<8x4096xf32> to vector<4096xf32>
    %broadcast_in_dim3A_29 = vector.shape_cast %reduce_max3A_28 : vector<4096xf32> to vector<1x4096xf32>
    %eq3A_30 = vector.broadcast %broadcast_in_dim3A_29 : vector<1x4096xf32> to vector<8x4096xf32>
    %eq3A_31 = arith.cmpf oeq, %select_n3A_26, %eq3A_30 : vector<8x4096xf32>
    %jit3A_32 = arith.constant 8 : i32
    %broadcast_in_dim3A_33 = vector.broadcast %jit3A_32 : i32 to vector<8x4096xi32>
    %select_n3A_34 = arith.select %eq3A_31, %iota3A, %broadcast_in_dim3A_33 : vector<8x4096xi1>, vector<8x4096xi32>
    %reduce_min3A_35 = arith.constant dense<2147483647> : vector<4096xi32>
    %reduce_min3A_36 = vector.multi_reduction <minsi>, %select_n3A_34, %reduce_min3A_35 [0] : vector<8x4096xi32> to vector<4096xi32>
    %broadcast_in_dim3A_37 = vector.shape_cast %reduce_min3A_36 : vector<4096xi32> to vector<1x4096xi32>
    %eq3A_38 = vector.broadcast %broadcast_in_dim3A_21 : vector<1x4096xi32> to vector<8x4096xi32>
    %eq3A_39 = arith.cmpi eq, %iota3A, %eq3A_38 : vector<8x4096xi32>
    %convert_element_type3A_40 = arith.extui %eq3A_39 : vector<8x4096xi1> to vector<8x4096xi32>
    %convert_element_type3A_41 = arith.sitofp %convert_element_type3A_40 : vector<8x4096xi32> to vector<8x4096xf32>
    %eq3A_42 = vector.broadcast %broadcast_in_dim3A_37 : vector<1x4096xi32> to vector<8x4096xi32>
    %eq3A_43 = arith.cmpi eq, %iota3A, %eq3A_42 : vector<8x4096xi32>
    %convert_element_type3A_44 = arith.extui %eq3A_43 : vector<8x4096xi1> to vector<8x4096xi32>
    %convert_element_type3A_45 = arith.sitofp %convert_element_type3A_44 : vector<8x4096xi32> to vector<8x4096xf32>
    %mul3A = arith.mulf %div3A_11, %convert_element_type3A_41 : vector<8x4096xf32>
    %reduce_sum3A = arith.constant dense<0.000000e+00> : vector<4096xf32>
    %reduce_sum3A_46 = vector.multi_reduction <add>, %mul3A, %reduce_sum3A [0] : vector<8x4096xf32> to vector<4096xf32>
    %broadcast_in_dim3A_47 = vector.shape_cast %reduce_sum3A_46 : vector<4096xf32> to vector<1x4096xf32>
    %mul3A_48 = arith.mulf %div3A_11, %convert_element_type3A_45 : vector<8x4096xf32>
    %reduce_sum3A_49 = arith.constant dense<0.000000e+00> : vector<4096xf32>
    %reduce_sum3A_50 = vector.multi_reduction <add>, %mul3A_48, %reduce_sum3A_49 [0] : vector<8x4096xf32> to vector<4096xf32>
    %broadcast_in_dim3A_51 = vector.shape_cast %reduce_sum3A_50 : vector<4096xf32> to vector<1x4096xf32>
    %add3A_52 = arith.addf %broadcast_in_dim3A_47, %broadcast_in_dim3A_51 : vector<1x4096xf32>
    %add3A_53 = arith.constant 9.99999971E-10 : f32
    %add3A_54 = vector.broadcast %add3A_53 : f32 to vector<1x4096xf32>
    %add3A_55 = arith.addf %add3A_52, %add3A_54 : vector<1x4096xf32>
    %div3A_56 = arith.divf %broadcast_in_dim3A_47, %add3A_55 : vector<1x4096xf32>
    %swap3A = arith.constant 0 : index
    %swap3A_57 = arith.constant 0 : index
    %swap3A_58 = vector.load %arg3[%swap3A, %swap3A_57] : memref<2x4096xf32, #tpu.memory_space<vmem>>, vector<1x4096xf32>
    tpu.vector_store %arg3[%swap3A, %swap3A_57], %div3A_56 {strides = array<i32>} : memref<2x4096xf32, #tpu.memory_space<vmem>>, vector<1x4096xf32>,
    %div3A_59 = arith.divf %broadcast_in_dim3A_51, %add3A_55 : vector<1x4096xf32>
    %swap3A_60 = arith.constant 1 : index
    %swap3A_61 = arith.constant 0 : index
    %swap3A_62 = vector.load %arg3[%swap3A_60, %swap3A_61] : memref<2x4096xf32, #tpu.memory_space<vmem>>, vector<1x4096xf32>
    tpu.vector_store %arg3[%swap3A_60, %swap3A_61], %div3A_59 {strides = array<i32>} : memref<2x4096xf32, #tpu.memory_space<vmem>>, vector<1x4096xf32>,
    %iota3A_63 = tpu.iota {dimensions = array<i32: 1>} : vector<1x4096xi32>
    %lt3A = arith.constant 2048 : i32
    %lt3A_64 = vector.broadcast %lt3A : i32 to vector<1x4096xi32>
    %lt3A_65 = arith.cmpi slt, %iota3A_63, %lt3A_64 : vector<1x4096xi32>
    %convert_element_type3A_66 = arith.extui %lt3A_65 : vector<1x4096xi1> to vector<1x4096xi32>
    %convert_element_type3A_67 = arith.sitofp %convert_element_type3A_66 : vector<1x4096xi32> to vector<1x4096xf32>
    %add3A_68 = arith.addf %convert_element_type3A_41, %convert_element_type3A_45 : vector<8x4096xf32>
    %reduce_sum3A_69 = arith.constant dense<0.000000e+00> : vector<4096xf32>
    %reduce_sum3A_70 = vector.multi_reduction <add>, %div3A_11, %reduce_sum3A_69 [0] : vector<8x4096xf32> to vector<4096xf32>
    %broadcast_in_dim3A_71 = vector.shape_cast %reduce_sum3A_70 : vector<4096xf32> to vector<1x4096xf32>
    %add3A_72 = arith.constant 9.99999971E-10 : f32
    %add3A_73 = vector.broadcast %add3A_72 : f32 to vector<1x4096xf32>
    %add3A_74 = arith.addf %broadcast_in_dim3A_71, %add3A_73 : vector<1x4096xf32>
    %div3A_75 = vector.broadcast %add3A_74 : vector<1x4096xf32> to vector<8x4096xf32>
    %div3A_76 = arith.divf %div3A_11, %div3A_75 : vector<8x4096xf32>
    %mul3A_77 = vector.broadcast %convert_element_type3A_67 : vector<1x4096xf32> to vector<8x4096xf32>
    %mul3A_78 = arith.mulf %add3A_68, %mul3A_77 : vector<8x4096xf32>
    %reduce_sum3A_79 = arith.constant dense<0.000000e+00> : vector<8xf32>
    %reduce_sum3A_80 = vector.multi_reduction <add>, %mul3A_78, %reduce_sum3A_79 [1] : vector<8x4096xf32> to vector<8xf32>
    %broadcast_in_dim3A_81 = vector.shape_cast %reduce_sum3A_80 : vector<8xf32> to vector<8x1xf32>
    %sub3A = arith.constant 1.000000e+00 : f32
    %sub3A_82 = vector.broadcast %sub3A : f32 to vector<1x4096xf32>
    %sub3A_83 = arith.subf %sub3A_82, %convert_element_type3A_67 : vector<1x4096xf32>
    %mul3A_84 = vector.broadcast %sub3A_83 : vector<1x4096xf32> to vector<8x4096xf32>
    %mul3A_85 = arith.mulf %add3A_68, %mul3A_84 : vector<8x4096xf32>
    %reduce_sum3A_86 = arith.constant dense<0.000000e+00> : vector<8xf32>
    %reduce_sum3A_87 = vector.multi_reduction <add>, %mul3A_85, %reduce_sum3A_86 [1] : vector<8x4096xf32> to vector<8xf32>
    %broadcast_in_dim3A_88 = vector.shape_cast %reduce_sum3A_87 : vector<8xf32> to vector<8x1xf32>
    %mul3A_89 = vector.broadcast %convert_element_type3A_67 : vector<1x4096xf32> to vector<8x4096xf32>
    %mul3A_90 = arith.mulf %div3A_76, %mul3A_89 : vector<8x4096xf32>
    %reduce_sum3A_91 = arith.constant dense<0.000000e+00> : vector<8xf32>
    %reduce_sum3A_92 = vector.multi_reduction <add>, %mul3A_90, %reduce_sum3A_91 [1] : vector<8x4096xf32> to vector<8xf32>
    %broadcast_in_dim3A_93 = vector.shape_cast %reduce_sum3A_92 : vector<8xf32> to vector<8x1xf32>
    %div3A_94 = arith.constant 2.048000e+03 : f32
    %div3A_95 = vector.broadcast %div3A_94 : f32 to vector<8x1xf32>
    %div3A_96 = arith.divf %broadcast_in_dim3A_93, %div3A_95 : vector<8x1xf32>
    %sub3A_97 = arith.constant 1.000000e+00 : f32
    %sub3A_98 = vector.broadcast %sub3A_97 : f32 to vector<1x4096xf32>
    %sub3A_99 = arith.subf %sub3A_98, %convert_element_type3A_67 : vector<1x4096xf32>
    %mul3A_100 = vector.broadcast %sub3A_99 : vector<1x4096xf32> to vector<8x4096xf32>
    %mul3A_101 = arith.mulf %div3A_76, %mul3A_100 : vector<8x4096xf32>
    %reduce_sum3A_102 = arith.constant dense<0.000000e+00> : vector<8xf32>
    %reduce_sum3A_103 = vector.multi_reduction <add>, %mul3A_101, %reduce_sum3A_102 [1] : vector<8x4096xf32> to vector<8xf32>
    %broadcast_in_dim3A_104 = vector.shape_cast %reduce_sum3A_103 : vector<8xf32> to vector<8x1xf32>
    %div3A_105 = arith.constant 2.048000e+03 : f32
    %div3A_106 = vector.broadcast %div3A_105 : f32 to vector<8x1xf32>
    %div3A_107 = arith.divf %broadcast_in_dim3A_104, %div3A_106 : vector<8x1xf32>
    %mul3A_108 = arith.constant 0.001953125 : f32
    %mul3A_109 = vector.broadcast %mul3A_108 : f32 to vector<8x1xf32>
    %mul3A_110 = arith.mulf %broadcast_in_dim3A_81, %mul3A_109 : vector<8x1xf32>
    %mul3A_111 = arith.mulf %mul3A_110, %div3A_96 : vector<8x1xf32>
    %reduce_sum3A_112 = vector.shape_cast %mul3A_111 : vector<8x1xf32> to vector<1x8x1xf32>
    %reduce_sum3A_113 = arith.constant dense<0.000000e+00> : vector<1xf32>
    %reduce_sum3A_114 = vector.multi_reduction <add>, %reduce_sum3A_112, %reduce_sum3A_113 [1, 2] : vector<1x8x1xf32> to vector<1xf32>
    %reduce_sum3A_115 = vector.shape_cast %reduce_sum3A_114 : vector<1xf32> to vector<1x1x1xf32>
    %reduce_sum3A_116 = vector.extract %reduce_sum3A_115[0, 0, 0] : f32 from vector<1x1x1xf32>
    %mul3A_117 = arith.constant 0.001953125 : f32
    %mul3A_118 = vector.broadcast %mul3A_117 : f32 to vector<8x1xf32>
    %mul3A_119 = arith.mulf %broadcast_in_dim3A_88, %mul3A_118 : vector<8x1xf32>
    %mul3A_120 = arith.mulf %mul3A_119, %div3A_107 : vector<8x1xf32>
    %reduce_sum3A_121 = vector.shape_cast %mul3A_120 : vector<8x1xf32> to vector<1x8x1xf32>
    %reduce_sum3A_122 = arith.constant dense<0.000000e+00> : vector<1xf32>
    %reduce_sum3A_123 = vector.multi_reduction <add>, %reduce_sum3A_121, %reduce_sum3A_122 [1, 2] : vector<1x8x1xf32> to vector<1xf32>
    %reduce_sum3A_124 = vector.shape_cast %reduce_sum3A_123 : vector<1xf32> to vector<1x1x1xf32>
    %reduce_sum3A_125 = vector.extract %reduce_sum3A_124[0, 0, 0] : f32 from vector<1x1x1xf32>
    %add3A_126 = arith.addf %reduce_sum3A_116, %reduce_sum3A_125 : f32
    %mul3A_127 = arith.constant 5.000000e-03 : f32
    %mul3A_128 = arith.mulf %mul3A_127, %add3A_126 : f32
    %broadcast_in_dim3A_129 = vector.broadcast %mul3A_128 : f32 to vector<1x1xf32>
    %swap3A_130 = arith.constant 0 : index
    %swap3A_131 = arith.constant 0 : index
    %swap3A_132 = vector.load %arg7[%swap3A_130, %swap3A_131] : memref<1x1xf32, #tpu.memory_space<vmem>>, vector<1x1xf32>
    tpu.vector_store %arg7[%swap3A_130, %swap3A_131], %broadcast_in_dim3A_129 {strides = array<i32>} : memref<1x1xf32, #tpu.memory_space<vmem>>, vector<1x1xf32>,
    %swap3A_133 = arith.constant 0 : index
    %swap3A_134 = arith.constant 0 : index
    %swap3A_135 = vector.load %arg8[%swap3A_133, %swap3A_134] : memref<8x8192xf32, #tpu.memory_space<vmem>>, vector<8x4096xf32>
    tpu.vector_store %arg8[%swap3A_133, %swap3A_134], %convert_element_type3A_41 {strides = array<i32>} : memref<8x8192xf32, #tpu.memory_space<vmem>>, vector<8x4096xf32>,
    %swap3A_136 = arith.constant 0 : index
    %swap3A_137 = arith.constant 4096 : index
    %swap3A_138 = vector.load %arg8[%swap3A_136, %swap3A_137] : memref<8x8192xf32, #tpu.memory_space<vmem>>, vector<8x4096xf32>
    tpu.vector_store %arg8[%swap3A_136, %swap3A_137], %convert_element_type3A_45 {strides = array<i32>} : memref<8x8192xf32, #tpu.memory_space<vmem>>, vector<8x4096xf32>,
    %iota3A_139 = tpu.iota {dimensions = array<i32: 0>} : vector<8192x64xi32>
    %jit3A_140 = arith.constant 128 : i32
    %div3A_141 = vector.broadcast %jit3A_140 : i32 to vector<8192x64xi32>
    %div3A_142 = arith.divsi %iota3A_139, %div3A_141 : vector<8192x64xi32>
    %sign3A = arith.constant 0 : i32
    %sign3A_143 = vector.broadcast %sign3A : i32 to vector<8192x64xi32>
    %sign3A_144 = arith.cmpi sgt, %iota3A_139, %sign3A_143 : vector<8192x64xi32>
    %sign3A_145 = arith.extui %sign3A_144 : vector<8192x64xi1> to vector<8192x64xi32>
    %sign3A_146 = arith.constant 0 : i32
    %sign3A_147 = vector.broadcast %sign3A_146 : i32 to vector<8192x64xi32>
    %sign3A_148 = arith.cmpi slt, %iota3A_139, %sign3A_147 : vector<8192x64xi32>
    %sign3A_149 = arith.extui %sign3A_148 : vector<8192x64xi1> to vector<8192x64xi32>
    %sign3A_150 = arith.subi %sign3A_145, %sign3A_149 : vector<8192x64xi32>
    %sign3A_151 = arith.constant 0 : i32
    %sign3A_152 = arith.cmpi sgt, %jit3A_140, %sign3A_151 : i32
    %sign3A_153 = arith.extui %sign3A_152 : i1 to i32
    %sign3A_154 = arith.constant 0 : i32
    %sign3A_155 = arith.cmpi slt, %jit3A_140, %sign3A_154 : i32
    %sign3A_156 = arith.extui %sign3A_155 : i1 to i32
    %sign3A_157 = arith.subi %sign3A_153, %sign3A_156 : i32
    %ne3A = vector.broadcast %sign3A_157 : i32 to vector<8192x64xi32>
    %ne3A_158 = arith.cmpi ne, %sign3A_150, %ne3A : vector<8192x64xi32>
    %rem3A = vector.broadcast %jit3A_140 : i32 to vector<8192x64xi32>
    %rem3A_159 = arith.remsi %iota3A_139, %rem3A : vector<8192x64xi32>
    %ne3A_160 = arith.constant 0 : i32
    %ne3A_161 = vector.broadcast %ne3A_160 : i32 to vector<8192x64xi32>
    %ne3A_162 = arith.cmpi ne, %rem3A_159, %ne3A_161 : vector<8192x64xi32>
    %and3A = arith.andi %ne3A_158, %ne3A_162 : vector<8192x64xi1>
    %sub3A_163 = arith.constant 1 : i32
    %sub3A_164 = vector.broadcast %sub3A_163 : i32 to vector<8192x64xi32>
    %sub3A_165 = arith.subi %div3A_142, %sub3A_164 : vector<8192x64xi32>
    %select_n3A_166 = arith.select %and3A, %sub3A_165, %div3A_142 : vector<8192x64xi1>, vector<8192x64xi32>
    %iota3A_167 = tpu.iota {dimensions = array<i32: 1>} : vector<8192x64xi32>
    %eq3A_168 = arith.cmpi eq, %select_n3A_166, %iota3A_167 : vector<8192x64xi32>
    %convert_element_type3A_169 = arith.extui %eq3A_168 : vector<8192x64xi1> to vector<8192x64xi32>
    %convert_element_type3A_170 = arith.sitofp %convert_element_type3A_169 : vector<8192x64xi32> to vector<8192x64xf32>
    %get3A_171 = arith.constant 0 : index
    %get3A_172 = arith.constant 0 : index
    %get3A_173 = vector.load %arg8[%get3A_171, %get3A_172] : memref<8x8192xf32, #tpu.memory_space<vmem>>, vector<8x8192xf32>
    %dot_general3A_174 = arith.constant dense<0.000000e+00> : vector<8x64xf32>
    %dot_general3A_175 = tpu.matmul %get3A_173, %convert_element_type3A_170, %dot_general3A_174 {dimension_numbers = #tpu.dot_dimension_numbers<[1], [0], [0], [1], [0, 0, 1, 1], [], []>, precision = #tpu.contract_precision<fp32>, transpose_lhs_hint = false} : vector<8x8192xf32>, vector<8192x64xf32>, vector<8x64xf32> -> vector<8x64xf32>
    %iota3A_176 = tpu.iota {dimensions = array<i32: 0>} : vector<64x64xi32>
    %iota3A_177 = tpu.iota {dimensions = array<i32: 1>} : vector<64x64xi32>
    %lt3A_178 = arith.cmpi slt, %iota3A_176, %iota3A_177 : vector<64x64xi32>
    %convert_element_type3A_179 = arith.extui %lt3A_178 : vector<64x64xi1> to vector<64x64xi32>
    %convert_element_type3A_180 = arith.sitofp %convert_element_type3A_179 : vector<64x64xi32> to vector<64x64xf32>
    %dot_general3A_181 = arith.constant dense<0.000000e+00> : vector<8x64xf32>
    %dot_general3A_182 = tpu.matmul %dot_general3A_175, %convert_element_type3A_180, %dot_general3A_181 {dimension_numbers = #tpu.dot_dimension_numbers<[1], [0], [0], [1], [0, 0, 1, 1], [], []>, precision = #tpu.contract_precision<fp32>, transpose_lhs_hint = false} : vector<8x64xf32>, vector<64x64xf32>, vector<8x64xf32> -> vector<8x64xf32>
    %reduce_sum3A_183 = arith.constant dense<0.000000e+00> : vector<8xf32>
    %reduce_sum3A_184 = vector.multi_reduction <add>, %dot_general3A_175, %reduce_sum3A_183 [1] : vector<8x64xf32> to vector<8xf32>
    %broadcast_in_dim3A_185 = vector.shape_cast %reduce_sum3A_184 : vector<8xf32> to vector<8x1xf32>
    %add3A_186 = arith.constant 2.550000e+02 : f32
    %add3A_187 = vector.broadcast %add3A_186 : f32 to vector<8x1xf32>
    %add3A_188 = arith.addf %broadcast_in_dim3A_185, %add3A_187 : vector<8x1xf32>
    %mul3A_189 = arith.constant 3.906250e-03 : f32
    %mul3A_190 = vector.broadcast %mul3A_189 : f32 to vector<8x1xf32>
    %mul3A_191 = arith.mulf %add3A_188, %mul3A_190 : vector<8x1xf32>
    %floor3A = math.floor %mul3A_191 : vector<8x1xf32>
    %iota3A_192 = tpu.iota {dimensions = array<i32: 0>} : vector<8x8xi32>
    %iota3A_193 = tpu.iota {dimensions = array<i32: 1>} : vector<8x8xi32>
    %lt3A_194 = arith.cmpi slt, %iota3A_193, %iota3A_192 : vector<8x8xi32>
    %convert_element_type3A_195 = arith.extui %lt3A_194 : vector<8x8xi1> to vector<8x8xi32>
    %convert_element_type3A_196 = arith.sitofp %convert_element_type3A_195 : vector<8x8xi32> to vector<8x8xf32>
    %dot_general3A_197 = arith.constant dense<0.000000e+00> : vector<8x1xf32>
    %dot_general3A_198 = tpu.matmul %convert_element_type3A_196, %floor3A, %dot_general3A_197 {dimension_numbers = #tpu.dot_dimension_numbers<[1], [0], [0], [1], [0, 0, 1, 1], [], []>, precision = #tpu.contract_precision<fp32>, transpose_lhs_hint = false} : vector<8x8xf32>, vector<8x1xf32>, vector<8x1xf32> -> vector<8x1xf32>
    %mul3A_199 = arith.constant 2.560000e+02 : f32
    %mul3A_200 = vector.broadcast %mul3A_199 : f32 to vector<8x1xf32>
    %mul3A_201 = arith.mulf %dot_general3A_198, %mul3A_200 : vector<8x1xf32>
    %iota3A_202 = tpu.iota {dimensions = array<i32: 1>} : vector<1x40xi32>
    %convert_element_type3A_203 = arith.sitofp %iota3A_202 : vector<1x40xi32> to vector<1x40xf32>
    %ge3A = vector.broadcast %convert_element_type3A_203 : vector<1x40xf32> to vector<8x40xf32>
    %ge3A_204 = vector.broadcast %dot_general3A_198 : vector<8x1xf32> to vector<8x40xf32>
    %ge3A_205 = arith.cmpf oge, %ge3A, %ge3A_204 : vector<8x40xf32>
    %convert_element_type3A_206 = arith.extui %ge3A_205 : vector<8x40xi1> to vector<8x40xi32>
    %convert_element_type3A_207 = arith.sitofp %convert_element_type3A_206 : vector<8x40xi32> to vector<8x40xf32>
    %reduce_sum3A_208 = arith.constant dense<0.000000e+00> : vector<40xf32>
    %reduce_sum3A_209 = vector.multi_reduction <add>, %convert_element_type3A_207, %reduce_sum3A_208 [0] : vector<8x40xf32> to vector<40xf32>
    %broadcast_in_dim3A_210 = vector.shape_cast %reduce_sum3A_209 : vector<40xf32> to vector<1x40xf32>
    %sub3A_211 = arith.constant 1.000000e+00 : f32
    %sub3A_212 = vector.broadcast %sub3A_211 : f32 to vector<1x40xf32>
    %sub3A_213 = arith.subf %broadcast_in_dim3A_210, %sub3A_212 : vector<1x40xf32>
    %convert_element_type3A_214 = arith.fptosi %sub3A_213 : vector<1x40xf32> to vector<1x40xi32>
    %swap3A_215 = arith.constant 0 : index
    %swap3A_216 = arith.constant 0 : index
    %swap3A_217 = vector.load %arg6[%swap3A_215, %swap3A_216] : memref<1x40xi32, #tpu.memory_space<vmem>>, vector<1x40xi32>
    tpu.vector_store %arg6[%swap3A_215, %swap3A_216], %convert_element_type3A_214 {strides = array<i32>} : memref<1x40xi32, #tpu.memory_space<vmem>>, vector<1x40xi32>,
    %iota3A_218 = tpu.iota {dimensions = array<i32: 0>} : vector<64x8192xi32>
    %iota3A_219 = tpu.iota {dimensions = array<i32: 1>} : vector<64x8192xi32>
    %jit3A_220 = arith.constant 128 : i32
    %div3A_221 = vector.broadcast %jit3A_220 : i32 to vector<64x8192xi32>
    %div3A_222 = arith.divsi %iota3A_219, %div3A_221 : vector<64x8192xi32>
    %sign3A_223 = arith.constant 0 : i32
    %sign3A_224 = vector.broadcast %sign3A_223 : i32 to vector<64x8192xi32>
    %sign3A_225 = arith.cmpi sgt, %iota3A_219, %sign3A_224 : vector<64x8192xi32>
    %sign3A_226 = arith.extui %sign3A_225 : vector<64x8192xi1> to vector<64x8192xi32>
    %sign3A_227 = arith.constant 0 : i32
    %sign3A_228 = vector.broadcast %sign3A_227 : i32 to vector<64x8192xi32>
    %sign3A_229 = arith.cmpi slt, %iota3A_219, %sign3A_228 : vector<64x8192xi32>
    %sign3A_230 = arith.extui %sign3A_229 : vector<64x8192xi1> to vector<64x8192xi32>
    %sign3A_231 = arith.subi %sign3A_226, %sign3A_230 : vector<64x8192xi32>
    %sign3A_232 = arith.constant 0 : i32
    %sign3A_233 = arith.cmpi sgt, %jit3A_220, %sign3A_232 : i32
    %sign3A_234 = arith.extui %sign3A_233 : i1 to i32
    %sign3A_235 = arith.constant 0 : i32
    %sign3A_236 = arith.cmpi slt, %jit3A_220, %sign3A_235 : i32
    %sign3A_237 = arith.extui %sign3A_236 : i1 to i32
    %sign3A_238 = arith.subi %sign3A_234, %sign3A_237 : i32
    %ne3A_239 = vector.broadcast %sign3A_238 : i32 to vector<64x8192xi32>
    %ne3A_240 = arith.cmpi ne, %sign3A_231, %ne3A_239 : vector<64x8192xi32>
    %rem3A_241 = vector.broadcast %jit3A_220 : i32 to vector<64x8192xi32>
    %rem3A_242 = arith.remsi %iota3A_219, %rem3A_241 : vector<64x8192xi32>
    %ne3A_243 = arith.constant 0 : i32
    %ne3A_244 = vector.broadcast %ne3A_243 : i32 to vector<64x8192xi32>
    %ne3A_245 = arith.cmpi ne, %rem3A_242, %ne3A_244 : vector<64x8192xi32>
    %and3A_246 = arith.andi %ne3A_240, %ne3A_245 : vector<64x8192xi1>
    %sub3A_247 = arith.constant 1 : i32
    %sub3A_248 = vector.broadcast %sub3A_247 : i32 to vector<64x8192xi32>
    %sub3A_249 = arith.subi %div3A_222, %sub3A_248 : vector<64x8192xi32>
    %select_n3A_250 = arith.select %and3A_246, %sub3A_249, %div3A_222 : vector<64x8192xi1>, vector<64x8192xi32>
    %eq3A_251 = arith.cmpi eq, %iota3A_218, %select_n3A_250 : vector<64x8192xi32>
    %convert_element_type3A_252 = arith.extui %eq3A_251 : vector<64x8192xi1> to vector<64x8192xi32>
    %convert_element_type3A_253 = arith.sitofp %convert_element_type3A_252 : vector<64x8192xi32> to vector<64x8192xf32>
    %dot_general3A_254 = arith.constant dense<0.000000e+00> : vector<8x8192xf32>
    %dot_general3A_255 = tpu.matmul %dot_general3A_182, %convert_element_type3A_253, %dot_general3A_254 {dimension_numbers = #tpu.dot_dimension_numbers<[1], [0], [0], [1], [0, 0, 1, 1], [], []>, precision = #tpu.contract_precision<fp32>, transpose_lhs_hint = false} : vector<8x64xf32>, vector<64x8192xf32>, vector<8x8192xf32> -> vector<8x8192xf32>
    %add3A_256 = vector.broadcast %mul3A_201 : vector<8x1xf32> to vector<8x8192xf32>
    %add3A_257 = arith.addf %add3A_256, %dot_general3A_255 : vector<8x8192xf32>
    %swap3A_258 = arith.constant 0 : index
    %swap3A_259 = arith.constant 0 : index
    %swap3A_260 = vector.load %arg9[%swap3A_258, %swap3A_259] : memref<8x8192xf32, #tpu.memory_space<vmem>>, vector<8x8192xf32>
    tpu.vector_store %arg9[%swap3A_258, %swap3A_259], %add3A_257 {strides = array<i32>} : memref<8x8192xf32, #tpu.memory_space<vmem>>, vector<8x8192xf32>,
    %iota3A_261 = tpu.iota {dimensions = array<i32: 0>} : vector<128x128xi32>
    %iota3A_262 = tpu.iota {dimensions = array<i32: 1>} : vector<128x128xi32>
    %lt3A_263 = arith.cmpi slt, %iota3A_261, %iota3A_262 : vector<128x128xi32>
    %convert_element_type3A_264 = arith.extui %lt3A_263 : vector<128x128xi1> to vector<128x128xi32>
    %convert_element_type3A_265 = arith.sitofp %convert_element_type3A_264 : vector<128x128xi32> to vector<128x128xf32>
    %scan3A = arith.constant 0 : i32
    %scan3A_266 = arith.constant 8 : i32
    %scan3A_267 = arith.addi %scan3A, %scan3A_266 : i32
    %scan3A_268 = arith.constant 1 : i32
    scf.for %scan3A_270 = %scan3A to %scan3A_267 step %scan3A_268  : i32 {
      %mul3A_271 = arith.constant 8 : i32
      %mul3A_272 = arith.muli %scan3A_270, %mul3A_271 : i32
      %add3A_273 = arith.constant 0 : i32
      %add3A_274 = arith.addi %mul3A_272, %add3A_273 : i32
      %mul3A_275 = arith.constant 128 : i32
      %mul3A_276 = arith.muli %add3A_274, %mul3A_275 : i32
      %multiple_of3A = tpu.assume_multiple %mul3A_276, 128 : i32
      %get3A_277 = arith.constant 0 : index
      %get3A_278 = arith.index_cast %multiple_of3A : i32 to index
      %get3A_279 = vector.load %arg8[%get3A_277, %get3A_278] : memref<8x8192xf32, #tpu.memory_space<vmem>>, vector<8x128xf32>
      %get3A_280 = arith.constant 0 : index
      %get3A_281 = arith.index_cast %multiple_of3A : i32 to index
      %get3A_282 = vector.load %arg9[%get3A_280, %get3A_281] : memref<8x8192xf32, #tpu.memory_space<vmem>>, vector<8x128xf32>
      %dot_general3A_283 = arith.constant dense<0.000000e+00> : vector<8x128xf32>
      %dot_general3A_284 = tpu.matmul %get3A_279, %convert_element_type3A_265, %dot_general3A_283 {dimension_numbers = #tpu.dot_dimension_numbers<[1], [0], [0], [1], [0, 0, 1, 1], [], []>, precision = #tpu.contract_precision<fp32>, transpose_lhs_hint = false} : vector<8x128xf32>, vector<128x128xf32>, vector<8x128xf32> -> vector<8x128xf32>
      %add3A_285 = arith.addf %get3A_282, %dot_general3A_284 : vector<8x128xf32>
      %mul3A_286 = arith.mulf %add3A_285, %get3A_279 : vector<8x128xf32>
      %reduce_sum3A_287 = arith.constant dense<0.000000e+00> : vector<128xf32>
      %reduce_sum3A_288 = vector.multi_reduction <add>, %mul3A_286, %reduce_sum3A_287 [0] : vector<8x128xf32> to vector<128xf32>
      %broadcast_in_dim3A_289 = vector.shape_cast %reduce_sum3A_288 : vector<128xf32> to vector<1x128xf32>
      %mul3A_290 = arith.constant 2.000000e+00 : f32
      %mul3A_291 = vector.broadcast %mul3A_290 : f32 to vector<1x128xf32>
      %mul3A_292 = arith.mulf %mul3A_291, %broadcast_in_dim3A_289 : vector<1x128xf32>
      %mul3A_293 = arith.constant 2.000000e+00 : f32
      %mul3A_294 = vector.broadcast %mul3A_293 : f32 to vector<1x128xf32>
      %mul3A_295 = arith.mulf %mul3A_294, %broadcast_in_dim3A_289 : vector<1x128xf32>
      %add3A_296 = arith.constant 1.000000e+00 : f32
      %add3A_297 = vector.broadcast %add3A_296 : f32 to vector<1x128xf32>
      %add3A_298 = arith.addf %mul3A_295, %add3A_297 : vector<1x128xf32>
      %mul3A_299 = arith.constant 8 : i32
      %mul3A_300 = arith.muli %scan3A_270, %mul3A_299 : i32
      %add3A_301 = arith.constant 1 : i32
      %add3A_302 = arith.addi %mul3A_300, %add3A_301 : i32
      %mul3A_303 = arith.constant 128 : i32
      %mul3A_304 = arith.muli %add3A_302, %mul3A_303 : i32
      %multiple_of3A_305 = tpu.assume_multiple %mul3A_304, 128 : i32
      %get3A_306 = arith.constant 0 : index
      %get3A_307 = arith.index_cast %multiple_of3A_305 : i32 to index
      %get3A_308 = vector.load %arg8[%get3A_306, %get3A_307] : memref<8x8192xf32, #tpu.memory_space<vmem>>, vector<8x128xf32>
      %get3A_309 = arith.constant 0 : index
      %get3A_310 = arith.index_cast %multiple_of3A_305 : i32 to index
      %get3A_311 = vector.load %arg9[%get3A_309, %get3A_310] : memref<8x8192xf32, #tpu.memory_space<vmem>>, vector<8x128xf32>
      %dot_general3A_312 = arith.constant dense<0.000000e+00> : vector<8x128xf32>
      %dot_general3A_313 = tpu.matmul %get3A_308, %convert_element_type3A_265, %dot_general3A_312 {dimension_numbers = #tpu.dot_dimension_numbers<[1], [0], [0], [1], [0, 0, 1, 1], [], []>, precision = #tpu.contract_precision<fp32>, transpose_lhs_hint = false} : vector<8x128xf32>, vector<128x128xf32>, vector<8x128xf32> -> vector<8x128xf32>
      %add3A_314 = arith.addf %get3A_311, %dot_general3A_313 : vector<8x128xf32>
      %mul3A_315 = arith.mulf %add3A_314, %get3A_308 : vector<8x128xf32>
      %reduce_sum3A_316 = arith.constant dense<0.000000e+00> : vector<128xf32>
      %reduce_sum3A_317 = vector.multi_reduction <add>, %mul3A_315, %reduce_sum3A_316 [0] : vector<8x128xf32> to vector<128xf32>
      %broadcast_in_dim3A_318 = vector.shape_cast %reduce_sum3A_317 : vector<128xf32> to vector<1x128xf32>
      %mul3A_319 = arith.constant 2.000000e+00 : f32
      %mul3A_320 = vector.broadcast %mul3A_319 : f32 to vector<1x128xf32>
      %mul3A_321 = arith.mulf %mul3A_320, %broadcast_in_dim3A_318 : vector<1x128xf32>
      %mul3A_322 = arith.constant 2.000000e+00 : f32
      %mul3A_323 = vector.broadcast %mul3A_322 : f32 to vector<1x128xf32>
      %mul3A_324 = arith.mulf %mul3A_323, %broadcast_in_dim3A_318 : vector<1x128xf32>
      %add3A_325 = arith.constant 1.000000e+00 : f32
      %add3A_326 = vector.broadcast %add3A_325 : f32 to vector<1x128xf32>
      %add3A_327 = arith.addf %mul3A_324, %add3A_326 : vector<1x128xf32>
      %mul3A_328 = arith.constant 8 : i32
      %mul3A_329 = arith.muli %scan3A_270, %mul3A_328 : i32
      %add3A_330 = arith.constant 2 : i32
      %add3A_331 = arith.addi %mul3A_329, %add3A_330 : i32
      %mul3A_332 = arith.constant 128 : i32
      %mul3A_333 = arith.muli %add3A_331, %mul3A_332 : i32
      %multiple_of3A_334 = tpu.assume_multiple %mul3A_333, 128 : i32
      %get3A_335 = arith.constant 0 : index
      %get3A_336 = arith.index_cast %multiple_of3A_334 : i32 to index
      %get3A_337 = vector.load %arg8[%get3A_335, %get3A_336] : memref<8x8192xf32, #tpu.memory_space<vmem>>, vector<8x128xf32>
      %get3A_338 = arith.constant 0 : index
      %get3A_339 = arith.index_cast %multiple_of3A_334 : i32 to index
      %get3A_340 = vector.load %arg9[%get3A_338, %get3A_339] : memref<8x8192xf32, #tpu.memory_space<vmem>>, vector<8x128xf32>
      %dot_general3A_341 = arith.constant dense<0.000000e+00> : vector<8x128xf32>
      %dot_general3A_342 = tpu.matmul %get3A_337, %convert_element_type3A_265, %dot_general3A_341 {dimension_numbers = #tpu.dot_dimension_numbers<[1], [0], [0], [1], [0, 0, 1, 1], [], []>, precision = #tpu.contract_precision<fp32>, transpose_lhs_hint = false} : vector<8x128xf32>, vector<128x128xf32>, vector<8x128xf32> -> vector<8x128xf32>
      %add3A_343 = arith.addf %get3A_340, %dot_general3A_342 : vector<8x128xf32>
      %mul3A_344 = arith.mulf %add3A_343, %get3A_337 : vector<8x128xf32>
      %reduce_sum3A_345 = arith.constant dense<0.000000e+00> : vector<128xf32>
      %reduce_sum3A_346 = vector.multi_reduction <add>, %mul3A_344, %reduce_sum3A_345 [0] : vector<8x128xf32> to vector<128xf32>
      %broadcast_in_dim3A_347 = vector.shape_cast %reduce_sum3A_346 : vector<128xf32> to vector<1x128xf32>
      %mul3A_348 = arith.constant 2.000000e+00 : f32
      %mul3A_349 = vector.broadcast %mul3A_348 : f32 to vector<1x128xf32>
      %mul3A_350 = arith.mulf %mul3A_349, %broadcast_in_dim3A_347 : vector<1x128xf32>
      %mul3A_351 = arith.constant 2.000000e+00 : f32
      %mul3A_352 = vector.broadcast %mul3A_351 : f32 to vector<1x128xf32>
      %mul3A_353 = arith.mulf %mul3A_352, %broadcast_in_dim3A_347 : vector<1x128xf32>
      %add3A_354 = arith.constant 1.000000e+00 : f32
      %add3A_355 = vector.broadcast %add3A_354 : f32 to vector<1x128xf32>
      %add3A_356 = arith.addf %mul3A_353, %add3A_355 : vector<1x128xf32>
      %mul3A_357 = arith.constant 8 : i32
      %mul3A_358 = arith.muli %scan3A_270, %mul3A_357 : i32
      %add3A_359 = arith.constant 3 : i32
      %add3A_360 = arith.addi %mul3A_358, %add3A_359 : i32
      %mul3A_361 = arith.constant 128 : i32
      %mul3A_362 = arith.muli %add3A_360, %mul3A_361 : i32
      %multiple_of3A_363 = tpu.assume_multiple %mul3A_362, 128 : i32
      %get3A_364 = arith.constant 0 : index
      %get3A_365 = arith.index_cast %multiple_of3A_363 : i32 to index
      %get3A_366 = vector.load %arg8[%get3A_364, %get3A_365] : memref<8x8192xf32, #tpu.memory_space<vmem>>, vector<8x128xf32>
      %get3A_367 = arith.constant 0 : index
      %get3A_368 = arith.index_cast %multiple_of3A_363 : i32 to index
      %get3A_369 = vector.load %arg9[%get3A_367, %get3A_368] : memref<8x8192xf32, #tpu.memory_space<vmem>>, vector<8x128xf32>
      %dot_general3A_370 = arith.constant dense<0.000000e+00> : vector<8x128xf32>
      %dot_general3A_371 = tpu.matmul %get3A_366, %convert_element_type3A_265, %dot_general3A_370 {dimension_numbers = #tpu.dot_dimension_numbers<[1], [0], [0], [1], [0, 0, 1, 1], [], []>, precision = #tpu.contract_precision<fp32>, transpose_lhs_hint = false} : vector<8x128xf32>, vector<128x128xf32>, vector<8x128xf32> -> vector<8x128xf32>
      %add3A_372 = arith.addf %get3A_369, %dot_general3A_371 : vector<8x128xf32>
      %mul3A_373 = arith.mulf %add3A_372, %get3A_366 : vector<8x128xf32>
      %reduce_sum3A_374 = arith.constant dense<0.000000e+00> : vector<128xf32>
      %reduce_sum3A_375 = vector.multi_reduction <add>, %mul3A_373, %reduce_sum3A_374 [0] : vector<8x128xf32> to vector<128xf32>
      %broadcast_in_dim3A_376 = vector.shape_cast %reduce_sum3A_375 : vector<128xf32> to vector<1x128xf32>
      %mul3A_377 = arith.constant 2.000000e+00 : f32
      %mul3A_378 = vector.broadcast %mul3A_377 : f32 to vector<1x128xf32>
      %mul3A_379 = arith.mulf %mul3A_378, %broadcast_in_dim3A_376 : vector<1x128xf32>
      %mul3A_380 = arith.constant 2.000000e+00 : f32
      %mul3A_381 = vector.broadcast %mul3A_380 : f32 to vector<1x128xf32>
      %mul3A_382 = arith.mulf %mul3A_381, %broadcast_in_dim3A_376 : vector<1x128xf32>
      %add3A_383 = arith.constant 1.000000e+00 : f32
      %add3A_384 = vector.broadcast %add3A_383 : f32 to vector<1x128xf32>
      %add3A_385 = arith.addf %mul3A_382, %add3A_384 : vector<1x128xf32>
      %mul3A_386 = arith.constant 8 : i32
      %mul3A_387 = arith.muli %scan3A_270, %mul3A_386 : i32
      %add3A_388 = arith.constant 4 : i32
      %add3A_389 = arith.addi %mul3A_387, %add3A_388 : i32
      %mul3A_390 = arith.constant 128 : i32
      %mul3A_391 = arith.muli %add3A_389, %mul3A_390 : i32
      %multiple_of3A_392 = tpu.assume_multiple %mul3A_391, 128 : i32
      %get3A_393 = arith.constant 0 : index
      %get3A_394 = arith.index_cast %multiple_of3A_392 : i32 to index
      %get3A_395 = vector.load %arg8[%get3A_393, %get3A_394] : memref<8x8192xf32, #tpu.memory_space<vmem>>, vector<8x128xf32>
      %get3A_396 = arith.constant 0 : index
      %get3A_397 = arith.index_cast %multiple_of3A_392 : i32 to index
      %get3A_398 = vector.load %arg9[%get3A_396, %get3A_397] : memref<8x8192xf32, #tpu.memory_space<vmem>>, vector<8x128xf32>
      %dot_general3A_399 = arith.constant dense<0.000000e+00> : vector<8x128xf32>
      %dot_general3A_400 = tpu.matmul %get3A_395, %convert_element_type3A_265, %dot_general3A_399 {dimension_numbers = #tpu.dot_dimension_numbers<[1], [0], [0], [1], [0, 0, 1, 1], [], []>, precision = #tpu.contract_precision<fp32>, transpose_lhs_hint = false} : vector<8x128xf32>, vector<128x128xf32>, vector<8x128xf32> -> vector<8x128xf32>
      %add3A_401 = arith.addf %get3A_398, %dot_general3A_400 : vector<8x128xf32>
      %mul3A_402 = arith.mulf %add3A_401, %get3A_395 : vector<8x128xf32>
      %reduce_sum3A_403 = arith.constant dense<0.000000e+00> : vector<128xf32>
      %reduce_sum3A_404 = vector.multi_reduction <add>, %mul3A_402, %reduce_sum3A_403 [0] : vector<8x128xf32> to vector<128xf32>
      %broadcast_in_dim3A_405 = vector.shape_cast %reduce_sum3A_404 : vector<128xf32> to vector<1x128xf32>
      %mul3A_406 = arith.constant 2.000000e+00 : f32
      %mul3A_407 = vector.broadcast %mul3A_406 : f32 to vector<1x128xf32>
      %mul3A_408 = arith.mulf %mul3A_407, %broadcast_in_dim3A_405 : vector<1x128xf32>
      %mul3A_409 = arith.constant 2.000000e+00 : f32
      %mul3A_410 = vector.broadcast %mul3A_409 : f32 to vector<1x128xf32>
      %mul3A_411 = arith.mulf %mul3A_410, %broadcast_in_dim3A_405 : vector<1x128xf32>
      %add3A_412 = arith.constant 1.000000e+00 : f32
      %add3A_413 = vector.broadcast %add3A_412 : f32 to vector<1x128xf32>
      %add3A_414 = arith.addf %mul3A_411, %add3A_413 : vector<1x128xf32>
      %mul3A_415 = arith.constant 8 : i32
      %mul3A_416 = arith.muli %scan3A_270, %mul3A_415 : i32
      %add3A_417 = arith.constant 5 : i32
      %add3A_418 = arith.addi %mul3A_416, %add3A_417 : i32
      %mul3A_419 = arith.constant 128 : i32
      %mul3A_420 = arith.muli %add3A_418, %mul3A_419 : i32
      %multiple_of3A_421 = tpu.assume_multiple %mul3A_420, 128 : i32
      %get3A_422 = arith.constant 0 : index
      %get3A_423 = arith.index_cast %multiple_of3A_421 : i32 to index
      %get3A_424 = vector.load %arg8[%get3A_422, %get3A_423] : memref<8x8192xf32, #tpu.memory_space<vmem>>, vector<8x128xf32>
      %get3A_425 = arith.constant 0 : index
      %get3A_426 = arith.index_cast %multiple_of3A_421 : i32 to index
      %get3A_427 = vector.load %arg9[%get3A_425, %get3A_426] : memref<8x8192xf32, #tpu.memory_space<vmem>>, vector<8x128xf32>
      %dot_general3A_428 = arith.constant dense<0.000000e+00> : vector<8x128xf32>
      %dot_general3A_429 = tpu.matmul %get3A_424, %convert_element_type3A_265, %dot_general3A_428 {dimension_numbers = #tpu.dot_dimension_numbers<[1], [0], [0], [1], [0, 0, 1, 1], [], []>, precision = #tpu.contract_precision<fp32>, transpose_lhs_hint = false} : vector<8x128xf32>, vector<128x128xf32>, vector<8x128xf32> -> vector<8x128xf32>
      %add3A_430 = arith.addf %get3A_427, %dot_general3A_429 : vector<8x128xf32>
      %mul3A_431 = arith.mulf %add3A_430, %get3A_424 : vector<8x128xf32>
      %reduce_sum3A_432 = arith.constant dense<0.000000e+00> : vector<128xf32>
      %reduce_sum3A_433 = vector.multi_reduction <add>, %mul3A_431, %reduce_sum3A_432 [0] : vector<8x128xf32> to vector<128xf32>
      %broadcast_in_dim3A_434 = vector.shape_cast %reduce_sum3A_433 : vector<128xf32> to vector<1x128xf32>
      %mul3A_435 = arith.constant 2.000000e+00 : f32
      %mul3A_436 = vector.broadcast %mul3A_435 : f32 to vector<1x128xf32>
      %mul3A_437 = arith.mulf %mul3A_436, %broadcast_in_dim3A_434 : vector<1x128xf32>
      %mul3A_438 = arith.constant 2.000000e+00 : f32
      %mul3A_439 = vector.broadcast %mul3A_438 : f32 to vector<1x128xf32>
      %mul3A_440 = arith.mulf %mul3A_439, %broadcast_in_dim3A_434 : vector<1x128xf32>
      %add3A_441 = arith.constant 1.000000e+00 : f32
      %add3A_442 = vector.broadcast %add3A_441 : f32 to vector<1x128xf32>
      %add3A_443 = arith.addf %mul3A_440, %add3A_442 : vector<1x128xf32>
      %mul3A_444 = arith.constant 8 : i32
      %mul3A_445 = arith.muli %scan3A_270, %mul3A_444 : i32
      %add3A_446 = arith.constant 6 : i32
      %add3A_447 = arith.addi %mul3A_445, %add3A_446 : i32
      %mul3A_448 = arith.constant 128 : i32
      %mul3A_449 = arith.muli %add3A_447, %mul3A_448 : i32
      %multiple_of3A_450 = tpu.assume_multiple %mul3A_449, 128 : i32
      %get3A_451 = arith.constant 0 : index
      %get3A_452 = arith.index_cast %multiple_of3A_450 : i32 to index
      %get3A_453 = vector.load %arg8[%get3A_451, %get3A_452] : memref<8x8192xf32, #tpu.memory_space<vmem>>, vector<8x128xf32>
      %get3A_454 = arith.constant 0 : index
      %get3A_455 = arith.index_cast %multiple_of3A_450 : i32 to index
      %get3A_456 = vector.load %arg9[%get3A_454, %get3A_455] : memref<8x8192xf32, #tpu.memory_space<vmem>>, vector<8x128xf32>
      %dot_general3A_457 = arith.constant dense<0.000000e+00> : vector<8x128xf32>
      %dot_general3A_458 = tpu.matmul %get3A_453, %convert_element_type3A_265, %dot_general3A_457 {dimension_numbers = #tpu.dot_dimension_numbers<[1], [0], [0], [1], [0, 0, 1, 1], [], []>, precision = #tpu.contract_precision<fp32>, transpose_lhs_hint = false} : vector<8x128xf32>, vector<128x128xf32>, vector<8x128xf32> -> vector<8x128xf32>
      %add3A_459 = arith.addf %get3A_456, %dot_general3A_458 : vector<8x128xf32>
      %mul3A_460 = arith.mulf %add3A_459, %get3A_453 : vector<8x128xf32>
      %reduce_sum3A_461 = arith.constant dense<0.000000e+00> : vector<128xf32>
      %reduce_sum3A_462 = vector.multi_reduction <add>, %mul3A_460, %reduce_sum3A_461 [0] : vector<8x128xf32> to vector<128xf32>
      %broadcast_in_dim3A_463 = vector.shape_cast %reduce_sum3A_462 : vector<128xf32> to vector<1x128xf32>
      %mul3A_464 = arith.constant 2.000000e+00 : f32
      %mul3A_465 = vector.broadcast %mul3A_464 : f32 to vector<1x128xf32>
      %mul3A_466 = arith.mulf %mul3A_465, %broadcast_in_dim3A_463 : vector<1x128xf32>
      %mul3A_467 = arith.constant 2.000000e+00 : f32
      %mul3A_468 = vector.broadcast %mul3A_467 : f32 to vector<1x128xf32>
      %mul3A_469 = arith.mulf %mul3A_468, %broadcast_in_dim3A_463 : vector<1x128xf32>
      %add3A_470 = arith.constant 1.000000e+00 : f32
      %add3A_471 = vector.broadcast %add3A_470 : f32 to vector<1x128xf32>
      %add3A_472 = arith.addf %mul3A_469, %add3A_471 : vector<1x128xf32>
      %mul3A_473 = arith.constant 8 : i32
      %mul3A_474 = arith.muli %scan3A_270, %mul3A_473 : i32
      %add3A_475 = arith.constant 7 : i32
      %add3A_476 = arith.addi %mul3A_474, %add3A_475 : i32
      %mul3A_477 = arith.constant 128 : i32
      %mul3A_478 = arith.muli %add3A_476, %mul3A_477 : i32
      %multiple_of3A_479 = tpu.assume_multiple %mul3A_478, 128 : i32
      %get3A_480 = arith.constant 0 : index
      %get3A_481 = arith.index_cast %multiple_of3A_479 : i32 to index
      %get3A_482 = vector.load %arg8[%get3A_480, %get3A_481] : memref<8x8192xf32, #tpu.memory_space<vmem>>, vector<8x128xf32>
      %get3A_483 = arith.constant 0 : index
      %get3A_484 = arith.index_cast %multiple_of3A_479 : i32 to index
      %get3A_485 = vector.load %arg9[%get3A_483, %get3A_484] : memref<8x8192xf32, #tpu.memory_space<vmem>>, vector<8x128xf32>
      %dot_general3A_486 = arith.constant dense<0.000000e+00> : vector<8x128xf32>
      %dot_general3A_487 = tpu.matmul %get3A_482, %convert_element_type3A_265, %dot_general3A_486 {dimension_numbers = #tpu.dot_dimension_numbers<[1], [0], [0], [1], [0, 0, 1, 1], [], []>, precision = #tpu.contract_precision<fp32>, transpose_lhs_hint = false} : vector<8x128xf32>, vector<128x128xf32>, vector<8x128xf32> -> vector<8x128xf32>
      %add3A_488 = arith.addf %get3A_485, %dot_general3A_487 : vector<8x128xf32>
      %mul3A_489 = arith.mulf %add3A_488, %get3A_482 : vector<8x128xf32>
      %reduce_sum3A_490 = arith.constant dense<0.000000e+00> : vector<128xf32>
      %reduce_sum3A_491 = vector.multi_reduction <add>, %mul3A_489, %reduce_sum3A_490 [0] : vector<8x128xf32> to vector<128xf32>
      %broadcast_in_dim3A_492 = vector.shape_cast %reduce_sum3A_491 : vector<128xf32> to vector<1x128xf32>
      %mul3A_493 = arith.constant 2.000000e+00 : f32
      %mul3A_494 = vector.broadcast %mul3A_493 : f32 to vector<1x128xf32>
      %mul3A_495 = arith.mulf %mul3A_494, %broadcast_in_dim3A_492 : vector<1x128xf32>
      %mul3A_496 = arith.constant 2.000000e+00 : f32
      %mul3A_497 = vector.broadcast %mul3A_496 : f32 to vector<1x128xf32>
      %mul3A_498 = arith.mulf %mul3A_497, %broadcast_in_dim3A_492 : vector<1x128xf32>
      %add3A_499 = arith.constant 1.000000e+00 : f32
      %add3A_500 = vector.broadcast %add3A_499 : f32 to vector<1x128xf32>
      %add3A_501 = arith.addf %mul3A_498, %add3A_500 : vector<1x128xf32>
      %mul3A_502 = arith.constant 8 : i32
      %mul3A_503 = arith.muli %scan3A_270, %mul3A_502 : i32
      %multiple_of3A_504 = tpu.assume_multiple %mul3A_503, 8 : i32
      %concatenate3A = tpu.concatenate %mul3A_292, %mul3A_321, %mul3A_350, %mul3A_379, %mul3A_408, %mul3A_437, %mul3A_466, %mul3A_495 in 0 : vector<1x128xf32>, vector<1x128xf32>, vector<1x128xf32>, vector<1x128xf32>, vector<1x128xf32>, vector<1x128xf32>, vector<1x128xf32>, vector<1x128xf32> -> vector<8x128xf32>
      %convert_element_type3A_505 = arith.fptosi %concatenate3A : vector<8x128xf32> to vector<8x128xi32>
      %swap3A_506 = arith.index_cast %multiple_of3A_504 : i32 to index
      %swap3A_507 = arith.constant 0 : index
      %swap3A_508 = vector.load %arg4[%swap3A_506, %swap3A_507] : memref<64x128xi32, #tpu.memory_space<vmem>>, vector<8x128xi32>
      tpu.vector_store %arg4[%swap3A_506, %swap3A_507], %convert_element_type3A_505 {strides = array<i32>} : memref<64x128xi32, #tpu.memory_space<vmem>>, vector<8x128xi32>,
      %concatenate3A_509 = tpu.concatenate %add3A_298, %add3A_327, %add3A_356, %add3A_385, %add3A_414, %add3A_443, %add3A_472, %add3A_501 in 0 : vector<1x128xf32>, vector<1x128xf32>, vector<1x128xf32>, vector<1x128xf32>, vector<1x128xf32>, vector<1x128xf32>, vector<1x128xf32>, vector<1x128xf32> -> vector<8x128xf32>
      %convert_element_type3A_510 = arith.fptosi %concatenate3A_509 : vector<8x128xf32> to vector<8x128xi32>
      %swap3A_511 = arith.index_cast %multiple_of3A_504 : i32 to index
      %swap3A_512 = arith.constant 0 : index
      %swap3A_513 = vector.load %arg5[%swap3A_511, %swap3A_512] : memref<64x128xi32, #tpu.memory_space<vmem>>, vector<8x128xi32>
      tpu.vector_store %arg5[%swap3A_511, %swap3A_512], %convert_element_type3A_510 {strides = array<i32>} : memref<64x128xi32, #tpu.memory_space<vmem>>, vector<8x128xi32>,
    }
    %scan3A_269 = arith.constant 8 : i32
    return
  }
}

module attributes {stable_mosaic.version = 14 : i64} {
  func.func @_gemm_body(%arg0: i32, %arg1: memref<40xi32, #tpu.memory_space<smem>>, %arg2: memref<256x1024xf32, #tpu.memory_space<vmem>>, %arg3: memref<1x2048x1024xbf16, #tpu.memory_space<vmem>>, %arg4: memref<1x1024x1024xbf16, #tpu.memory_space<vmem>>, %arg5: memref<256x1024xf32, #tpu.memory_space<vmem>>) attributes {dimension_semantics = [#tpu.dimension_semantics<arbitrary>], iteration_bounds = array<i64: 40>, scalar_prefetch = 1 : i64, scratch_operands = 0 : i64, tpu.core_type = #tpu.core_type<tc>, window_params = [{transform_indices = @transform_0, window_bounds = array<i64: 256, 1024>}, {transform_indices = @transform_1, window_bounds = array<i64: 1, 2048, 1024>}, {transform_indices = @transform_2, window_bounds = array<i64: 1, 1024, 1024>}, {transform_indices = @transform_3, window_bounds = array<i64: 256, 1024>}]} {
    %get3A = arith.constant 0 : index
    %get3A_0 = arith.constant 0 : index
    %get3A_1 = vector.load %arg2[%get3A, %get3A_0] : memref<256x1024xf32, #tpu.memory_space<vmem>>, vector<256x1024xf32>
    %convert_element_type3A = arith.truncf %get3A_1 : vector<256x1024xf32> to vector<256x1024xbf16>
    %get3A_2 = arith.constant 0 : index
    %get3A_3 = arith.constant 0 : index
    %get3A_4 = arith.constant 0 : index
    %get3A_5 = vector.load %arg3[%get3A_2, %get3A_3, %get3A_4] : memref<1x2048x1024xbf16, #tpu.memory_space<vmem>>, vector<1x2048x1024xbf16>
    %get3A_6 = vector.shape_cast %get3A_5 : vector<1x2048x1024xbf16> to vector<2048x1024xbf16>
    %dot_general3A = arith.constant dense<0.000000e+00> : vector<256x2048xf32>
    %dot_general3A_7 = tpu.matmul %convert_element_type3A, %get3A_6, %dot_general3A {dimension_numbers = #tpu.dot_dimension_numbers<[1], [1], [0], [0], [0, 0, 1, 0], [], []>, transpose_lhs_hint = false} : vector<256x1024xbf16>, vector<2048x1024xbf16>, vector<256x2048xf32> -> vector<256x2048xf32>
    %slice3A = vector.extract_strided_slice %dot_general3A_7 {offsets = [0, 0], sizes = [256, 1024], strides = [1, 1]} : vector<256x2048xf32> to vector<256x1024xf32>
    %slice3A_8 = vector.extract_strided_slice %dot_general3A_7 {offsets = [0, 1024], sizes = [256, 1024], strides = [1, 1]} : vector<256x2048xf32> to vector<256x1024xf32>
    %neg3A = arith.constant 0.000000e+00 : f32
    %neg3A_9 = vector.broadcast %neg3A : f32 to vector<256x1024xf32>
    %neg3A_10 = arith.subf %neg3A_9, %slice3A : vector<256x1024xf32>
    %exp3A = math.exp %neg3A_10 : vector<256x1024xf32>
    %add3A = arith.constant 1.000000e+00 : f32
    %add3A_11 = vector.broadcast %add3A : f32 to vector<256x1024xf32>
    %add3A_12 = arith.addf %add3A_11, %exp3A : vector<256x1024xf32>
    %div3A = arith.constant 1.000000e+00 : f32
    %div3A_13 = vector.broadcast %div3A : f32 to vector<256x1024xf32>
    %div3A_14 = arith.divf %div3A_13, %add3A_12 : vector<256x1024xf32>
    %mul3A = arith.mulf %slice3A, %div3A_14 : vector<256x1024xf32>
    %mul3A_15 = arith.mulf %mul3A, %slice3A_8 : vector<256x1024xf32>
    %convert_element_type3A_16 = arith.truncf %mul3A_15 : vector<256x1024xf32> to vector<256x1024xbf16>
    %get3A_17 = arith.constant 0 : index
    %get3A_18 = arith.constant 0 : index
    %get3A_19 = arith.constant 0 : index
    %get3A_20 = vector.load %arg4[%get3A_17, %get3A_18, %get3A_19] : memref<1x1024x1024xbf16, #tpu.memory_space<vmem>>, vector<1x1024x1024xbf16>
    %get3A_21 = vector.shape_cast %get3A_20 : vector<1x1024x1024xbf16> to vector<1024x1024xbf16>
    %dot_general3A_22 = arith.constant dense<0.000000e+00> : vector<256x1024xf32>
    %dot_general3A_23 = tpu.matmul %convert_element_type3A_16, %get3A_21, %dot_general3A_22 {dimension_numbers = #tpu.dot_dimension_numbers<[1], [1], [0], [0], [0, 0, 1, 0], [], []>, transpose_lhs_hint = false} : vector<256x1024xbf16>, vector<1024x1024xbf16>, vector<256x1024xf32> -> vector<256x1024xf32>
    %swap3A = arith.constant 0 : index
    %swap3A_24 = arith.constant 0 : index
    %swap3A_25 = vector.load %arg5[%swap3A, %swap3A_24] : memref<256x1024xf32, #tpu.memory_space<vmem>>, vector<256x1024xf32>
    tpu.vector_store %arg5[%swap3A, %swap3A_24], %dot_general3A_23 {strides = array<i32>} : memref<256x1024xf32, #tpu.memory_space<vmem>>, vector<256x1024xf32>,
    return
  }
  func.func @transform_0(%arg0: i32, %arg1: memref<40xi32, #tpu.memory_space<smem>>) -> (i32, i32) {
    %c0_i32 = arith.constant 0 : i32
    %c0_i32_0 = arith.constant 0 : i32
    return %arg0, %c0_i32 : i32, i32
  }
  func.func @transform_1(%arg0: i32, %arg1: memref<40xi32, #tpu.memory_space<smem>>) -> (i32, i32, i32) {
    %get3A = arith.index_cast %arg0 : i32 to index
    %get3A_0 = memref.load %arg1[%get3A] : memref<40xi32, #tpu.memory_space<smem>>
    %c0_i32 = arith.constant 0 : i32
    %c0_i32_1 = arith.constant 0 : i32
    %c0_i32_2 = arith.constant 0 : i32
    return %get3A_0, %c0_i32, %c0_i32_1 : i32, i32, i32
  }
  func.func @transform_2(%arg0: i32, %arg1: memref<40xi32, #tpu.memory_space<smem>>) -> (i32, i32, i32) {
    %get3A = arith.index_cast %arg0 : i32 to index
    %get3A_0 = memref.load %arg1[%get3A] : memref<40xi32, #tpu.memory_space<smem>>
    %c0_i32 = arith.constant 0 : i32
    %c0_i32_1 = arith.constant 0 : i32
    %c0_i32_2 = arith.constant 0 : i32
    return %get3A_0, %c0_i32, %c0_i32_1 : i32, i32, i32
  }
  func.func @transform_3(%arg0: i32, %arg1: memref<40xi32, #tpu.memory_space<smem>>) -> (i32, i32) {
    %c0_i32 = arith.constant 0 : i32
    %c0_i32_0 = arith.constant 0 : i32
    return %arg0, %c0_i32 : i32, i32
  }
}

module attributes {stable_mosaic.version = 14 : i64} {
  func.func @_shared_body(%arg0: i32, %arg1: i32, %arg2: memref<512x1024xbf16, #tpu.memory_space<vmem>>, %arg3: memref<1024x1024xbf16, #tpu.memory_space<vmem>>, %arg4: memref<1024x1024xbf16, #tpu.memory_space<vmem>>, %arg5: memref<1024x1024xbf16, #tpu.memory_space<vmem>>, %arg6: memref<512x1024xf32, #tpu.memory_space<vmem>>, %arg7: memref<512x1024xf32, #tpu.memory_space<vmem>>, %arg8: memref<1x1x512xf32, #tpu.memory_space<vmem>>, %arg9: memref<1x1x512xf32, #tpu.memory_space<vmem>>, %arg10: memref<512x1024xf32, #tpu.memory_space<vmem>>) attributes {dimension_semantics = [#tpu.dimension_semantics<arbitrary>, #tpu.dimension_semantics<arbitrary>], iteration_bounds = array<i64: 8, 4>, scalar_prefetch = 0 : i64, scratch_operands = 0 : i64, tpu.core_type = #tpu.core_type<tc>, window_params = [{transform_indices = @transform_0, window_bounds = array<i64: 512, 1024>}, {transform_indices = @transform_1, window_bounds = array<i64: 1024, 1024>}, {transform_indices = @transform_2, window_bounds = array<i64: 1024, 1024>}, {transform_indices = @transform_3, window_bounds = array<i64: 1024, 1024>}, {transform_indices = @transform_4, window_bounds = array<i64: 512, 1024>}, {transform_indices = @transform_5, window_bounds = array<i64: 512, 1024>}, {transform_indices = @transform_6, window_bounds = array<i64: 1, 1, 512>}, {transform_indices = @transform_7, window_bounds = array<i64: 1, 1, 512>}, {transform_indices = @transform_8, window_bounds = array<i64: 512, 1024>}]} {
    %get3A = arith.constant 0 : index
    %get3A_0 = arith.constant 0 : index
    %get3A_1 = vector.load %arg2[%get3A, %get3A_0] : memref<512x1024xbf16, #tpu.memory_space<vmem>>, vector<512x1024xbf16>
    %get3A_2 = arith.constant 0 : index
    %get3A_3 = arith.constant 0 : index
    %get3A_4 = vector.load %arg3[%get3A_2, %get3A_3] : memref<1024x1024xbf16, #tpu.memory_space<vmem>>, vector<1024x1024xbf16>
    %dot_general3A = arith.constant dense<0.000000e+00> : vector<512x1024xf32>
    %dot_general3A_5 = tpu.matmul %get3A_1, %get3A_4, %dot_general3A {dimension_numbers = #tpu.dot_dimension_numbers<[1], [1], [0], [0], [0, 0, 1, 0], [], []>, transpose_lhs_hint = false} : vector<512x1024xbf16>, vector<1024x1024xbf16>, vector<512x1024xf32> -> vector<512x1024xf32>
    %get3A_6 = arith.constant 0 : index
    %get3A_7 = arith.constant 0 : index
    %get3A_8 = vector.load %arg4[%get3A_6, %get3A_7] : memref<1024x1024xbf16, #tpu.memory_space<vmem>>, vector<1024x1024xbf16>
    %dot_general3A_9 = arith.constant dense<0.000000e+00> : vector<512x1024xf32>
    %dot_general3A_10 = tpu.matmul %get3A_1, %get3A_8, %dot_general3A_9 {dimension_numbers = #tpu.dot_dimension_numbers<[1], [1], [0], [0], [0, 0, 1, 0], [], []>, transpose_lhs_hint = false} : vector<512x1024xbf16>, vector<1024x1024xbf16>, vector<512x1024xf32> -> vector<512x1024xf32>
    %neg3A = arith.constant 0.000000e+00 : f32
    %neg3A_11 = vector.broadcast %neg3A : f32 to vector<512x1024xf32>
    %neg3A_12 = arith.subf %neg3A_11, %dot_general3A_5 : vector<512x1024xf32>
    %exp3A = math.exp %neg3A_12 : vector<512x1024xf32>
    %add3A = arith.constant 1.000000e+00 : f32
    %add3A_13 = vector.broadcast %add3A : f32 to vector<512x1024xf32>
    %add3A_14 = arith.addf %add3A_13, %exp3A : vector<512x1024xf32>
    %div3A = arith.constant 1.000000e+00 : f32
    %div3A_15 = vector.broadcast %div3A : f32 to vector<512x1024xf32>
    %div3A_16 = arith.divf %div3A_15, %add3A_14 : vector<512x1024xf32>
    %mul3A = arith.mulf %dot_general3A_5, %div3A_16 : vector<512x1024xf32>
    %mul3A_17 = arith.mulf %mul3A, %dot_general3A_10 : vector<512x1024xf32>
    %convert_element_type3A = arith.truncf %mul3A_17 : vector<512x1024xf32> to vector<512x1024xbf16>
    %get3A_18 = arith.constant 0 : index
    %get3A_19 = arith.constant 0 : index
    %get3A_20 = vector.load %arg5[%get3A_18, %get3A_19] : memref<1024x1024xbf16, #tpu.memory_space<vmem>>, vector<1024x1024xbf16>
    %dot_general3A_21 = arith.constant dense<0.000000e+00> : vector<512x1024xf32>
    %dot_general3A_22 = tpu.matmul %convert_element_type3A, %get3A_20, %dot_general3A_21 {dimension_numbers = #tpu.dot_dimension_numbers<[1], [1], [0], [0], [0, 0, 1, 0], [], []>, transpose_lhs_hint = false} : vector<512x1024xbf16>, vector<1024x1024xbf16>, vector<512x1024xf32> -> vector<512x1024xf32>
    %eq3A = arith.constant 0 : i32
    %eq3A_23 = arith.cmpi eq, %arg1, %eq3A : i32
    %convert_element_type3A_24 = arith.extui %eq3A_23 : i1 to i32
    %cond3A = arith.constant 0 : i32
    %cond3A_25 = arith.cmpi ne, %convert_element_type3A_24, %cond3A : i32
    scf.if %cond3A_25 {
      %iota3A = tpu.iota {dimensions = array<i32: 0>} : vector<512x512xi32>
      %iota3A_30 = tpu.iota {dimensions = array<i32: 1>} : vector<512x512xi32>
      %eq3A_31 = arith.cmpi eq, %iota3A, %iota3A_30 : vector<512x512xi32>
      %convert_element_type3A_32 = arith.extui %eq3A_31 : vector<512x512xi1> to vector<512x512xi32>
      %convert_element_type3A_33 = arith.sitofp %convert_element_type3A_32 : vector<512x512xi32> to vector<512x512xf32>
      %get3A_34 = arith.constant 0 : index
      %get3A_35 = arith.constant 0 : index
      %get3A_36 = arith.constant 0 : index
      %get3A_37 = vector.load %arg8[%get3A_34, %get3A_35, %get3A_36] : memref<1x1x512xf32, #tpu.memory_space<vmem>>, vector<1x1x512xf32>
      %get3A_38 = vector.shape_cast %get3A_37 : vector<1x1x512xf32> to vector<1x512xf32>
      %dot_general3A_39 = arith.constant dense<0.000000e+00> : vector<512x1xf32>
      %dot_general3A_40 = tpu.matmul %convert_element_type3A_33, %get3A_38, %dot_general3A_39 {dimension_numbers = #tpu.dot_dimension_numbers<[1], [1], [0], [0], [0, 0, 1, 0], [], []>, precision = #tpu.contract_precision<fp32>, transpose_lhs_hint = false} : vector<512x512xf32>, vector<1x512xf32>, vector<512x1xf32> -> vector<512x1xf32>
      %get3A_41 = arith.constant 0 : index
      %get3A_42 = arith.constant 0 : index
      %get3A_43 = arith.constant 0 : index
      %get3A_44 = vector.load %arg9[%get3A_41, %get3A_42, %get3A_43] : memref<1x1x512xf32, #tpu.memory_space<vmem>>, vector<1x1x512xf32>
      %get3A_45 = vector.shape_cast %get3A_44 : vector<1x1x512xf32> to vector<1x512xf32>
      %dot_general3A_46 = arith.constant dense<0.000000e+00> : vector<512x1xf32>
      %dot_general3A_47 = tpu.matmul %convert_element_type3A_33, %get3A_45, %dot_general3A_46 {dimension_numbers = #tpu.dot_dimension_numbers<[1], [1], [0], [0], [0, 0, 1, 0], [], []>, precision = #tpu.contract_precision<fp32>, transpose_lhs_hint = false} : vector<512x512xf32>, vector<1x512xf32>, vector<512x1xf32> -> vector<512x1xf32>
      %get3A_48 = arith.constant 0 : index
      %get3A_49 = arith.constant 0 : index
      %get3A_50 = vector.load %arg6[%get3A_48, %get3A_49] : memref<512x1024xf32, #tpu.memory_space<vmem>>, vector<512x1024xf32>
      %mul3A_51 = vector.broadcast %dot_general3A_40 : vector<512x1xf32> to vector<512x1024xf32>
      %mul3A_52 = arith.mulf %mul3A_51, %get3A_50 : vector<512x1024xf32>
      %add3A_53 = arith.addf %dot_general3A_22, %mul3A_52 : vector<512x1024xf32>
      %get3A_54 = arith.constant 0 : index
      %get3A_55 = arith.constant 0 : index
      %get3A_56 = vector.load %arg7[%get3A_54, %get3A_55] : memref<512x1024xf32, #tpu.memory_space<vmem>>, vector<512x1024xf32>
      %mul3A_57 = vector.broadcast %dot_general3A_47 : vector<512x1xf32> to vector<512x1024xf32>
      %mul3A_58 = arith.mulf %mul3A_57, %get3A_56 : vector<512x1024xf32>
      %add3A_59 = arith.addf %add3A_53, %mul3A_58 : vector<512x1024xf32>
      %swap3A = arith.constant 0 : index
      %swap3A_60 = arith.constant 0 : index
      %swap3A_61 = vector.load %arg10[%swap3A, %swap3A_60] : memref<512x1024xf32, #tpu.memory_space<vmem>>, vector<512x1024xf32>
      tpu.vector_store %arg10[%swap3A, %swap3A_60], %add3A_59 {strides = array<i32>} : memref<512x1024xf32, #tpu.memory_space<vmem>>, vector<512x1024xf32>,
    } else {
    }
    %ne3A = arith.constant 0 : i32
    %ne3A_26 = arith.cmpi ne, %arg1, %ne3A : i32
    %convert_element_type3A_27 = arith.extui %ne3A_26 : i1 to i32
    %cond3A_28 = arith.constant 0 : i32
    %cond3A_29 = arith.cmpi ne, %convert_element_type3A_27, %cond3A_28 : i32
    scf.if %cond3A_29 {
      %get3A_30 = arith.constant 0 : index
      %get3A_31 = arith.constant 0 : index
      %get3A_32 = vector.load %arg10[%get3A_30, %get3A_31] : memref<512x1024xf32, #tpu.memory_space<vmem>>, vector<512x1024xf32>
      %add3A_33 = arith.addf %get3A_32, %dot_general3A_22 : vector<512x1024xf32>
      %swap3A = arith.constant 0 : index
      %swap3A_34 = arith.constant 0 : index
      %swap3A_35 = vector.load %arg10[%swap3A, %swap3A_34] : memref<512x1024xf32, #tpu.memory_space<vmem>>, vector<512x1024xf32>
      tpu.vector_store %arg10[%swap3A, %swap3A_34], %add3A_33 {strides = array<i32>} : memref<512x1024xf32, #tpu.memory_space<vmem>>, vector<512x1024xf32>,
    } else {
    }
    return
  }
  func.func @transform_0(%arg0: i32, %arg1: i32) -> (i32, i32) {
    %c0_i32 = arith.constant 0 : i32
    %c0_i32_0 = arith.constant 0 : i32
    return %arg0, %c0_i32 : i32, i32
  }
  func.func @transform_1(%arg0: i32, %arg1: i32) -> (i32, i32) {
    %c0_i32 = arith.constant 0 : i32
    %c0_i32_0 = arith.constant 0 : i32
    return %arg1, %c0_i32 : i32, i32
  }
  func.func @transform_2(%arg0: i32, %arg1: i32) -> (i32, i32) {
    %c0_i32 = arith.constant 0 : i32
    %c0_i32_0 = arith.constant 0 : i32
    return %arg1, %c0_i32 : i32, i32
  }
  func.func @transform_3(%arg0: i32, %arg1: i32) -> (i32, i32) {
    %c0_i32 = arith.constant 0 : i32
    %c0_i32_0 = arith.constant 0 : i32
    return %c0_i32, %arg1 : i32, i32
  }
  func.func @transform_4(%arg0: i32, %arg1: i32) -> (i32, i32) {
    %c0_i32 = arith.constant 0 : i32
    %c0_i32_0 = arith.constant 0 : i32
    return %arg0, %c0_i32 : i32, i32
  }
  func.func @transform_5(%arg0: i32, %arg1: i32) -> (i32, i32) {
    %add3A = arith.constant 8 : i32
    %add3A_0 = arith.addi %arg0, %add3A : i32
    %c0_i32 = arith.constant 0 : i32
    %c0_i32_1 = arith.constant 0 : i32
    return %add3A_0, %c0_i32 : i32, i32
  }
  func.func @transform_6(%arg0: i32, %arg1: i32) -> (i32, i32, i32) {
    %c0_i32 = arith.constant 0 : i32
    %c0_i32_0 = arith.constant 0 : i32
    %c0_i32_1 = arith.constant 0 : i32
    return %c0_i32, %c0_i32_0, %arg0 : i32, i32, i32
  }
  func.func @transform_7(%arg0: i32, %arg1: i32) -> (i32, i32, i32) {
    %c1_i32 = arith.constant 1 : i32
    %c0_i32 = arith.constant 0 : i32
    %c0_i32_0 = arith.constant 0 : i32
    return %c1_i32, %c0_i32, %arg0 : i32, i32, i32
  }
  func.func @transform_8(%arg0: i32, %arg1: i32) -> (i32, i32) {
    %c0_i32 = arith.constant 0 : i32
    %c0_i32_0 = arith.constant 0 : i32
    return %arg0, %c0_i32 : i32, i32
  }
}

</mosaic_0001>

<sc_bundles>
// kernel: kernel.10.cloned.1.call-start
scs
__scs_entry_jumppad:
0x0: {  	(pc) =	sbr.rel $0x88, $3  }
0x1: {  	(tag) =	ssettag $0x0;
	lr =	simm.s32 $0x1  }
0x2: {  	[smem:$0x3F99] =	sst lr;
	_ =	strace $0xD0000000  }
0x3: {  	_ = 	snop  }
0x4: {  	_ = 	snop  }
0x5: {  	_ = 	snop  }
0x6: {  	_ = 	snop  }
0x7: {  	_ = 	snop  }
__scs_overlays_trampoline_lowered:
0x8: {  	[smem:$0x3FA8] =	sst s0  }
0x9: {  	[smem:$0x3FA9] =	sst s1  }
0xa: {  	[smem:$0x3FAA] =	sst s2  }
0xb: {  	[smem:$0x3FAB] =	sst s3  }
0xc: {  	[smem:$0x3FAC] =	sst s4  }
0xd: {  	[smem:$0x3FAD] =	sst s5  }
0xe: {  	[smem:$0x3FAE] =	sst s6  }
0xf: {  	[smem:$0x3FAF] =	sst s7  }
0x10: {  	[smem:$0x3FB0] =	sst s8  }
0x11: {  	[smem:$0x3FB1] =	sst s9;
	s0 =	simm.s32 @!p0 $0x0  }
0x12: {  	s1 =	sld [smem:$0x3F97];
	s0 =	simm.s32 @p0 $0x1  }
0x13: {  	[smem:$0x3FB2] =	sst s0;
	s0 =	simm.s32 @!p1 $0x0  }
0x14: {  	s2 =	sld [smem:$0x3F96];
	s0 =	simm.s32 @p1 $0x1  }
0x15: {  	[smem:$0x3FB3] =	sst s0;
	s0 =	simm.s32 @!p2 $0x0  }
0x16: {  	s3 =	sld [smem:$0x3FDB];
	s0 =	simm.s32 @p2 $0x1  }
0x17: {  	s4 =	simm.s32 $0x1BF5;
	[smem:$0x3FB5] =	sst s0  }
0x18: {  	s0 =	sld [smem:$0x3F98];
	_ =	swait.ge [sflag:s4], $0x0  }
0x19: {  	s7 =	sld [smem:$0x3F99]  }
0x1a: {  	s8 =	sadd.s32 $0xFFFFE003, lr  }
0x1b: {  	s9 =	sadd.s32 $0xFFFFFEF7, lr;
	s5 =	simm.s32 $0xFFFFFFFF;
	p2 =	slt.u32 s8, $0xFFFFF086  }
0x1c: {  	p1 =	slt.u32 s9, $0xF7A;
	s5 =	simm.s32 @!p2 $0x0  }
0x1d: {  	s5 =	simm.s32 @p1 $0x1;
	p0 =	seq.s32 s7, s2  }
0x1e: {  	s7 =	smul.u32 @!p0 $0xF7A, s2;
	p2 =	seq.s32 @!p0 s5, $0x0  }
0x1f: {  	s9 =	smul.u32 $0xF7A, s1;
	s8 =	simm.s32 @!p0 $0x1BF5;
	p2 =	por !p2, p0  }
0x20: {  	[sflag:s8] =	ssyncset.s32 @!p0 $0xFFFFF086;
	s6 =	sadd.s32 @!p0 s3, s7;
	s7 =	simm.s32 @!p0 $0x108  }
0x21: {  	s3 =	sadd.s32 s3, s9;
	s6 =	sadd.s32 @!p0 $0x88, s6;
	s7 =	simm.s32 @p2 $0x1082  }
0x22: {  	[simem:s7], [sflag:s8] =	dma.local @!p0 [hbm:s6], $0xF7A  }
0x23: {  	s9 =	sor.u32 $0xD0000000, s2;
	s6 =	simm.s32 $0x108;
	_ =	swait.ge @!p0 [sflag:s8], $0x0  }
0x24: {  	s3 =	sadd.s32 $0x88, s3;
	s6 =	simm.s32 @!p1 $0x1082;
	[sflag:s4] =	ssyncset.s32 $0xFFFFF086  }
0x25: {  	[simem:s6], [sflag:s4] =	dma.local [hbm:s3], $0xF7A  }
0x26: {  	[smem:$0x3F99] =	sst s1;
	(tag) =	ssettag s2;
	_ =	strace s9  }
0x27: {  	s1 =	sld [smem:$0x3FA9]  }
0x28: {  	s2 =	sld [smem:$0x3FAA]  }
0x29: {  	s4 =	sld [smem:$0x3FAC]  }
0x2a: {  	p0 =	seq.s32 s5, $0x0;
	s5 =	sld [smem:$0x3FAD]  }
0x2b: {  	s6 =	sld [smem:$0x3FAE]  }
0x2c: {  	s7 =	sld [smem:$0x3FAF]  }
0x2d: {  	s3 =	simm.s32 $0x108;
	s8 =	sld [smem:$0x3FB0]  }
0x2e: {  	s3 =	simm.s32 @!p0 $0x1082;
	s9 =	sld [smem:$0x3FB1]  }
0x2f: {  	lr =	sadd.s32 s0, s3;
	s0 =	sld [smem:$0x3FA8]  }
0x30: {  	s3 =	sld [smem:$0x3FAB]  }
0x31: {  	[smem:$0x3FB4] =	sst s10  }
0x32: {  	s10 =	sld [smem:$0x3FB2];
	_ =	sdelay $0x3  }
0x33: {  	p0 =	seq.s32 s10, $0x1;
	s10 =	sld [smem:$0x3FB4];
	_ =	sdelay $0x3  }
0x34: {  	[smem:$0x3FB4] =	sst s10  }
0x35: {  	s10 =	sld [smem:$0x3FB3];
	_ =	sdelay $0x3  }
0x36: {  	p1 =	seq.s32 s10, $0x1;
	s10 =	sld [smem:$0x3FB4];
	_ =	sdelay $0x3  }
0x37: {  	[smem:$0x3FB4] =	sst s10  }
0x38: {  	s10 =	sld [smem:$0x3FB5]  }
0x39: {  	_ = 	snop;
	(pc) =	sbr.ind lr, $3  }
0x3a: {  	_ = 	snop  }
0x3b: {  	_ = 	snop  }
0x3c: {  	p2 =	seq.s32 s10, $0x1;
	s10 =	sld [smem:$0x3FB4]  }
0x3d: {  	_ =	shalt  }
0x3e: {  	_ =	shalt  }
0x3f: {  	_ =	shalt  }
0x40: {  	_ =	shalt  }
0x41: {  	_ =	shalt  }
0x42: {  	_ =	shalt  }
0x43: {  	_ =	shalt  }
0x44: {  	_ =	shalt  }
0x45: {  	_ =	shalt  }
0x46: {  	_ =	shalt  }
0x47: {  	_ =	shalt  }
0x48: {  	_ =	shalt  }
0x49: {  	_ =	shalt  }
0x4a: {  	_ =	shalt  }
0x4b: {  	_ =	shalt  }
0x4c: {  	_ =	shalt  }
0x4d: {  	_ =	shalt  }
0x4e: {  	_ =	shalt  }
0x4f: {  	_ =	shalt  }
0x50: {  	_ =	shalt  }
0x51: {  	_ =	shalt  }
0x52: {  	_ =	shalt  }
0x53: {  	_ =	shalt  }
0x54: {  	_ =	shalt  }
0x55: {  	_ =	shalt  }
0x56: {  	_ =	shalt  }
0x57: {  	_ =	shalt  }
0x58: {  	_ =	shalt  }
0x59: {  	_ =	shalt  }
0x5a: {  	_ =	shalt  }
0x5b: {  	_ =	shalt  }
0x5c: {  	_ =	shalt  }
0x5d: {  	_ =	shalt  }
0x5e: {  	_ =	shalt  }
0x5f: {  	_ =	shalt  }
0x60: {  	_ =	shalt  }
0x61: {  	_ =	shalt  }
0x62: {  	_ =	shalt  }
0x63: {  	_ =	shalt  }
0x64: {  	_ =	shalt  }
0x65: {  	_ =	shalt  }
0x66: {  	_ =	shalt  }
0x67: {  	_ =	shalt  }
0x68: {  	_ =	shalt  }
0x69: {  	_ =	shalt  }
0x6a: {  	_ =	shalt  }
0x6b: {  	_ =	shalt  }
0x6c: {  	_ =	shalt  }
0x6d: {  	_ =	shalt  }
0x6e: {  	_ =	shalt  }
0x6f: {  	_ =	shalt  }
0x70: {  	_ =	shalt  }
0x71: {  	_ =	shalt  }
0x72: {  	_ =	shalt  }
0x73: {  	_ =	shalt  }
0x74: {  	_ =	shalt  }
0x75: {  	_ =	shalt  }
0x76: {  	_ =	shalt  }
0x77: {  	_ =	shalt  }
0x78: {  	_ =	shalt  }
0x79: {  	_ =	shalt  }
0x7a: {  	_ =	shalt  }
0x7b: {  	_ =	shalt  }
0x7c: {  	_ =	shalt  }
0x7d: {  	_ =	shalt  }
0x7e: {  	_ =	shalt  }
0x7f: {  	_ =	shalt  }
0x80: {  	_ =	shalt  }
0x81: {  	_ =	shalt  }
0x82: {  	_ =	shalt  }
0x83: {  	_ =	shalt  }
0x84: {  	_ =	shalt  }
0x85: {  	_ =	shalt  }
0x86: {  	_ =	shalt  }
0x87: {  	_ =	shalt  }
.Lfunc_end0:
.L_simem_size_0:
called_computation.1_lowered:
.L_overlay_start_0:
0x88: {  	s2 =	sld [smem:$0x3FD9]  }
0x89: {  	s3 =	sld [smem:$0x3FFE];
	_ =	sdelay $0x1  }
0x8a: {  	s1 =	srdreg.scid  }
0x8b: {  	s0 =	sand.u32 $0x1, s1  }
0x8c: {  	s16 =	sshll.u32 s0, $0xA;
	s2 =	sadd.s32 s3, s2  }
0x8d: {  	s2 =	sadd.s32 s2, s16  }
0x8e: {  	[smem:$0x3FC0] =	sst s2  }
0x8f: {  	_ = 	snop  }
0x90: {  	(tm) =	ssettm $0x1  }
0x91: {  	s17 =	sld [smem:$0x3FFB];
	_ =	sdelay $0x3  }
0x92: {  	_ =	strace s17  }
0x93: {  	s2 =	sld [smem:$0x3FFC];
	_ =	sdelay $0x3  }
0x94: {  	_ =	strace s2  }
0x95: {  	s2 =	sld [smem:$0x3FFD];
	_ =	sdelay $0x3  }
0x96: {  	_ =	strace s2  }
0x97: {  	_ =	strace $0x8FFFFFFF  }
0x98: {  	s18 =	sld [smem:$0x3FDB];
	_ =	sdelay $0x1  }
0x99: {  	s19 =	simm.s32 $_scs_section_size  }
0x9a: {  	s4 =	simm.s32 $_size__tile_overlayer_lowered;
	s5 =	simm.s32 $_tile_overlayer_lowered  }
0x9b: {  	s22 =	simm.s32 $0x1BFF;
	s21 =	sshll.u32 s5, $0x1;
	s2 =	sadd.s32 s19, s18  }
0x9c: {  	s6 =	simm.s32 $0x0;
	s20 =	sshll.u32 s4, $0x1;
	s4 =	sadd.s32 s21, s2  }
0x9d: {  	[timem:s6], [sflag:s22] =	dma.local [hbm:s4], s20  }
0x9e: {  	_ =	swait.ge [sflag:s22], s20  }
0x9f: {  	s3 =	ssub.s32 $0x0, s20;
	[sflag:s22] =	ssyncset.done $0x0  }
0xa0: {  	[sflag:s22] =	ssyncadd.s32 s3;
	_ =	sdelay $0x1  }
0xa1: {  	s23 =	simm.s32 $0x1B8B  }
0xa2: {  	_ =	swait.ge [sflag:s23], $0x1  }
0xa3: {  	[sflag:s23] =	ssyncset.done $0x0  }
0xa4: {  	s25 =	simm.s32 $0x1B8E;
	s24 =	sld [smem:$0x3FFE];
	[sflag:s23] =	ssyncadd.s32 $0xFFFFFFFF  }
0xa5: {  	s26 =	simm.s32 $execute0_lowered;
	[smem:$0x3FD2] =	sst s25  }
0xa6: {  	s4 =	sshll.u32 s26, $0x1;
	_ =	strace $0x80000049;
	[dreg:$0x1] =	wrdreg $0xFFFFFFFF  }
0xa7: {  	s28 =	simm.s32 $_size_execute0_lowered;
	s2 =	sadd.s32 s2, s4;
	[dreg:$0x0] =	wrdreg $0x0  }
0xa8: {  	s4 =	sshll.u32 s28, $0x1;
	[dreg:$0x2] =	wrdreg s2  }
0xa9: {  	[dreg:$0x3] =	wrdreg s4  }
0xaa: {  	[dreg:$0x4] =	wrdreg $0xC0  }
0xab: {  	_ =	task [dreg:s6], $0x5FFFF  }
0xac: {  	[dreg:$0x1] =	wrdreg $0xFFFFFFFF  }
0xad: {  	[dreg:$0x0] =	wrdreg $0x60  }
0xae: {  	[dreg:$0x2] =	wrdreg s24  }
0xaf: {  	[dreg:$0x3] =	wrdreg $0x9  }
0xb0: {  	_ =	task.clear_ibuf [dreg:s6], $0x4FFFF;
	_ =	strace $0x90000049  }
0xb1: {  	s29 =	simm.s32 $0x9;
	_ =	strace $0x8000004B  }
0xb2: {  	_ =	swait.ge [sflag:s29], $0x1  }
0xb3: {  	[sflag:s29] =	ssyncadd.s32 $0xFFFFFFFF  }
0xb4: {  	_ =	strace $0x9000004B  }
0xb5: {  	_ =	sfence  }
0xb6: {  	s30 =	sld [smem:$0x0];
	_ =	sdelay $0x2  }
0xb7: {  	s31 =	sshll.u32 s1, $0xD;
	s1 =	sshrl.u32 s1, $0x2  }
0xb8: {  	s3 =	sand.u32 $0x4000, s31;
	s1 =	sadd.s32 s1, s30  }
0xb9: {  	s0 =	sor.u32 s3, s0;
	s1 =	sshll.u32 s1, $0x11  }
0xba: {  	s0 =	sor.u32 s1, s0  }
0xbb: {  	s0 =	sadd.s32 $0x8F2B, s0  }
0xbc: {  	[sflag:s0] =	ssyncadd.remote.s32 $0x1  }
0xbd: {  	_ =	sfence.sel $0xFFFF  }
0xbe: {  	[dreg:$0x0] =	wrdreg $0xFFFFFFFF;
	(pc) =	sbr.abs _section_cstart, $3  }
0xbf: {  	[dreg:$0x1] =	wrdreg $0xFFFFFFFF  }
0xc0: {  	_ =	task.clear_ibuf [dreg:s6], $0x2FFFF;
	_ =	strace $0x9FFFFFFF  }
0xc1: {  	(tm) =	ssettm $0x7FFFFFFF  }
tec
execute0_lowered:
.L_overlay_start_1:
0x0: {  	(tag) =	ssettag $0x1  }
0x1: {  	s0 =	srdreg.scid  }
0x2: {  	s1 =	rddreg [dreg:$0x0];
	s6 =	stileid.u32  }
0x3: {  	s2 =	simm.s32 $0x0;
	s0 =	sand.u32 $0x1, s0;
	s4 =	sshll.u32 s6, $0x10  }
0x4: {  	s6 =	sshll.u32 s6, $0x7;
	[smem:$0x7FF] =	sst s2;
	s3 =	sshll.u32 s0, $0x6  }
0x5: {  	s5 =	sshll.u32 s0, $0xF;
	_ =	strace $0x8000004A;
	s3 =	sadd.s32 s3, s1  }
0x6: {  	s0 =	ssub.s32 $0x2, s0;
	s4 =	sor.u32 s5, s4;
	s3 =	sadd.s32 s6, s3  }
0x7: {  	s29 =	sshrl.u32 s0, $0x1;
	s4 =	sadd.s32 s4, s1;
	s25 =	sadd.s32 $0x43200, s3  }
0x8: {  	s0 =	ssub.s32 s0, s29;
	s26 =	sadd.s32 $0x43A00, s4;
	[dreg:$0x2] =	wrdreg s25  }
0x9: {  	s6 =	simm.s32 $0x1;
	s28 =	sadd.s32 $0x45A00, s4;
	[dreg:$0x3] =	wrdreg s26  }
0xa: {  	v2 =	vlaneseq.u32;
	s3 =	sadd.s32 $0x183A00, s1;
	s30 =	sadd.s32 $0x47A00, s4;
	[dreg:$0x4] =	wrdreg s28  }
0xb: {  	vm0 =	vmmov $0xffff;
	v1 =	vshrl.u32 v2, $0x3;
	s31 =	sadd.s32 $0x49A00, s4;
	s4 =	sadd.s32 $0x183B00, s1;
	[dreg:$0x5] =	wrdreg s30  }
0xc: {  	v0 =	vand.u32 $0x7, v2;
	v2 =	vor.u32 $0x8, v2;
	v1 =	vmul.u32 $0x8, v1;
	s5 =	smax.u32 s0, $0x1;
	[dreg:$0x6] =	wrdreg s31;
	s25 =	simm.s32 $0x200  }
.LBB2_1:
0xd: {  	s14 =	rddreg [dreg:$0x2]  }
0xe: {  	[tilespmem:s2], [sflag:$0x1] =	stream.linear.gather [hbm4b:s14+s2], $0x200, $0x38;
	[tilespmem:$0x10200] =	vst v63  }
0xf: {  	_ =	swait.ge [sflag:s6], $0x200  }
0x10: {  	[sflag:s6] =	ssyncset.done $0x0  }
0x11: {  	[sflag:s6] =	ssyncadd.s32 $0xFFFFFE00  }
0x12: {  	v3 =	vld [tilespmem:$0x0];
	_ =	sdelay $0x4  }
0x13: {  	v4 =	vshll.u32 v3, $0x2  }
0x14: {  	v3 =	vand.u32 $0x7, v3;
	v4 =	vand.u32 $0xFFFFFFE0, v4  }
0x15: {  	v3 =	vor.u32 v3, v4  }
0x16: {  	v4 =	vperm.xlane v3, v0;
	_ =	sdelay $0x1  }
0x17: {  	v4 =	vadd.s32 v1, v4;
	_ =	sdelay $0x1  }
0x18: {  	v3 =	vperm.xlane v3, v2;
	_ =	sdelay $0x1  }
0x19: {  	v3 =	vadd.s32 v1, v3  }
0x1a: {  	[tilespmem:s25], [sflag:$0x1] =	stream.indirect_vreg.gather [hbm4b:s3+s2], $0x80, v4, vm0, $0xb8;
	[tilespmem:$0x10200] =	vst v63  }
0x1b: {  	s0 =	simm.s32 $0xA00  }
0x1c: {  	[tilespmem:s0], [sflag:$0x1] =	stream.indirect_vreg.gather [hbm4b:s4+s2], $0x80, v4, vm0, $0xb8;
	[tilespmem:$0x10200] =	vst v63  }
0x1d: {  	s13 =	simm.s32 $0x1200  }
0x1e: {  	[tilespmem:s13], [sflag:$0x1] =	stream.indirect_vreg.gather [hbm4b:s3+s2], $0x80, v3, vm0, $0xb8;
	[tilespmem:$0x10200] =	vst v63  }
0x1f: {  	s14 =	simm.s32 $0x1A00  }
0x20: {  	[tilespmem:s14], [sflag:$0x1] =	stream.indirect_vreg.gather [hbm4b:s4+s2], $0x80, v3, vm0, $0xb8;
	[tilespmem:$0x10200] =	vst v63  }
0x21: {  	v3 =	vld [tilespmem:$0x10];
	_ =	sdelay $0x4  }
0x22: {  	v33 =	vshll.u32 v3, $0x2  }
0x23: {  	v3 =	vand.u32 $0x7, v3;
	v4 =	vand.u32 $0xFFFFFFE0, v33  }
0x24: {  	v3 =	vor.u32 v3, v4  }
0x25: {  	v4 =	vperm.xlane v3, v0;
	_ =	sdelay $0x1  }
0x26: {  	v4 =	vadd.s32 v1, v4;
	_ =	sdelay $0x1  }
0x27: {  	v3 =	vperm.xlane v3, v2;
	_ =	sdelay $0x1  }
0x28: {  	s15 =	simm.s32 $0x2200;
	v3 =	vadd.s32 v1, v3  }
0x29: {  	[tilespmem:s15], [sflag:$0x1] =	stream.indirect_vreg.gather [hbm4b:s3+s2], $0x80, v4, vm0, $0xb8;
	[tilespmem:$0x10200] =	vst v63  }
0x2a: {  	s16 =	simm.s32 $0x2A00  }
0x2b: {  	[tilespmem:s16], [sflag:$0x1] =	stream.indirect_vreg.gather [hbm4b:s4+s2], $0x80, v4, vm0, $0xb8;
	[tilespmem:$0x10200] =	vst v63  }
0x2c: {  	s17 =	simm.s32 $0x3200  }
0x2d: {  	[tilespmem:s17], [sflag:$0x1] =	stream.indirect_vreg.gather [hbm4b:s3+s2], $0x80, v3, vm0, $0xb8;
	[tilespmem:$0x10200] =	vst v63  }
0x2e: {  	s18 =	simm.s32 $0x3A00  }
0x2f: {  	[tilespmem:s18], [sflag:$0x1] =	stream.indirect_vreg.gather [hbm4b:s4+s2], $0x80, v3, vm0, $0xb8;
	[tilespmem:$0x10200] =	vst v63  }
0x30: {  	v3 =	vld [tilespmem:$0x20];
	_ =	sdelay $0x4  }
0x31: {  	v34 =	vshll.u32 v3, $0x2  }
0x32: {  	v3 =	vand.u32 $0x7, v3;
	v4 =	vand.u32 $0xFFFFFFE0, v34  }
0x33: {  	v3 =	vor.u32 v3, v4  }
0x34: {  	v4 =	vperm.xlane v3, v0;
	_ =	sdelay $0x1  }
0x35: {  	v4 =	vadd.s32 v1, v4;
	_ =	sdelay $0x1  }
0x36: {  	v3 =	vperm.xlane v3, v2;
	_ =	sdelay $0x1  }
0x37: {  	s19 =	simm.s32 $0x4200;
	v3 =	vadd.s32 v1, v3  }
0x38: {  	[tilespmem:s19], [sflag:$0x1] =	stream.indirect_vreg.gather [hbm4b:s3+s2], $0x80, v4, vm0, $0xb8;
	[tilespmem:$0x10200] =	vst v63  }
0x39: {  	s20 =	simm.s32 $0x4A00  }
0x3a: {  	[tilespmem:s20], [sflag:$0x1] =	stream.indirect_vreg.gather [hbm4b:s4+s2], $0x80, v4, vm0, $0xb8;
	[tilespmem:$0x10200] =	vst v63  }
0x3b: {  	s21 =	simm.s32 $0x5200  }
0x3c: {  	[tilespmem:s21], [sflag:$0x1] =	stream.indirect_vreg.gather [hbm4b:s3+s2], $0x80, v3, vm0, $0xb8;
	[tilespmem:$0x10200] =	vst v63  }
0x3d: {  	s22 =	simm.s32 $0x5A00  }
0x3e: {  	[tilespmem:s22], [sflag:$0x1] =	stream.indirect_vreg.gather [hbm4b:s4+s2], $0x80, v3, vm0, $0xb8;
	[tilespmem:$0x10200] =	vst v63  }
0x3f: {  	v3 =	vld [tilespmem:$0x30];
	_ =	sdelay $0x4  }
0x40: {  	v35 =	vshll.u32 v3, $0x2  }
0x41: {  	v3 =	vand.u32 $0x7, v3;
	v4 =	vand.u32 $0xFFFFFFE0, v35  }
0x42: {  	v3 =	vor.u32 v3, v4  }
0x43: {  	v4 =	vperm.xlane v3, v0;
	_ =	sdelay $0x1  }
0x44: {  	v4 =	vadd.s32 v1, v4;
	_ =	sdelay $0x1  }
0x45: {  	v3 =	vperm.xlane v3, v2;
	_ =	sdelay $0x1  }
0x46: {  	s23 =	simm.s32 $0x6200;
	v3 =	vadd.s32 v1, v3  }
0x47: {  	[tilespmem:s23], [sflag:$0x1] =	stream.indirect_vreg.gather [hbm4b:s3+s2], $0x80, v4, vm0, $0xb8;
	[tilespmem:$0x10200] =	vst v63  }
0x48: {  	s24 =	simm.s32 $0x6A00  }
0x49: {  	[tilespmem:s24], [sflag:$0x1] =	stream.indirect_vreg.gather [hbm4b:s4+s2], $0x80, v4, vm0, $0xb8;
	[tilespmem:$0x10200] =	vst v63  }
0x4a: {  	s26 =	simm.s32 $0x7200  }
0x4b: {  	[tilespmem:s26], [sflag:$0x1] =	stream.indirect_vreg.gather [hbm4b:s3+s2], $0x80, v3, vm0, $0xb8;
	[tilespmem:$0x10200] =	vst v63  }
0x4c: {  	s28 =	simm.s32 $0x7A00  }
0x4d: {  	[tilespmem:s28], [sflag:$0x1] =	stream.indirect_vreg.gather [hbm4b:s4+s2], $0x80, v3, vm0, $0xb8;
	[tilespmem:$0x10200] =	vst v63  }
0x4e: {  	v3 =	vld [tilespmem:$0x40];
	_ =	sdelay $0x4  }
0x4f: {  	v36 =	vshll.u32 v3, $0x2  }
0x50: {  	v3 =	vand.u32 $0x7, v3;
	v4 =	vand.u32 $0xFFFFFFE0, v36  }
0x51: {  	v3 =	vor.u32 v3, v4  }
0x52: {  	v4 =	vperm.xlane v3, v0;
	_ =	sdelay $0x1  }
0x53: {  	v4 =	vadd.s32 v1, v4;
	_ =	sdelay $0x1  }
0x54: {  	v3 =	vperm.xlane v3, v2;
	_ =	sdelay $0x1  }
0x55: {  	s29 =	simm.s32 $0x8200;
	v3 =	vadd.s32 v1, v3  }
0x56: {  	[tilespmem:s29], [sflag:$0x1] =	stream.indirect_vreg.gather [hbm4b:s3+s2], $0x80, v4, vm0, $0xb8;
	[tilespmem:$0x10200] =	vst v63  }
0x57: {  	s30 =	simm.s32 $0x8A00  }
0x58: {  	[tilespmem:s30], [sflag:$0x1] =	stream.indirect_vreg.gather [hbm4b:s4+s2], $0x80, v4, vm0, $0xb8;
	[tilespmem:$0x10200] =	vst v63  }
0x59: {  	s31 =	simm.s32 $0x9200  }
0x5a: {  	[tilespmem:s31], [sflag:$0x1] =	stream.indirect_vreg.gather [hbm4b:s3+s2], $0x80, v3, vm0, $0xb8;
	[tilespmem:$0x10200] =	vst v63  }
0x5b: {  	s12 =	simm.s32 $0x9A00  }
0x5c: {  	[tilespmem:s12], [sflag:$0x1] =	stream.indirect_vreg.gather [hbm4b:s4+s2], $0x80, v3, vm0, $0xb8;
	[tilespmem:$0x10200] =	vst v63  }
0x5d: {  	v3 =	vld [tilespmem:$0x50];
	_ =	sdelay $0x4  }
0x5e: {  	v37 =	vshll.u32 v3, $0x2  }
0x5f: {  	v3 =	vand.u32 $0x7, v3;
	v4 =	vand.u32 $0xFFFFFFE0, v37  }
0x60: {  	v3 =	vor.u32 v3, v4  }
0x61: {  	v4 =	vperm.xlane v3, v0;
	_ =	sdelay $0x1  }
0x62: {  	v4 =	vadd.s32 v1, v4;
	_ =	sdelay $0x1  }
0x63: {  	v3 =	vperm.xlane v3, v2;
	_ =	sdelay $0x1  }
0x64: {  	s13 =	simm.s32 $0xA200;
	v3 =	vadd.s32 v1, v3  }
0x65: {  	[tilespmem:s13], [sflag:$0x1] =	stream.indirect_vreg.gather [hbm4b:s3+s2], $0x80, v4, vm0, $0xb8;
	[tilespmem:$0x10200] =	vst v63  }
0x66: {  	s14 =	simm.s32 $0xAA00  }
0x67: {  	[tilespmem:s14], [sflag:$0x1] =	stream.indirect_vreg.gather [hbm4b:s4+s2], $0x80, v4, vm0, $0xb8;
	[tilespmem:$0x10200] =	vst v63  }
0x68: {  	s15 =	simm.s32 $0xB200  }
0x69: {  	[tilespmem:s15], [sflag:$0x1] =	stream.indirect_vreg.gather [hbm4b:s3+s2], $0x80, v3, vm0, $0xb8;
	[tilespmem:$0x10200] =	vst v63  }
0x6a: {  	s16 =	simm.s32 $0xBA00  }
0x6b: {  	[tilespmem:s16], [sflag:$0x1] =	stream.indirect_vreg.gather [hbm4b:s4+s2], $0x80, v3, vm0, $0xb8;
	[tilespmem:$0x10200] =	vst v63  }
0x6c: {  	v3 =	vld [tilespmem:$0x60];
	_ =	sdelay $0x4  }
0x6d: {  	v38 =	vshll.u32 v3, $0x2  }
0x6e: {  	v3 =	vand.u32 $0x7, v3;
	v4 =	vand.u32 $0xFFFFFFE0, v38  }
0x6f: {  	v3 =	vor.u32 v3, v4  }
0x70: {  	v4 =	vperm.xlane v3, v0;
	_ =	sdelay $0x1  }
0x71: {  	v4 =	vadd.s32 v1, v4;
	_ =	sdelay $0x1  }
0x72: {  	v3 =	vperm.xlane v3, v2;
	_ =	sdelay $0x1  }
0x73: {  	s17 =	simm.s32 $0xC200;
	v3 =	vadd.s32 v1, v3  }
0x74: {  	[tilespmem:s17], [sflag:$0x1] =	stream.indirect_vreg.gather [hbm4b:s3+s2], $0x80, v4, vm0, $0xb8;
	[tilespmem:$0x10200] =	vst v63  }
0x75: {  	s18 =	simm.s32 $0xCA00  }
0x76: {  	[tilespmem:s18], [sflag:$0x1] =	stream.indirect_vreg.gather [hbm4b:s4+s2], $0x80, v4, vm0, $0xb8;
	[tilespmem:$0x10200] =	vst v63  }
0x77: {  	s19 =	simm.s32 $0xD200  }
0x78: {  	[tilespmem:s19], [sflag:$0x1] =	stream.indirect_vreg.gather [hbm4b:s3+s2], $0x80, v3, vm0, $0xb8;
	[tilespmem:$0x10200] =	vst v63  }
0x79: {  	s20 =	simm.s32 $0xDA00  }
0x7a: {  	[tilespmem:s20], [sflag:$0x1] =	stream.indirect_vreg.gather [hbm4b:s4+s2], $0x80, v3, vm0, $0xb8;
	[tilespmem:$0x10200] =	vst v63  }
0x7b: {  	v3 =	vld [tilespmem:$0x70];
	_ =	sdelay $0x4  }
0x7c: {  	v39 =	vshll.u32 v3, $0x2  }
0x7d: {  	v3 =	vand.u32 $0x7, v3;
	v4 =	vand.u32 $0xFFFFFFE0, v39  }
0x7e: {  	v3 =	vor.u32 v3, v4  }
0x7f: {  	v4 =	vperm.xlane v3, v0;
	_ =	sdelay $0x1  }
0x80: {  	v4 =	vadd.s32 v1, v4;
	_ =	sdelay $0x1  }
0x81: {  	v3 =	vperm.xlane v3, v2;
	_ =	sdelay $0x1  }
0x82: {  	s21 =	simm.s32 $0xE200;
	v3 =	vadd.s32 v1, v3  }
0x83: {  	[tilespmem:s21], [sflag:$0x1] =	stream.indirect_vreg.gather [hbm4b:s3+s2], $0x80, v4, vm0, $0xb8;
	[tilespmem:$0x10200] =	vst v63  }
0x84: {  	s22 =	simm.s32 $0xEA00  }
0x85: {  	[tilespmem:s22], [sflag:$0x1] =	stream.indirect_vreg.gather [hbm4b:s4+s2], $0x80, v4, vm0, $0xb8;
	[tilespmem:$0x10200] =	vst v63  }
0x86: {  	s24 =	simm.s32 $0xF200  }
0x87: {  	[tilespmem:s24], [sflag:$0x1] =	stream.indirect_vreg.gather [hbm4b:s3+s2], $0x80, v3, vm0, $0xb8;
	[tilespmem:$0x10200] =	vst v63  }
0x88: {  	s28 =	simm.s32 $0xFA00  }
0x89: {  	[tilespmem:s28], [sflag:$0x1] =	stream.indirect_vreg.gather [hbm4b:s4+s2], $0x80, v3, vm0, $0xb8;
	[tilespmem:$0x10200] =	vst v63  }
0x8a: {  	_ =	swait.ge [sflag:s6], $0x10000  }
0x8b: {  	[sflag:s6] =	ssyncset.done $0x0  }
0x8c: {  	s29 =	rddreg [dreg:$0x3];
	[sflag:s6] =	ssyncadd.s32 $0xFFFF0000  }
0x8d: {  	[hbm4b:s29+s2] =	stream.linear.scatter [tilespmem:s25], [sflag:$0x1], $0x10000, $0x38;
	[tilespmem:$0x10200] =	vst v63  }
0x8e: {  	_ =	swait.ge [sflag:s6], $0x10000  }
0x8f: {  	[sflag:s6] =	ssyncset.done $0x0  }
0x90: {  	[sflag:s6] =	ssyncadd.s32 $0xFFFF0000  }
0x91: {  	v3 =	vld [tilespmem:$0x80];
	_ =	sdelay $0x4  }
0x92: {  	v40 =	vshll.u32 v3, $0x2  }
0x93: {  	v3 =	vand.u32 $0x7, v3;
	v4 =	vand.u32 $0xFFFFFFE0, v40  }
0x94: {  	v3 =	vor.u32 v3, v4  }
0x95: {  	v4 =	vperm.xlane v3, v0;
	_ =	sdelay $0x1  }
0x96: {  	v4 =	vadd.s32 v1, v4;
	_ =	sdelay $0x1  }
0x97: {  	v3 =	vperm.xlane v3, v2;
	_ =	sdelay $0x1  }
0x98: {  	v3 =	vadd.s32 v1, v3  }
0x99: {  	[tilespmem:s25], [sflag:$0x1] =	stream.indirect_vreg.gather [hbm4b:s3+s2], $0x80, v4, vm0, $0xb8;
	[tilespmem:$0x10200] =	vst v63  }
0x9a: {  	s1 =	simm.s32 $0xA00  }
0x9b: {  	[tilespmem:s1], [sflag:$0x1] =	stream.indirect_vreg.gather [hbm4b:s4+s2], $0x80, v4, vm0, $0xb8;
	[tilespmem:$0x10200] =	vst v63  }
0x9c: {  	s7 =	simm.s32 $0x1200  }
0x9d: {  	[tilespmem:s7], [sflag:$0x1] =	stream.indirect_vreg.gather [hbm4b:s3+s2], $0x80, v3, vm0, $0xb8;
	[tilespmem:$0x10200] =	vst v63  }
0x9e: {  	s11 =	simm.s32 $0x1A00  }
0x9f: {  	[tilespmem:s11], [sflag:$0x1] =	stream.indirect_vreg.gather [hbm4b:s4+s2], $0x80, v3, vm0, $0xb8;
	[tilespmem:$0x10200] =	vst v63  }
0xa0: {  	v3 =	vld [tilespmem:$0x90];
	_ =	sdelay $0x4  }
0xa1: {  	v41 =	vshll.u32 v3, $0x2  }
0xa2: {  	v3 =	vand.u32 $0x7, v3;
	v4 =	vand.u32 $0xFFFFFFE0, v41  }
0xa3: {  	v3 =	vor.u32 v3, v4  }
0xa4: {  	v4 =	vperm.xlane v3, v0;
	_ =	sdelay $0x1  }
0xa5: {  	v4 =	vadd.s32 v1, v4;
	_ =	sdelay $0x1  }
0xa6: {  	v3 =	vperm.xlane v3, v2;
	_ =	sdelay $0x1  }
0xa7: {  	s8 =	simm.s32 $0x2200;
	v3 =	vadd.s32 v1, v3  }
0xa8: {  	[tilespmem:s8], [sflag:$0x1] =	stream.indirect_vreg.gather [hbm4b:s3+s2], $0x80, v4, vm0, $0xb8;
	[tilespmem:$0x10200] =	vst v63  }
0xa9: {  	s9 =	simm.s32 $0x2A00  }
0xaa: {  	[tilespmem:s9], [sflag:$0x1] =	stream.indirect_vreg.gather [hbm4b:s4+s2], $0x80, v4, vm0, $0xb8;
	[tilespmem:$0x10200] =	vst v63  }
0xab: {  	s10 =	simm.s32 $0x3200  }
0xac: {  	[tilespmem:s10], [sflag:$0x1] =	stream.indirect_vreg.gather [hbm4b:s3+s2], $0x80, v3, vm0, $0xb8;
	[tilespmem:$0x10200] =	vst v63  }
0xad: {  	s13 =	simm.s32 $0x3A00  }
0xae: {  	[tilespmem:s13], [sflag:$0x1] =	stream.indirect_vreg.gather [hbm4b:s4+s2], $0x80, v3, vm0, $0xb8;
	[tilespmem:$0x10200] =	vst v63  }
0xaf: {  	v3 =	vld [tilespmem:$0xA0];
	_ =	sdelay $0x4  }
0xb0: {  	v42 =	vshll.u32 v3, $0x2  }
0xb1: {  	v3 =	vand.u32 $0x7, v3;
	v4 =	vand.u32 $0xFFFFFFE0, v42  }
0xb2: {  	v3 =	vor.u32 v3, v4  }
0xb3: {  	v4 =	vperm.xlane v3, v0;
	_ =	sdelay $0x1  }
0xb4: {  	v4 =	vadd.s32 v1, v4;
	_ =	sdelay $0x1  }
0xb5: {  	v3 =	vperm.xlane v3, v2;
	_ =	sdelay $0x1  }
0xb6: {  	s12 =	simm.s32 $0x4200;
	v3 =	vadd.s32 v1, v3  }
0xb7: {  	[tilespmem:s12], [sflag:$0x1] =	stream.indirect_vreg.gather [hbm4b:s3+s2], $0x80, v4, vm0, $0xb8;
	[tilespmem:$0x10200] =	vst v63  }
0xb8: {  	s15 =	simm.s32 $0x4A00  }
0xb9: {  	[tilespmem:s15], [sflag:$0x1] =	stream.indirect_vreg.gather [hbm4b:s4+s2], $0x80, v4, vm0, $0xb8;
	[tilespmem:$0x10200] =	vst v63  }
0xba: {  	s16 =	simm.s32 $0x5200  }
0xbb: {  	[tilespmem:s16], [sflag:$0x1] =	stream.indirect_vreg.gather [hbm4b:s3+s2], $0x80, v3, vm0, $0xb8;
	[tilespmem:$0x10200] =	vst v63  }
0xbc: {  	s17 =	simm.s32 $0x5A00  }
0xbd: {  	[tilespmem:s17], [sflag:$0x1] =	stream.indirect_vreg.gather [hbm4b:s4+s2], $0x80, v3, vm0, $0xb8;
	[tilespmem:$0x10200] =	vst v63  }
0xbe: {  	v3 =	vld [tilespmem:$0xB0];
	_ =	sdelay $0x4  }
0xbf: {  	v43 =	vshll.u32 v3, $0x2  }
0xc0: {  	v3 =	vand.u32 $0x7, v3;
	v4 =	vand.u32 $0xFFFFFFE0, v43  }
0xc1: {  	v3 =	vor.u32 v3, v4  }
0xc2: {  	v4 =	vperm.xlane v3, v0;
	_ =	sdelay $0x1  }
0xc3: {  	v4 =	vadd.s32 v1, v4;
	_ =	sdelay $0x1  }
0xc4: {  	v3 =	vperm.xlane v3, v2;
	_ =	sdelay $0x1  }
0xc5: {  	s18 =	simm.s32 $0x6200;
	v3 =	vadd.s32 v1, v3  }
0xc6: {  	[tilespmem:s18], [sflag:$0x1] =	stream.indirect_vreg.gather [hbm4b:s3+s2], $0x80, v4, vm0, $0xb8;
	[tilespmem:$0x10200] =	vst v63  }
0xc7: {  	s19 =	simm.s32 $0x6A00  }
0xc8: {  	[tilespmem:s19], [sflag:$0x1] =	stream.indirect_vreg.gather [hbm4b:s4+s2], $0x80, v4, vm0, $0xb8;
	[tilespmem:$0x10200] =	vst v63  }
0xc9: {  	s20 =	simm.s32 $0x7200  }
0xca: {  	[tilespmem:s20], [sflag:$0x1] =	stream.indirect_vreg.gather [hbm4b:s3+s2], $0x80, v3, vm0, $0xb8;
	[tilespmem:$0x10200] =	vst v63  }
0xcb: {  	s21 =	simm.s32 $0x7A00  }
0xcc: {  	[tilespmem:s21], [sflag:$0x1] =	stream.indirect_vreg.gather [hbm4b:s4+s2], $0x80, v3, vm0, $0xb8;
	[tilespmem:$0x10200] =	vst v63  }
0xcd: {  	v3 =	vld [tilespmem:$0xC0];
	_ =	sdelay $0x4  }
0xce: {  	v44 =	vshll.u32 v3, $0x2  }
0xcf: {  	v3 =	vand.u32 $0x7, v3;
	v4 =	vand.u32 $0xFFFFFFE0, v44  }
0xd0: {  	v3 =	vor.u32 v3, v4  }
0xd1: {  	v4 =	vperm.xlane v3, v0;
	_ =	sdelay $0x1  }
0xd2: {  	v4 =	vadd.s32 v1, v4;
	_ =	sdelay $0x1  }
0xd3: {  	v3 =	vperm.xlane v3, v2;
	_ =	sdelay $0x1  }
0xd4: {  	s22 =	simm.s32 $0x8200;
	v3 =	vadd.s32 v1, v3  }
0xd5: {  	[tilespmem:s22], [sflag:$0x1] =	stream.indirect_vreg.gather [hbm4b:s3+s2], $0x80, v4, vm0, $0xb8;
	[tilespmem:$0x10200] =	vst v63  }
0xd6: {  	s0 =	simm.s32 $0x8A00  }
0xd7: {  	[tilespmem:s0], [sflag:$0x1] =	stream.indirect_vreg.gather [hbm4b:s4+s2], $0x80, v4, vm0, $0xb8;
	[tilespmem:$0x10200] =	vst v63  }
0xd8: {  	s1 =	simm.s32 $0x9200  }
0xd9: {  	[tilespmem:s1], [sflag:$0x1] =	stream.indirect_vreg.gather [hbm4b:s3+s2], $0x80, v3, vm0, $0xb8;
	[tilespmem:$0x10200] =	vst v63  }
0xda: {  	s10 =	simm.s32 $0x9A00  }
0xdb: {  	[tilespmem:s10], [sflag:$0x1] =	stream.indirect_vreg.gather [hbm4b:s4+s2], $0x80, v3, vm0, $0xb8;
	[tilespmem:$0x10200] =	vst v63  }
0xdc: {  	v3 =	vld [tilespmem:$0xD0];
	_ =	sdelay $0x4  }
0xdd: {  	v45 =	vshll.u32 v3, $0x2  }
0xde: {  	v3 =	vand.u32 $0x7, v3;
	v4 =	vand.u32 $0xFFFFFFE0, v45  }
0xdf: {  	v3 =	vor.u32 v3, v4  }
0xe0: {  	v4 =	vperm.xlane v3, v0;
	_ =	sdelay $0x1  }
0xe1: {  	v4 =	vadd.s32 v1, v4;
	_ =	sdelay $0x1  }
0xe2: {  	v3 =	vperm.xlane v3, v2;
	_ =	sdelay $0x1  }
0xe3: {  	s7 =	simm.s32 $0xA200;
	v3 =	vadd.s32 v1, v3  }
0xe4: {  	[tilespmem:s7], [sflag:$0x1] =	stream.indirect_vreg.gather [hbm4b:s3+s2], $0x80, v4, vm0, $0xb8;
	[tilespmem:$0x10200] =	vst v63  }
0xe5: {  	s8 =	simm.s32 $0xAA00  }
0xe6: {  	[tilespmem:s8], [sflag:$0x1] =	stream.indirect_vreg.gather [hbm4b:s4+s2], $0x80, v4, vm0, $0xb8;
	[tilespmem:$0x10200] =	vst v63  }
0xe7: {  	s9 =	simm.s32 $0xB200  }
0xe8: {  	[tilespmem:s9], [sflag:$0x1] =	stream.indirect_vreg.gather [hbm4b:s3+s2], $0x80, v3, vm0, $0xb8;
	[tilespmem:$0x10200] =	vst v63  }
0xe9: {  	s11 =	simm.s32 $0xBA00  }
0xea: {  	[tilespmem:s11], [sflag:$0x1] =	stream.indirect_vreg.gather [hbm4b:s4+s2], $0x80, v3, vm0, $0xb8;
	[tilespmem:$0x10200] =	vst v63  }
0xeb: {  	v3 =	vld [tilespmem:$0xE0];
	_ =	sdelay $0x4  }
0xec: {  	v46 =	vshll.u32 v3, $0x2  }
0xed: {  	v3 =	vand.u32 $0x7, v3;
	v4 =	vand.u32 $0xFFFFFFE0, v46  }
0xee: {  	v3 =	vor.u32 v3, v4  }
0xef: {  	v4 =	vperm.xlane v3, v0;
	_ =	sdelay $0x1  }
0xf0: {  	v4 =	vadd.s32 v1, v4;
	_ =	sdelay $0x1  }
0xf1: {  	v3 =	vperm.xlane v3, v2;
	_ =	sdelay $0x1  }
0xf2: {  	s31 =	simm.s32 $0xC200;
	v3 =	vadd.s32 v1, v3  }
0xf3: {  	[tilespmem:s31], [sflag:$0x1] =	stream.indirect_vreg.gather [hbm4b:s3+s2], $0x80, v4, vm0, $0xb8;
	[tilespmem:$0x10200] =	vst v63  }
0xf4: {  	s26 =	simm.s32 $0xCA00  }
0xf5: {  	[tilespmem:s26], [sflag:$0x1] =	stream.indirect_vreg.gather [hbm4b:s4+s2], $0x80, v4, vm0, $0xb8;
	[tilespmem:$0x10200] =	vst v63  }
0xf6: {  	s31 =	simm.s32 $0xD200  }
0xf7: {  	[tilespmem:s31], [sflag:$0x1] =	stream.indirect_vreg.gather [hbm4b:s3+s2], $0x80, v3, vm0, $0xb8;
	[tilespmem:$0x10200] =	vst v63  }
0xf8: {  	s23 =	simm.s32 $0xDA00  }
0xf9: {  	[tilespmem:s23], [sflag:$0x1] =	stream.indirect_vreg.gather [hbm4b:s4+s2], $0x80, v3, vm0, $0xb8;
	[tilespmem:$0x10200] =	vst v63  }
0xfa: {  	v3 =	vld [tilespmem:$0xF0];
	_ =	sdelay $0x4  }
0xfb: {  	v47 =	vshll.u32 v3, $0x2  }
0xfc: {  	v3 =	vand.u32 $0x7, v3;
	v4 =	vand.u32 $0xFFFFFFE0, v47  }
0xfd: {  	v3 =	vor.u32 v3, v4  }
0xfe: {  	v4 =	vperm.xlane v3, v0;
	_ =	sdelay $0x1  }
0xff: {  	v4 =	vadd.s32 v1, v4;
	_ =	sdelay $0x1  }
0x100: {  	v3 =	vperm.xlane v3, v2;
	_ =	sdelay $0x1  }
0x101: {  	s23 =	simm.s32 $0xE200;
	v3 =	vadd.s32 v1, v3  }
0x102: {  	[tilespmem:s23], [sflag:$0x1] =	stream.indirect_vreg.gather [hbm4b:s3+s2], $0x80, v4, vm0, $0xb8;
	[tilespmem:$0x10200] =	vst v63  }
0x103: {  	s30 =	simm.s32 $0xEA00  }
0x104: {  	[tilespmem:s30], [sflag:$0x1] =	stream.indirect_vreg.gather [hbm4b:s4+s2], $0x80, v4, vm0, $0xb8;
	[tilespmem:$0x10200] =	vst v63  }
0x105: {  	s30 =	simm.s32 $0xF200  }
0x106: {  	[tilespmem:s30], [sflag:$0x1] =	stream.indirect_vreg.gather [hbm4b:s3+s2], $0x80, v3, vm0, $0xb8;
	[tilespmem:$0x10200] =	vst v63  }
0x107: {  	s24 =	simm.s32 $0xFA00  }
0x108: {  	[tilespmem:s24], [sflag:$0x1] =	stream.indirect_vreg.gather [hbm4b:s4+s2], $0x80, v3, vm0, $0xb8;
	[tilespmem:$0x10200] =	vst v63  }
0x109: {  	_ =	swait.ge [sflag:s6], $0x10000  }
0x10a: {  	[sflag:s6] =	ssyncset.done $0x0  }
0x10b: {  	s24 =	rddreg [dreg:$0x4];
	[sflag:s6] =	ssyncadd.s32 $0xFFFF0000  }
0x10c: {  	[hbm4b:s24+s2] =	stream.linear.scatter [tilespmem:s25], [sflag:$0x1], $0x10000, $0x38;
	[tilespmem:$0x10200] =	vst v63  }
0x10d: {  	_ =	swait.ge [sflag:s6], $0x10000  }
0x10e: {  	[sflag:s6] =	ssyncset.done $0x0  }
0x10f: {  	[sflag:s6] =	ssyncadd.s32 $0xFFFF0000  }
0x110: {  	v3 =	vld [tilespmem:$0x100];
	_ =	sdelay $0x4  }
0x111: {  	v48 =	vshll.u32 v3, $0x2  }
0x112: {  	v3 =	vand.u32 $0x7, v3;
	v4 =	vand.u32 $0xFFFFFFE0, v48  }
0x113: {  	v3 =	vor.u32 v3, v4  }
0x114: {  	v4 =	vperm.xlane v3, v0;
	_ =	sdelay $0x1  }
0x115: {  	v4 =	vadd.s32 v1, v4;
	_ =	sdelay $0x1  }
0x116: {  	v3 =	vperm.xlane v3, v2;
	_ =	sdelay $0x1  }
0x117: {  	v3 =	vadd.s32 v1, v3  }
0x118: {  	[tilespmem:s25], [sflag:$0x1] =	stream.indirect_vreg.gather [hbm4b:s3+s2], $0x80, v4, vm0, $0xb8;
	[tilespmem:$0x10200] =	vst v63  }
0x119: {  	s24 =	simm.s32 $0xA00  }
0x11a: {  	[tilespmem:s24], [sflag:$0x1] =	stream.indirect_vreg.gather [hbm4b:s4+s2], $0x80, v4, vm0, $0xb8;
	[tilespmem:$0x10200] =	vst v63  }
0x11b: {  	s24 =	simm.s32 $0x1200  }
0x11c: {  	[tilespmem:s24], [sflag:$0x1] =	stream.indirect_vreg.gather [hbm4b:s3+s2], $0x80, v3, vm0, $0xb8;
	[tilespmem:$0x10200] =	vst v63  }
0x11d: {  	s24 =	simm.s32 $0x1A00  }
0x11e: {  	[tilespmem:s24], [sflag:$0x1] =	stream.indirect_vreg.gather [hbm4b:s4+s2], $0x80, v3, vm0, $0xb8;
	[tilespmem:$0x10200] =	vst v63  }
0x11f: {  	v3 =	vld [tilespmem:$0x110];
	_ =	sdelay $0x4  }
0x120: {  	v49 =	vshll.u32 v3, $0x2  }
0x121: {  	v3 =	vand.u32 $0x7, v3;
	v4 =	vand.u32 $0xFFFFFFE0, v49  }
0x122: {  	v3 =	vor.u32 v3, v4  }
0x123: {  	v4 =	vperm.xlane v3, v0;
	_ =	sdelay $0x1  }
0x124: {  	v4 =	vadd.s32 v1, v4;
	_ =	sdelay $0x1  }
0x125: {  	v3 =	vperm.xlane v3, v2;
	_ =	sdelay $0x1  }
0x126: {  	s24 =	simm.s32 $0x2200;
	v3 =	vadd.s32 v1, v3  }
0x127: {  	[tilespmem:s24], [sflag:$0x1] =	stream.indirect_vreg.gather [hbm4b:s3+s2], $0x80, v4, vm0, $0xb8;
	[tilespmem:$0x10200] =	vst v63  }
0x128: {  	s24 =	simm.s32 $0x2A00  }
0x129: {  	[tilespmem:s24], [sflag:$0x1] =	stream.indirect_vreg.gather [hbm4b:s4+s2], $0x80, v4, vm0, $0xb8;
	[tilespmem:$0x10200] =	vst v63  }
0x12a: {  	s24 =	simm.s32 $0x3200  }
0x12b: {  	[tilespmem:s24], [sflag:$0x1] =	stream.indirect_vreg.gather [hbm4b:s3+s2], $0x80, v3, vm0, $0xb8;
	[tilespmem:$0x10200] =	vst v63  }
0x12c: {  	_ = 	snop  }
0x12d: {  	[tilespmem:s13], [sflag:$0x1] =	stream.indirect_vreg.gather [hbm4b:s4+s2], $0x80, v3, vm0, $0xb8;
	[tilespmem:$0x10200] =	vst v63  }
0x12e: {  	v3 =	vld [tilespmem:$0x120];
	_ =	sdelay $0x4  }
0x12f: {  	v50 =	vshll.u32 v3, $0x2  }
0x130: {  	v3 =	vand.u32 $0x7, v3;
	v4 =	vand.u32 $0xFFFFFFE0, v50  }
0x131: {  	v3 =	vor.u32 v3, v4  }
0x132: {  	v4 =	vperm.xlane v3, v0;
	_ =	sdelay $0x1  }
0x133: {  	v4 =	vadd.s32 v1, v4;
	_ =	sdelay $0x1  }
0x134: {  	v3 =	vperm.xlane v3, v2;
	_ =	sdelay $0x1  }
0x135: {  	v3 =	vadd.s32 v1, v3  }
0x136: {  	[tilespmem:s12], [sflag:$0x1] =	stream.indirect_vreg.gather [hbm4b:s3+s2], $0x80, v4, vm0, $0xb8;
	[tilespmem:$0x10200] =	vst v63  }
0x137: {  	_ = 	snop  }
0x138: {  	[tilespmem:s15], [sflag:$0x1] =	stream.indirect_vreg.gather [hbm4b:s4+s2], $0x80, v4, vm0, $0xb8;
	[tilespmem:$0x10200] =	vst v63  }
0x139: {  	_ = 	snop  }
0x13a: {  	[tilespmem:s16], [sflag:$0x1] =	stream.indirect_vreg.gather [hbm4b:s3+s2], $0x80, v3, vm0, $0xb8;
	[tilespmem:$0x10200] =	vst v63  }
0x13b: {  	_ = 	snop  }
0x13c: {  	[tilespmem:s17], [sflag:$0x1] =	stream.indirect_vreg.gather [hbm4b:s4+s2], $0x80, v3, vm0, $0xb8;
	[tilespmem:$0x10200] =	vst v63  }
0x13d: {  	v3 =	vld [tilespmem:$0x130];
	_ =	sdelay $0x4  }
0x13e: {  	v51 =	vshll.u32 v3, $0x2  }
0x13f: {  	v3 =	vand.u32 $0x7, v3;
	v4 =	vand.u32 $0xFFFFFFE0, v51  }
0x140: {  	v3 =	vor.u32 v3, v4  }
0x141: {  	v4 =	vperm.xlane v3, v0;
	_ =	sdelay $0x1  }
0x142: {  	v4 =	vadd.s32 v1, v4;
	_ =	sdelay $0x1  }
0x143: {  	v3 =	vperm.xlane v3, v2;
	_ =	sdelay $0x1  }
0x144: {  	v3 =	vadd.s32 v1, v3  }
0x145: {  	[tilespmem:s18], [sflag:$0x1] =	stream.indirect_vreg.gather [hbm4b:s3+s2], $0x80, v4, vm0, $0xb8;
	[tilespmem:$0x10200] =	vst v63  }
0x146: {  	_ = 	snop  }
0x147: {  	[tilespmem:s19], [sflag:$0x1] =	stream.indirect_vreg.gather [hbm4b:s4+s2], $0x80, v4, vm0, $0xb8;
	[tilespmem:$0x10200] =	vst v63  }
0x148: {  	_ = 	snop  }
0x149: {  	[tilespmem:s20], [sflag:$0x1] =	stream.indirect_vreg.gather [hbm4b:s3+s2], $0x80, v3, vm0, $0xb8;
	[tilespmem:$0x10200] =	vst v63  }
0x14a: {  	_ = 	snop  }
0x14b: {  	[tilespmem:s21], [sflag:$0x1] =	stream.indirect_vreg.gather [hbm4b:s4+s2], $0x80, v3, vm0, $0xb8;
	[tilespmem:$0x10200] =	vst v63  }
0x14c: {  	v3 =	vld [tilespmem:$0x140];
	_ =	sdelay $0x4  }
0x14d: {  	v52 =	vshll.u32 v3, $0x2  }
0x14e: {  	v3 =	vand.u32 $0x7, v3;
	v4 =	vand.u32 $0xFFFFFFE0, v52  }
0x14f: {  	v3 =	vor.u32 v3, v4  }
0x150: {  	v4 =	vperm.xlane v3, v0;
	_ =	sdelay $0x1  }
0x151: {  	v4 =	vadd.s32 v1, v4;
	_ =	sdelay $0x1  }
0x152: {  	v3 =	vperm.xlane v3, v2;
	_ =	sdelay $0x1  }
0x153: {  	v3 =	vadd.s32 v1, v3  }
0x154: {  	[tilespmem:s22], [sflag:$0x1] =	stream.indirect_vreg.gather [hbm4b:s3+s2], $0x80, v4, vm0, $0xb8;
	[tilespmem:$0x10200] =	vst v63  }
0x155: {  	_ = 	snop  }
0x156: {  	[tilespmem:s0], [sflag:$0x1] =	stream.indirect_vreg.gather [hbm4b:s4+s2], $0x80, v4, vm0, $0xb8;
	[tilespmem:$0x10200] =	vst v63  }
0x157: {  	_ = 	snop  }
0x158: {  	[tilespmem:s1], [sflag:$0x1] =	stream.indirect_vreg.gather [hbm4b:s3+s2], $0x80, v3, vm0, $0xb8;
	[tilespmem:$0x10200] =	vst v63  }
0x159: {  	_ = 	snop  }
0x15a: {  	[tilespmem:s10], [sflag:$0x1] =	stream.indirect_vreg.gather [hbm4b:s4+s2], $0x80, v3, vm0, $0xb8;
	[tilespmem:$0x10200] =	vst v63  }
0x15b: {  	v3 =	vld [tilespmem:$0x150];
	_ =	sdelay $0x4  }
0x15c: {  	v53 =	vshll.u32 v3, $0x2  }
0x15d: {  	v3 =	vand.u32 $0x7, v3;
	v4 =	vand.u32 $0xFFFFFFE0, v53  }
0x15e: {  	v3 =	vor.u32 v3, v4  }
0x15f: {  	v4 =	vperm.xlane v3, v0;
	_ =	sdelay $0x1  }
0x160: {  	v4 =	vadd.s32 v1, v4;
	_ =	sdelay $0x1  }
0x161: {  	v3 =	vperm.xlane v3, v2;
	_ =	sdelay $0x1  }
0x162: {  	v3 =	vadd.s32 v1, v3  }
0x163: {  	[tilespmem:s7], [sflag:$0x1] =	stream.indirect_vreg.gather [hbm4b:s3+s2], $0x80, v4, vm0, $0xb8;
	[tilespmem:$0x10200] =	vst v63  }
0x164: {  	_ = 	snop  }
0x165: {  	[tilespmem:s8], [sflag:$0x1] =	stream.indirect_vreg.gather [hbm4b:s4+s2], $0x80, v4, vm0, $0xb8;
	[tilespmem:$0x10200] =	vst v63  }
0x166: {  	_ = 	snop  }
0x167: {  	[tilespmem:s9], [sflag:$0x1] =	stream.indirect_vreg.gather [hbm4b:s3+s2], $0x80, v3, vm0, $0xb8;
	[tilespmem:$0x10200] =	vst v63  }
0x168: {  	_ = 	snop  }
0x169: {  	[tilespmem:s11], [sflag:$0x1] =	stream.indirect_vreg.gather [hbm4b:s4+s2], $0x80, v3, vm0, $0xb8;
	[tilespmem:$0x10200] =	vst v63  }
0x16a: {  	v3 =	vld [tilespmem:$0x160];
	_ =	sdelay $0x4  }
0x16b: {  	v54 =	vshll.u32 v3, $0x2  }
0x16c: {  	v3 =	vand.u32 $0x7, v3;
	v4 =	vand.u32 $0xFFFFFFE0, v54  }
0x16d: {  	v3 =	vor.u32 v3, v4  }
0x16e: {  	v4 =	vperm.xlane v3, v0;
	_ =	sdelay $0x1  }
0x16f: {  	v4 =	vadd.s32 v1, v4;
	_ =	sdelay $0x1  }
0x170: {  	v3 =	vperm.xlane v3, v2;
	_ =	sdelay $0x1  }
0x171: {  	s28 =	simm.s32 $0xC200;
	v3 =	vadd.s32 v1, v3  }
0x172: {  	[tilespmem:s28], [sflag:$0x1] =	stream.indirect_vreg.gather [hbm4b:s3+s2], $0x80, v4, vm0, $0xb8;
	[tilespmem:$0x10200] =	vst v63  }
0x173: {  	s29 =	simm.s32 $0xCA00  }
0x174: {  	[tilespmem:s29], [sflag:$0x1] =	stream.indirect_vreg.gather [hbm4b:s4+s2], $0x80, v4, vm0, $0xb8;
	[tilespmem:$0x10200] =	vst v63  }
0x175: {  	s26 =	simm.s32 $0xD200  }
0x176: {  	[tilespmem:s26], [sflag:$0x1] =	stream.indirect_vreg.gather [hbm4b:s3+s2], $0x80, v3, vm0, $0xb8;
	[tilespmem:$0x10200] =	vst v63  }
0x177: {  	s28 =	simm.s32 $0xDA00  }
0x178: {  	[tilespmem:s28], [sflag:$0x1] =	stream.indirect_vreg.gather [hbm4b:s4+s2], $0x80, v3, vm0, $0xb8;
	[tilespmem:$0x10200] =	vst v63  }
0x179: {  	v3 =	vld [tilespmem:$0x170];
	_ =	sdelay $0x4  }
0x17a: {  	v55 =	vshll.u32 v3, $0x2  }
0x17b: {  	v3 =	vand.u32 $0x7, v3;
	v4 =	vand.u32 $0xFFFFFFE0, v55  }
0x17c: {  	v3 =	vor.u32 v3, v4  }
0x17d: {  	v4 =	vperm.xlane v3, v0;
	_ =	sdelay $0x1  }
0x17e: {  	v4 =	vadd.s32 v1, v4;
	_ =	sdelay $0x1  }
0x17f: {  	v3 =	vperm.xlane v3, v2;
	_ =	sdelay $0x1  }
0x180: {  	s23 =	simm.s32 $0xE200;
	v3 =	vadd.s32 v1, v3  }
0x181: {  	[tilespmem:s23], [sflag:$0x1] =	stream.indirect_vreg.gather [hbm4b:s3+s2], $0x80, v4, vm0, $0xb8;
	[tilespmem:$0x10200] =	vst v63  }
0x182: {  	s31 =	simm.s32 $0xEA00  }
0x183: {  	[tilespmem:s31], [sflag:$0x1] =	stream.indirect_vreg.gather [hbm4b:s4+s2], $0x80, v4, vm0, $0xb8;
	[tilespmem:$0x10200] =	vst v63  }
0x184: {  	s30 =	simm.s32 $0xF200  }
0x185: {  	[tilespmem:s30], [sflag:$0x1] =	stream.indirect_vreg.gather [hbm4b:s3+s2], $0x80, v3, vm0, $0xb8;
	[tilespmem:$0x10200] =	vst v63  }
0x186: {  	s30 =	simm.s32 $0xFA00  }
0x187: {  	[tilespmem:s30], [sflag:$0x1] =	stream.indirect_vreg.gather [hbm4b:s4+s2], $0x80, v3, vm0, $0xb8;
	[tilespmem:$0x10200] =	vst v63  }
0x188: {  	_ =	swait.ge [sflag:s6], $0x10000  }
0x189: {  	[sflag:s6] =	ssyncset.done $0x0  }
0x18a: {  	s31 =	rddreg [dreg:$0x5];
	[sflag:s6] =	ssyncadd.s32 $0xFFFF0000  }
0x18b: {  	[hbm4b:s31+s2] =	stream.linear.scatter [tilespmem:s25], [sflag:$0x1], $0x10000, $0x38;
	[tilespmem:$0x10200] =	vst v63  }
0x18c: {  	_ =	swait.ge [sflag:s6], $0x10000  }
0x18d: {  	[sflag:s6] =	ssyncset.done $0x0  }
0x18e: {  	[sflag:s6] =	ssyncadd.s32 $0xFFFF0000  }
0x18f: {  	v3 =	vld [tilespmem:$0x180];
	_ =	sdelay $0x4  }
0x190: {  	v56 =	vshll.u32 v3, $0x2  }
0x191: {  	v3 =	vand.u32 $0x7, v3;
	v4 =	vand.u32 $0xFFFFFFE0, v56  }
0x192: {  	v3 =	vor.u32 v3, v4  }
0x193: {  	v4 =	vperm.xlane v3, v0;
	_ =	sdelay $0x1  }
0x194: {  	v4 =	vadd.s32 v1, v4;
	_ =	sdelay $0x1  }
0x195: {  	v3 =	vperm.xlane v3, v2;
	_ =	sdelay $0x1  }
0x196: {  	v3 =	vadd.s32 v1, v3  }
0x197: {  	[tilespmem:s25], [sflag:$0x1] =	stream.indirect_vreg.gather [hbm4b:s3+s2], $0x80, v4, vm0, $0xb8;
	[tilespmem:$0x10200] =	vst v63  }
0x198: {  	s31 =	simm.s32 $0xA00  }
0x199: {  	[tilespmem:s31], [sflag:$0x1] =	stream.indirect_vreg.gather [hbm4b:s4+s2], $0x80, v4, vm0, $0xb8;
	[tilespmem:$0x10200] =	vst v63  }
0x19a: {  	s31 =	simm.s32 $0x1200  }
0x19b: {  	[tilespmem:s31], [sflag:$0x1] =	stream.indirect_vreg.gather [hbm4b:s3+s2], $0x80, v3, vm0, $0xb8;
	[tilespmem:$0x10200] =	vst v63  }
0x19c: {  	s31 =	simm.s32 $0x1A00  }
0x19d: {  	[tilespmem:s31], [sflag:$0x1] =	stream.indirect_vreg.gather [hbm4b:s4+s2], $0x80, v3, vm0, $0xb8;
	[tilespmem:$0x10200] =	vst v63  }
0x19e: {  	v3 =	vld [tilespmem:$0x190];
	_ =	sdelay $0x4  }
0x19f: {  	v57 =	vshll.u32 v3, $0x2  }
0x1a0: {  	v3 =	vand.u32 $0x7, v3;
	v4 =	vand.u32 $0xFFFFFFE0, v57  }
0x1a1: {  	v3 =	vor.u32 v3, v4  }
0x1a2: {  	v4 =	vperm.xlane v3, v0;
	_ =	sdelay $0x1  }
0x1a3: {  	v4 =	vadd.s32 v1, v4;
	_ =	sdelay $0x1  }
0x1a4: {  	v3 =	vperm.xlane v3, v2;
	_ =	sdelay $0x1  }
0x1a5: {  	s31 =	simm.s32 $0x2200;
	v3 =	vadd.s32 v1, v3  }
0x1a6: {  	[tilespmem:s31], [sflag:$0x1] =	stream.indirect_vreg.gather [hbm4b:s3+s2], $0x80, v4, vm0, $0xb8;
	[tilespmem:$0x10200] =	vst v63  }
0x1a7: {  	s31 =	simm.s32 $0x2A00  }
0x1a8: {  	[tilespmem:s31], [sflag:$0x1] =	stream.indirect_vreg.gather [hbm4b:s4+s2], $0x80, v4, vm0, $0xb8;
	[tilespmem:$0x10200] =	vst v63  }
0x1a9: {  	s31 =	simm.s32 $0x3200  }
0x1aa: {  	[tilespmem:s31], [sflag:$0x1] =	stream.indirect_vreg.gather [hbm4b:s3+s2], $0x80, v3, vm0, $0xb8;
	[tilespmem:$0x10200] =	vst v63  }
0x1ab: {  	s13 =	simm.s32 $0x3A00  }
0x1ac: {  	[tilespmem:s13], [sflag:$0x1] =	stream.indirect_vreg.gather [hbm4b:s4+s2], $0x80, v3, vm0, $0xb8;
	[tilespmem:$0x10200] =	vst v63  }
0x1ad: {  	v3 =	vld [tilespmem:$0x1A0];
	_ =	sdelay $0x4  }
0x1ae: {  	v58 =	vshll.u32 v3, $0x2  }
0x1af: {  	v3 =	vand.u32 $0x7, v3;
	v4 =	vand.u32 $0xFFFFFFE0, v58  }
0x1b0: {  	v3 =	vor.u32 v3, v4  }
0x1b1: {  	v4 =	vperm.xlane v3, v0;
	_ =	sdelay $0x1  }
0x1b2: {  	v4 =	vadd.s32 v1, v4;
	_ =	sdelay $0x1  }
0x1b3: {  	v3 =	vperm.xlane v3, v2;
	_ =	sdelay $0x1  }
0x1b4: {  	s12 =	simm.s32 $0x4200;
	v3 =	vadd.s32 v1, v3  }
0x1b5: {  	[tilespmem:s12], [sflag:$0x1] =	stream.indirect_vreg.gather [hbm4b:s3+s2], $0x80, v4, vm0, $0xb8;
	[tilespmem:$0x10200] =	vst v63  }
0x1b6: {  	s15 =	simm.s32 $0x4A00  }
0x1b7: {  	[tilespmem:s15], [sflag:$0x1] =	stream.indirect_vreg.gather [hbm4b:s4+s2], $0x80, v4, vm0, $0xb8;
	[tilespmem:$0x10200] =	vst v63  }
0x1b8: {  	s16 =	simm.s32 $0x5200  }
0x1b9: {  	[tilespmem:s16], [sflag:$0x1] =	stream.indirect_vreg.gather [hbm4b:s3+s2], $0x80, v3, vm0, $0xb8;
	[tilespmem:$0x10200] =	vst v63  }
0x1ba: {  	s17 =	simm.s32 $0x5A00  }
0x1bb: {  	[tilespmem:s17], [sflag:$0x1] =	stream.indirect_vreg.gather [hbm4b:s4+s2], $0x80, v3, vm0, $0xb8;
	[tilespmem:$0x10200] =	vst v63  }
0x1bc: {  	v3 =	vld [tilespmem:$0x1B0];
	_ =	sdelay $0x4  }
0x1bd: {  	v59 =	vshll.u32 v3, $0x2  }
0x1be: {  	v3 =	vand.u32 $0x7, v3;
	v4 =	vand.u32 $0xFFFFFFE0, v59  }
0x1bf: {  	v3 =	vor.u32 v3, v4  }
0x1c0: {  	v4 =	vperm.xlane v3, v0;
	_ =	sdelay $0x1  }
0x1c1: {  	v4 =	vadd.s32 v1, v4;
	_ =	sdelay $0x1  }
0x1c2: {  	v3 =	vperm.xlane v3, v2;
	_ =	sdelay $0x1  }
0x1c3: {  	s18 =	simm.s32 $0x6200;
	v3 =	vadd.s32 v1, v3  }
0x1c4: {  	[tilespmem:s18], [sflag:$0x1] =	stream.indirect_vreg.gather [hbm4b:s3+s2], $0x80, v4, vm0, $0xb8;
	[tilespmem:$0x10200] =	vst v63  }
0x1c5: {  	s19 =	simm.s32 $0x6A00  }
0x1c6: {  	[tilespmem:s19], [sflag:$0x1] =	stream.indirect_vreg.gather [hbm4b:s4+s2], $0x80, v4, vm0, $0xb8;
	[tilespmem:$0x10200] =	vst v63  }
0x1c7: {  	s20 =	simm.s32 $0x7200  }
0x1c8: {  	[tilespmem:s20], [sflag:$0x1] =	stream.indirect_vreg.gather [hbm4b:s3+s2], $0x80, v3, vm0, $0xb8;
	[tilespmem:$0x10200] =	vst v63  }
0x1c9: {  	s21 =	simm.s32 $0x7A00  }
0x1ca: {  	[tilespmem:s21], [sflag:$0x1] =	stream.indirect_vreg.gather [hbm4b:s4+s2], $0x80, v3, vm0, $0xb8;
	[tilespmem:$0x10200] =	vst v63  }
0x1cb: {  	v3 =	vld [tilespmem:$0x1C0];
	_ =	sdelay $0x4  }
0x1cc: {  	v60 =	vshll.u32 v3, $0x2  }
0x1cd: {  	v3 =	vand.u32 $0x7, v3;
	v4 =	vand.u32 $0xFFFFFFE0, v60  }
0x1ce: {  	v3 =	vor.u32 v3, v4  }
0x1cf: {  	v4 =	vperm.xlane v3, v0;
	_ =	sdelay $0x1  }
0x1d0: {  	v4 =	vadd.s32 v1, v4;
	_ =	sdelay $0x1  }
0x1d1: {  	v3 =	vperm.xlane v3, v2;
	_ =	sdelay $0x1  }
0x1d2: {  	s22 =	simm.s32 $0x8200;
	v3 =	vadd.s32 v1, v3  }
0x1d3: {  	[tilespmem:s22], [sflag:$0x1] =	stream.indirect_vreg.gather [hbm4b:s3+s2], $0x80, v4, vm0, $0xb8;
	[tilespmem:$0x10200] =	vst v63  }
0x1d4: {  	s0 =	simm.s32 $0x8A00  }
0x1d5: {  	[tilespmem:s0], [sflag:$0x1] =	stream.indirect_vreg.gather [hbm4b:s4+s2], $0x80, v4, vm0, $0xb8;
	[tilespmem:$0x10200] =	vst v63  }
0x1d6: {  	s1 =	simm.s32 $0x9200  }
0x1d7: {  	[tilespmem:s1], [sflag:$0x1] =	stream.indirect_vreg.gather [hbm4b:s3+s2], $0x80, v3, vm0, $0xb8;
	[tilespmem:$0x10200] =	vst v63  }
0x1d8: {  	s10 =	simm.s32 $0x9A00  }
0x1d9: {  	[tilespmem:s10], [sflag:$0x1] =	stream.indirect_vreg.gather [hbm4b:s4+s2], $0x80, v3, vm0, $0xb8;
	[tilespmem:$0x10200] =	vst v63  }
0x1da: {  	v3 =	vld [tilespmem:$0x1D0];
	_ =	sdelay $0x4  }
0x1db: {  	v61 =	vshll.u32 v3, $0x2  }
0x1dc: {  	v3 =	vand.u32 $0x7, v3;
	v4 =	vand.u32 $0xFFFFFFE0, v61  }
0x1dd: {  	v3 =	vor.u32 v3, v4  }
0x1de: {  	v4 =	vperm.xlane v3, v0;
	_ =	sdelay $0x1  }
0x1df: {  	v4 =	vadd.s32 v1, v4;
	_ =	sdelay $0x1  }
0x1e0: {  	v3 =	vperm.xlane v3, v2;
	_ =	sdelay $0x1  }
0x1e1: {  	s7 =	simm.s32 $0xA200;
	v3 =	vadd.s32 v1, v3  }
0x1e2: {  	[tilespmem:s7], [sflag:$0x1] =	stream.indirect_vreg.gather [hbm4b:s3+s2], $0x80, v4, vm0, $0xb8;
	[tilespmem:$0x10200] =	vst v63  }
0x1e3: {  	s8 =	simm.s32 $0xAA00  }
0x1e4: {  	[tilespmem:s8], [sflag:$0x1] =	stream.indirect_vreg.gather [hbm4b:s4+s2], $0x80, v4, vm0, $0xb8;
	[tilespmem:$0x10200] =	vst v63  }
0x1e5: {  	s9 =	simm.s32 $0xB200  }
0x1e6: {  	[tilespmem:s9], [sflag:$0x1] =	stream.indirect_vreg.gather [hbm4b:s3+s2], $0x80, v3, vm0, $0xb8;
	[tilespmem:$0x10200] =	vst v63  }
0x1e7: {  	s11 =	simm.s32 $0xBA00  }
0x1e8: {  	[tilespmem:s11], [sflag:$0x1] =	stream.indirect_vreg.gather [hbm4b:s4+s2], $0x80, v3, vm0, $0xb8;
	[tilespmem:$0x10200] =	vst v63  }
0x1e9: {  	v3 =	vld [tilespmem:$0x1E0];
	_ =	sdelay $0x4  }
0x1ea: {  	v62 =	vshll.u32 v3, $0x2  }
0x1eb: {  	v3 =	vand.u32 $0x7, v3;
	v4 =	vand.u32 $0xFFFFFFE0, v62  }
0x1ec: {  	v3 =	vor.u32 v3, v4  }
0x1ed: {  	v4 =	vperm.xlane v3, v0;
	_ =	sdelay $0x1  }
0x1ee: {  	v4 =	vadd.s32 v1, v4;
	_ =	sdelay $0x1  }
0x1ef: {  	v3 =	vperm.xlane v3, v2;
	_ =	sdelay $0x1  }
0x1f0: {  	s24 =	simm.s32 $0xC200;
	v3 =	vadd.s32 v1, v3  }
0x1f1: {  	[tilespmem:s24], [sflag:$0x1] =	stream.indirect_vreg.gather [hbm4b:s3+s2], $0x80, v4, vm0, $0xb8;
	[tilespmem:$0x10200] =	vst v63  }
0x1f2: {  	s24 =	simm.s32 $0xCA00  }
0x1f3: {  	[tilespmem:s24], [sflag:$0x1] =	stream.indirect_vreg.gather [hbm4b:s4+s2], $0x80, v4, vm0, $0xb8;
	[tilespmem:$0x10200] =	vst v63  }
0x1f4: {  	s29 =	simm.s32 $0xD200  }
0x1f5: {  	[tilespmem:s29], [sflag:$0x1] =	stream.indirect_vreg.gather [hbm4b:s3+s2], $0x80, v3, vm0, $0xb8;
	[tilespmem:$0x10200] =	vst v63  }
0x1f6: {  	s29 =	simm.s32 $0xDA00  }
0x1f7: {  	[tilespmem:s29], [sflag:$0x1] =	stream.indirect_vreg.gather [hbm4b:s4+s2], $0x80, v3, vm0, $0xb8;
	[tilespmem:$0x10200] =	vst v63  }
0x1f8: {  	v3 =	vld [tilespmem:$0x1F0];
	_ =	sdelay $0x4  }
0x1f9: {  	v63 =	vshll.u32 v3, $0x2  }
0x1fa: {  	v3 =	vand.u32 $0x7, v3;
	v4 =	vand.u32 $0xFFFFFFE0, v63  }
0x1fb: {  	v3 =	vor.u32 v3, v4  }
0x1fc: {  	v4 =	vperm.xlane v3, v0;
	_ =	sdelay $0x1  }
0x1fd: {  	v4 =	vadd.s32 v1, v4;
	_ =	sdelay $0x1  }
0x1fe: {  	v3 =	vperm.xlane v3, v2;
	_ =	sdelay $0x1  }
0x1ff: {  	s26 =	simm.s32 $0xE200;
	v3 =	vadd.s32 v1, v3  }
0x200: {  	[tilespmem:s26], [sflag:$0x1] =	stream.indirect_vreg.gather [hbm4b:s3+s2], $0x80, v4, vm0, $0xb8;
	[tilespmem:$0x10200] =	vst v63  }
0x201: {  	s28 =	simm.s32 $0xEA00  }
0x202: {  	[tilespmem:s28], [sflag:$0x1] =	stream.indirect_vreg.gather [hbm4b:s4+s2], $0x80, v4, vm0, $0xb8;
	[tilespmem:$0x10200] =	vst v63  }
0x203: {  	s23 =	simm.s32 $0xF200  }
0x204: {  	[tilespmem:s23], [sflag:$0x1] =	stream.indirect_vreg.gather [hbm4b:s3+s2], $0x80, v3, vm0, $0xb8;
	[tilespmem:$0x10200] =	vst v63  }
0x205: {  	s30 =	simm.s32 $0xFA00  }
0x206: {  	[tilespmem:s30], [sflag:$0x1] =	stream.indirect_vreg.gather [hbm4b:s4+s2], $0x80, v3, vm0, $0xb8;
	[tilespmem:$0x10200] =	vst v63  }
0x207: {  	_ =	swait.ge [sflag:s6], $0x10000  }
0x208: {  	p0 =	sne.s32 s5, $0x1;
	[sflag:s6] =	ssyncset.done $0x0  }
.Ltmp0:
0x209: {  	s31 =	rddreg [dreg:$0x6];
	[sflag:s6] =	ssyncadd.s32 $0xFFFF0000;
	(pc) =	sbr.rel @p0 .LBB2_1-.Ltmp0, $4  }
0x20a: {  	[hbm4b:s31+s2] =	stream.linear.scatter [tilespmem:s25], [sflag:$0x1], $0x10000, $0x38;
	[tilespmem:$0x10200] =	vst v63  }
0x20b: {  	_ =	swait.ge [sflag:s6], $0x10000  }
0x20c: {  	[sflag:s6] =	ssyncset.done $0x0  }
0x20d: {  	s5 =	sadd.s32 $0xFFFFFFFF, s5;
	[sflag:s6] =	ssyncadd.s32 $0xFFFF0000  }
0x20e: {  	_ =	sfence.sel $0x180000  }
0x20f: {  	[bflag:$0x0] =	sbarrier.arrive $0xFFFF  }
0x210: {  	_ =	strace $0x9000004A  }
0x211: {  	s0 =	stileid.u32;
	[bflag:$0x2] =	sbarrier.arrive $0xFFFF  }
0x212: {  	p0 =	sne.s32 s0, $0x0;
	s0 =	rddreg [dreg:$0x1]  }
0x213: {  	s0 =	sadd.s32 @!p0 $0x100000, s0  }
0x214: {  	[sflag:s0] =	ssyncadd.tile.s32 @!p0 $0x1;
	_ =	shalt  }
.Lfunc_end2:
_tile_overlayer_lowered:
.L_overlay_start_2:
0x215: {  	(tag) =	ssettag $0x2  }
0x216: {  	s0 =	rddreg [dreg:$0x0];
	s2 =	stileid.u32  }
0x217: {  	s1 =	rddreg [dreg:$0x1];
	p0 =	sne.s32 s2, $0x0  }
0x218: {  	s3 =	rddreg [dreg:$0x2];
	[bflag:$0x3] =	sbarrier.arrive $0xFFFF;
	s2 =	simm.s32 @!p0 $0x1C01  }
0x219: {  	[timem:s3], [sflag:s2] =	dma.local @!p0 [hbm:s0], s1  }
0x21a: {  	s0 =	simm.s32 @!p0 $0x1  }
0x21b: {  	_ =	swait.ge @!p0 [sflag:s0], s1  }
0x21c: {  	s1 =	ssub.s32 @!p0 $0x0, s1;
	[sflag:s0] =	ssyncset.done @!p0 $0x0  }
0x21d: {  	[sflag:s0] =	ssyncadd.s32 @!p0 s1  }
0x21e: {  	[bflag:$0x3] =	sbarrier.arrive $0xFFFF  }
0x21f: {  	_ =	shalt  }

// kernel: kernel.7.cloned.1.call-start
scs
__scs_entry_jumppad:
0x0: {  	(pc) =	sbr.rel $0x88, $3  }
0x1: {  	(tag) =	ssettag $0x0;
	lr =	simm.s32 $0x1  }
0x2: {  	[smem:$0x3F99] =	sst lr;
	_ =	strace $0xD0000000  }
0x3: {  	_ = 	snop  }
0x4: {  	_ = 	snop  }
0x5: {  	_ = 	snop  }
0x6: {  	_ = 	snop  }
0x7: {  	_ = 	snop  }
__scs_overlays_trampoline_lowered:
0x8: {  	[smem:$0x3FA8] =	sst s0  }
0x9: {  	[smem:$0x3FA9] =	sst s1  }
0xa: {  	[smem:$0x3FAA] =	sst s2  }
0xb: {  	[smem:$0x3FAB] =	sst s3  }
0xc: {  	[smem:$0x3FAC] =	sst s4  }
0xd: {  	[smem:$0x3FAD] =	sst s5  }
0xe: {  	[smem:$0x3FAE] =	sst s6  }
0xf: {  	[smem:$0x3FAF] =	sst s7  }
0x10: {  	[smem:$0x3FB0] =	sst s8  }
0x11: {  	[smem:$0x3FB1] =	sst s9;
	s0 =	simm.s32 @!p0 $0x0  }
0x12: {  	s1 =	sld [smem:$0x3F97];
	s0 =	simm.s32 @p0 $0x1  }
0x13: {  	[smem:$0x3FB2] =	sst s0;
	s0 =	simm.s32 @!p1 $0x0  }
0x14: {  	s2 =	sld [smem:$0x3F96];
	s0 =	simm.s32 @p1 $0x1  }
0x15: {  	[smem:$0x3FB3] =	sst s0;
	s0 =	simm.s32 @!p2 $0x0  }
0x16: {  	s3 =	sld [smem:$0x3FDB];
	s0 =	simm.s32 @p2 $0x1  }
0x17: {  	s4 =	simm.s32 $0x1BF5;
	[smem:$0x3FB5] =	sst s0  }
0x18: {  	s0 =	sld [smem:$0x3F98];
	_ =	swait.ge [sflag:s4], $0x0  }
0x19: {  	s7 =	sld [smem:$0x3F99]  }
0x1a: {  	s8 =	sadd.s32 $0xFFFFE003, lr  }
0x1b: {  	s9 =	sadd.s32 $0xFFFFFEF7, lr;
	s5 =	simm.s32 $0xFFFFFFFF;
	p2 =	slt.u32 s8, $0xFFFFF086  }
0x1c: {  	p1 =	slt.u32 s9, $0xF7A;
	s5 =	simm.s32 @!p2 $0x0  }
0x1d: {  	s5 =	simm.s32 @p1 $0x1;
	p0 =	seq.s32 s7, s2  }
0x1e: {  	s7 =	smul.u32 @!p0 $0xF7A, s2;
	p2 =	seq.s32 @!p0 s5, $0x0  }
0x1f: {  	s9 =	smul.u32 $0xF7A, s1;
	s8 =	simm.s32 @!p0 $0x1BF5;
	p2 =	por !p2, p0  }
0x20: {  	[sflag:s8] =	ssyncset.s32 @!p0 $0xFFFFF086;
	s6 =	sadd.s32 @!p0 s3, s7;
	s7 =	simm.s32 @!p0 $0x108  }
0x21: {  	s3 =	sadd.s32 s3, s9;
	s6 =	sadd.s32 @!p0 $0x88, s6;
	s7 =	simm.s32 @p2 $0x1082  }
0x22: {  	[simem:s7], [sflag:s8] =	dma.local @!p0 [hbm:s6], $0xF7A  }
0x23: {  	s9 =	sor.u32 $0xD0000000, s2;
	s6 =	simm.s32 $0x108;
	_ =	swait.ge @!p0 [sflag:s8], $0x0  }
0x24: {  	s3 =	sadd.s32 $0x88, s3;
	s6 =	simm.s32 @!p1 $0x1082;
	[sflag:s4] =	ssyncset.s32 $0xFFFFF086  }
0x25: {  	[simem:s6], [sflag:s4] =	dma.local [hbm:s3], $0xF7A  }
0x26: {  	[smem:$0x3F99] =	sst s1;
	(tag) =	ssettag s2;
	_ =	strace s9  }
0x27: {  	s1 =	sld [smem:$0x3FA9]  }
0x28: {  	s2 =	sld [smem:$0x3FAA]  }
0x29: {  	s4 =	sld [smem:$0x3FAC]  }
0x2a: {  	p0 =	seq.s32 s5, $0x0;
	s5 =	sld [smem:$0x3FAD]  }
0x2b: {  	s6 =	sld [smem:$0x3FAE]  }
0x2c: {  	s7 =	sld [smem:$0x3FAF]  }
0x2d: {  	s3 =	simm.s32 $0x108;
	s8 =	sld [smem:$0x3FB0]  }
0x2e: {  	s3 =	simm.s32 @!p0 $0x1082;
	s9 =	sld [smem:$0x3FB1]  }
0x2f: {  	lr =	sadd.s32 s0, s3;
	s0 =	sld [smem:$0x3FA8]  }
0x30: {  	s3 =	sld [smem:$0x3FAB]  }
0x31: {  	[smem:$0x3FB4] =	sst s10  }
0x32: {  	s10 =	sld [smem:$0x3FB2];
	_ =	sdelay $0x3  }
0x33: {  	p0 =	seq.s32 s10, $0x1;
	s10 =	sld [smem:$0x3FB4];
	_ =	sdelay $0x3  }
0x34: {  	[smem:$0x3FB4] =	sst s10  }
0x35: {  	s10 =	sld [smem:$0x3FB3];
	_ =	sdelay $0x3  }
0x36: {  	p1 =	seq.s32 s10, $0x1;
	s10 =	sld [smem:$0x3FB4];
	_ =	sdelay $0x3  }
0x37: {  	[smem:$0x3FB4] =	sst s10  }
0x38: {  	s10 =	sld [smem:$0x3FB5]  }
0x39: {  	_ = 	snop;
	(pc) =	sbr.ind lr, $3  }
0x3a: {  	_ = 	snop  }
0x3b: {  	_ = 	snop  }
0x3c: {  	p2 =	seq.s32 s10, $0x1;
	s10 =	sld [smem:$0x3FB4]  }
0x3d: {  	_ =	shalt  }
0x3e: {  	_ =	shalt  }
0x3f: {  	_ =	shalt  }
0x40: {  	_ =	shalt  }
0x41: {  	_ =	shalt  }
0x42: {  	_ =	shalt  }
0x43: {  	_ =	shalt  }
0x44: {  	_ =	shalt  }
0x45: {  	_ =	shalt  }
0x46: {  	_ =	shalt  }
0x47: {  	_ =	shalt  }
0x48: {  	_ =	shalt  }
0x49: {  	_ =	shalt  }
0x4a: {  	_ =	shalt  }
0x4b: {  	_ =	shalt  }
0x4c: {  	_ =	shalt  }
0x4d: {  	_ =	shalt  }
0x4e: {  	_ =	shalt  }
0x4f: {  	_ =	shalt  }
0x50: {  	_ =	shalt  }
0x51: {  	_ =	shalt  }
0x52: {  	_ =	shalt  }
0x53: {  	_ =	shalt  }
0x54: {  	_ =	shalt  }
0x55: {  	_ =	shalt  }
0x56: {  	_ =	shalt  }
0x57: {  	_ =	shalt  }
0x58: {  	_ =	shalt  }
0x59: {  	_ =	shalt  }
0x5a: {  	_ =	shalt  }
0x5b: {  	_ =	shalt  }
0x5c: {  	_ =	shalt  }
0x5d: {  	_ =	shalt  }
0x5e: {  	_ =	shalt  }
0x5f: {  	_ =	shalt  }
0x60: {  	_ =	shalt  }
0x61: {  	_ =	shalt  }
0x62: {  	_ =	shalt  }
0x63: {  	_ =	shalt  }
0x64: {  	_ =	shalt  }
0x65: {  	_ =	shalt  }
0x66: {  	_ =	shalt  }
0x67: {  	_ =	shalt  }
0x68: {  	_ =	shalt  }
0x69: {  	_ =	shalt  }
0x6a: {  	_ =	shalt  }
0x6b: {  	_ =	shalt  }
0x6c: {  	_ =	shalt  }
0x6d: {  	_ =	shalt  }
0x6e: {  	_ =	shalt  }
0x6f: {  	_ =	shalt  }
0x70: {  	_ =	shalt  }
0x71: {  	_ =	shalt  }
0x72: {  	_ =	shalt  }
0x73: {  	_ =	shalt  }
0x74: {  	_ =	shalt  }
0x75: {  	_ =	shalt  }
0x76: {  	_ =	shalt  }
0x77: {  	_ =	shalt  }
0x78: {  	_ =	shalt  }
0x79: {  	_ =	shalt  }
0x7a: {  	_ =	shalt  }
0x7b: {  	_ =	shalt  }
0x7c: {  	_ =	shalt  }
0x7d: {  	_ =	shalt  }
0x7e: {  	_ =	shalt  }
0x7f: {  	_ =	shalt  }
0x80: {  	_ =	shalt  }
0x81: {  	_ =	shalt  }
0x82: {  	_ =	shalt  }
0x83: {  	_ =	shalt  }
0x84: {  	_ =	shalt  }
0x85: {  	_ =	shalt  }
0x86: {  	_ =	shalt  }
0x87: {  	_ =	shalt  }
.Lfunc_end0:
.L_simem_size_0:
called_computation_lowered:
.L_overlay_start_0:
0x88: {  	s2 =	sld [smem:$0x3FD9]  }
0x89: {  	s3 =	sld [smem:$0x3FFE];
	_ =	sdelay $0x1  }
0x8a: {  	s1 =	srdreg.scid  }
0x8b: {  	s0 =	sand.u32 $0x1, s1  }
0x8c: {  	s14 =	sshll.u32 s0, $0xA;
	s2 =	sadd.s32 s3, s2  }
0x8d: {  	s2 =	sadd.s32 s2, s14  }
0x8e: {  	[smem:$0x3FC0] =	sst s2  }
0x8f: {  	_ = 	snop  }
0x90: {  	s2 =	sld [smem:$0x3FD0];
	_ =	sdelay $0x2  }
0x91: {  	s15 =	simm.s32 $0xA;
	s4 =	simm.s32 $0x10  }
0x92: {  	[smem:s4], [sflag:s15] =	dma.local [hbm:s2], $0x1  }
0x93: {  	_ =	swait.eq [sflag:s15], $0x1  }
0x94: {  	[sflag:s15] =	ssyncset.done $0x0  }
0x95: {  	[sflag:s15] =	ssyncadd.s32 $0xFFFFFFFF  }
0x96: {  	s16 =	sld [smem:$0x10];
	(tm) =	ssettm $0x1  }
0x97: {  	s17 =	sld [smem:$0x3FFB];
	_ =	sdelay $0x3  }
0x98: {  	_ =	strace s17  }
0x99: {  	s3 =	sld [smem:$0x3FFC];
	_ =	sdelay $0x3  }
0x9a: {  	_ =	strace s3  }
0x9b: {  	s3 =	sld [smem:$0x3FFD];
	_ =	sdelay $0x3  }
0x9c: {  	_ =	strace s3  }
0x9d: {  	_ =	strace $0x8FFFFFFF  }
0x9e: {  	s18 =	sld [smem:$0x3FDB];
	_ =	sdelay $0x1  }
0x9f: {  	s19 =	simm.s32 $_scs_section_size  }
0xa0: {  	s5 =	simm.s32 $_size__tile_overlayer_lowered;
	s6 =	simm.s32 $_tile_overlayer_lowered  }
0xa1: {  	s22 =	simm.s32 $0x1BFF;
	s21 =	sshll.u32 s6, $0x1;
	s3 =	sadd.s32 s19, s18  }
0xa2: {  	s7 =	simm.s32 $0x0;
	s20 =	sshll.u32 s5, $0x1;
	s5 =	sadd.s32 s21, s3  }
0xa3: {  	[timem:s7], [sflag:s22] =	dma.local [hbm:s5], s20  }
0xa4: {  	_ =	swait.ge [sflag:s22], s20  }
0xa5: {  	s4 =	ssub.s32 $0x0, s20;
	[sflag:s22] =	ssyncset.done $0x0  }
0xa6: {  	[sflag:s22] =	ssyncadd.s32 s4;
	_ =	sdelay $0x1  }
0xa7: {  	s23 =	simm.s32 $0x1B8B  }
0xa8: {  	_ =	swait.ge [sflag:s23], $0x1  }
0xa9: {  	[sflag:s23] =	ssyncset.done $0x0  }
0xaa: {  	s25 =	simm.s32 $0x1B8E;
	s24 =	sld [smem:$0x3FFE];
	[sflag:s23] =	ssyncadd.s32 $0xFFFFFFFF  }
0xab: {  	s26 =	simm.s32 $execute0_lowered;
	[smem:$0x3FD2] =	sst s25  }
0xac: {  	s5 =	sshll.u32 s26, $0x1;
	_ =	strace $0x80000046;
	[dreg:$0x1] =	wrdreg $0xFFFFFFFF  }
0xad: {  	s28 =	simm.s32 $_size_execute0_lowered;
	s3 =	sadd.s32 s3, s5;
	[dreg:$0x0] =	wrdreg $0x0  }
0xae: {  	s5 =	sshll.u32 s28, $0x1;
	[dreg:$0x2] =	wrdreg s3  }
0xaf: {  	[dreg:$0x3] =	wrdreg s5  }
0xb0: {  	[dreg:$0x4] =	wrdreg $0xC0  }
0xb1: {  	_ =	task [dreg:s7], $0x5FFFF  }
0xb2: {  	[dreg:$0x1] =	wrdreg $0xFFFFFFFF  }
0xb3: {  	[dreg:$0x0] =	wrdreg $0x60  }
0xb4: {  	[dreg:$0x2] =	wrdreg s16  }
0xb5: {  	[dreg:$0x3] =	wrdreg s24  }
0xb6: {  	[dreg:$0x4] =	wrdreg $0x9  }
0xb7: {  	_ =	task.clear_ibuf [dreg:s7], $0x5FFFF;
	_ =	strace $0x90000046  }
0xb8: {  	s29 =	simm.s32 $0x9;
	_ =	strace $0x80000048  }
0xb9: {  	_ =	swait.ge [sflag:s29], $0x1  }
0xba: {  	[sflag:s29] =	ssyncadd.s32 $0xFFFFFFFF  }
0xbb: {  	_ =	strace $0x90000048  }
0xbc: {  	_ =	sfence  }
0xbd: {  	s30 =	sld [smem:$0x0];
	_ =	sdelay $0x2  }
0xbe: {  	s31 =	sshll.u32 s1, $0xD;
	s1 =	sshrl.u32 s1, $0x2  }
0xbf: {  	s3 =	sand.u32 $0x4000, s31;
	s1 =	sadd.s32 s1, s30  }
0xc0: {  	s0 =	sor.u32 s3, s0;
	s1 =	sshll.u32 s1, $0x11  }
0xc1: {  	s0 =	sor.u32 s1, s0  }
0xc2: {  	s0 =	sadd.s32 $0x8F2B, s0  }
0xc3: {  	[sflag:s0] =	ssyncadd.remote.s32 $0x1  }
0xc4: {  	_ =	sfence.sel $0xFFFF  }
0xc5: {  	[dreg:$0x0] =	wrdreg $0xFFFFFFFF;
	(pc) =	sbr.abs _section_cstart, $3  }
0xc6: {  	[dreg:$0x1] =	wrdreg $0xFFFFFFFF  }
0xc7: {  	_ =	task.clear_ibuf [dreg:s7], $0x2FFFF;
	_ =	strace $0x9FFFFFFF  }
0xc8: {  	(tm) =	ssettm $0x7FFFFFFF  }
0xc9: {  	_ =	shalt  }
tec
execute0_lowered:
.L_overlay_start_1:
0x0: {  	(tag) =	ssettag $0x1  }
0x1: {  	s0 =	rddreg [dreg:$0x0];
	s1 =	srdreg.scid  }
0x2: {  	s4 =	rddreg [dreg:$0x1];
	s2 =	stileid.u32  }
0x3: {  	s1 =	sand.u32 $0x1, s1;
	s3 =	sshll.u32 s2, $0xA;
	s2 =	simm.s32 $0x0  }
0x4: {  	s5 =	sshll.u32 s1, $0x9;
	[smem:$0x7FF] =	sst s2  }
0x5: {  	s1 =	ssub.s32 $0x2, s1;
	s5 =	sor.u32 s5, s3;
	s3 =	sand.u32 $0x2000, s3  }
0x6: {  	_ =	strace $0x80000047;
	s6 =	sshrl.u32 s5, $0x3;
	s3 =	ssub.s32 s5, s3  }
0x7: {  	s30 =	sshrl.u32 s1, $0x1;
	s25 =	sadd.s32 s6, s4;
	s26 =	sshll.u32 s3, $0x6  }
0x8: {  	s1 =	ssub.s32 s1, s30;
	s5 =	sadd.s32 $0x43200, s25;
	s7 =	sand.u32 $0x1FFF8000, s26  }
0x9: {  	s28 =	sadd.s32 s0, s26;
	[dreg:$0x3] =	wrdreg s5;
	s0 =	sadd.s32 s7, s0  }
0xa: {  	s3 =	sadd.s32 $0x43A00, s4;
	[dreg:$0x4] =	wrdreg s28;
	s29 =	sadd.s32 $0x2000, s0  }
0xb: {  	v2 =	vlaneseq.u32;
	s4 =	sadd.s32 $0x43B00, s4;
	s31 =	sadd.s32 $0x4000, s0;
	[dreg:$0x5] =	wrdreg s29  }
0xc: {  	vm0 =	vmmov $0xffff;
	v1 =	vshrl.u32 v2, $0x3;
	s6 =	simm.s32 $0x1;
	s0 =	sadd.s32 $0x6000, s0;
	[dreg:$0x6] =	wrdreg s31  }
0xd: {  	v0 =	vand.u32 $0x7, v2;
	v2 =	vor.u32 $0x8, v2;
	v1 =	vmul.u32 $0x8, v1;
	s25 =	simm.s32 $0x200;
	s5 =	smax.u32 s1, $0x1;
	[dreg:$0x7] =	wrdreg s0  }
.LBB2_1:
0xe: {  	s14 =	rddreg [dreg:$0x3]  }
0xf: {  	[tilespmem:s2], [sflag:$0x1] =	stream.linear.gather [hbm4b:s14+s2], $0x200, $0x38;
	[tilespmem:$0x10200] =	vst v63  }
0x10: {  	_ =	swait.ge [sflag:s6], $0x200  }
0x11: {  	[sflag:s6] =	ssyncset.done $0x0  }
0x12: {  	s12 =	rddreg [dreg:$0x4];
	[sflag:s6] =	ssyncadd.s32 $0xFFFFFE00  }
0x13: {  	[tilespmem:s25], [sflag:$0x1] =	stream.linear.gather [hbm4b:s12+s2], $0x10000, $0x38;
	[tilespmem:$0x10200] =	vst v63  }
0x14: {  	_ =	swait.ge [sflag:s6], $0x10000  }
0x15: {  	[sflag:s6] =	ssyncset.done $0x0  }
0x16: {  	[sflag:s6] =	ssyncadd.s32 $0xFFFF0000  }
0x17: {  	v3 =	vld [tilespmem:$0x0];
	_ =	sdelay $0x4  }
0x18: {  	v4 =	vshll.u32 v3, $0x2  }
0x19: {  	v3 =	vand.u32 $0x7, v3;
	v4 =	vand.u32 $0xFFFFFFE0, v4  }
0x1a: {  	v3 =	vor.u32 v3, v4  }
0x1b: {  	v4 =	vperm.xlane v3, v0;
	_ =	sdelay $0x1  }
0x1c: {  	v4 =	vadd.s32 v1, v4;
	_ =	sdelay $0x1  }
0x1d: {  	v3 =	vperm.xlane v3, v2;
	_ =	sdelay $0x1  }
0x1e: {  	v3 =	vadd.s32 v1, v3  }
0x1f: {  	[hbm4b:s3+s2] =	stream.indirect_vreg.scatter [tilespmem:s25], [sflag:$0x1], $0x80, v4, vm0, $0xb8;
	[tilespmem:$0x10200] =	vst v63  }
0x20: {  	s0 =	simm.s32 $0xA00  }
0x21: {  	[hbm4b:s4+s2] =	stream.indirect_vreg.scatter [tilespmem:s0], [sflag:$0x1], $0x80, v4, vm0, $0xb8;
	[tilespmem:$0x10200] =	vst v63  }
0x22: {  	s13 =	simm.s32 $0x1200  }
0x23: {  	[hbm4b:s3+s2] =	stream.indirect_vreg.scatter [tilespmem:s13], [sflag:$0x1], $0x80, v3, vm0, $0xb8;
	[tilespmem:$0x10200] =	vst v63  }
0x24: {  	s14 =	simm.s32 $0x1A00  }
0x25: {  	[hbm4b:s4+s2] =	stream.indirect_vreg.scatter [tilespmem:s14], [sflag:$0x1], $0x80, v3, vm0, $0xb8;
	[tilespmem:$0x10200] =	vst v63  }
0x26: {  	v3 =	vld [tilespmem:$0x10];
	_ =	sdelay $0x4  }
0x27: {  	v33 =	vshll.u32 v3, $0x2  }
0x28: {  	v3 =	vand.u32 $0x7, v3;
	v4 =	vand.u32 $0xFFFFFFE0, v33  }
0x29: {  	v3 =	vor.u32 v3, v4  }
0x2a: {  	v4 =	vperm.xlane v3, v0;
	_ =	sdelay $0x1  }
0x2b: {  	v4 =	vadd.s32 v1, v4;
	_ =	sdelay $0x1  }
0x2c: {  	v3 =	vperm.xlane v3, v2;
	_ =	sdelay $0x1  }
0x2d: {  	s15 =	simm.s32 $0x2200;
	v3 =	vadd.s32 v1, v3  }
0x2e: {  	[hbm4b:s3+s2] =	stream.indirect_vreg.scatter [tilespmem:s15], [sflag:$0x1], $0x80, v4, vm0, $0xb8;
	[tilespmem:$0x10200] =	vst v63  }
0x2f: {  	s16 =	simm.s32 $0x2A00  }
0x30: {  	[hbm4b:s4+s2] =	stream.indirect_vreg.scatter [tilespmem:s16], [sflag:$0x1], $0x80, v4, vm0, $0xb8;
	[tilespmem:$0x10200] =	vst v63  }
0x31: {  	s17 =	simm.s32 $0x3200  }
0x32: {  	[hbm4b:s3+s2] =	stream.indirect_vreg.scatter [tilespmem:s17], [sflag:$0x1], $0x80, v3, vm0, $0xb8;
	[tilespmem:$0x10200] =	vst v63  }
0x33: {  	s18 =	simm.s32 $0x3A00  }
0x34: {  	[hbm4b:s4+s2] =	stream.indirect_vreg.scatter [tilespmem:s18], [sflag:$0x1], $0x80, v3, vm0, $0xb8;
	[tilespmem:$0x10200] =	vst v63  }
0x35: {  	v3 =	vld [tilespmem:$0x20];
	_ =	sdelay $0x4  }
0x36: {  	v34 =	vshll.u32 v3, $0x2  }
0x37: {  	v3 =	vand.u32 $0x7, v3;
	v4 =	vand.u32 $0xFFFFFFE0, v34  }
0x38: {  	v3 =	vor.u32 v3, v4  }
0x39: {  	v4 =	vperm.xlane v3, v0;
	_ =	sdelay $0x1  }
0x3a: {  	v4 =	vadd.s32 v1, v4;
	_ =	sdelay $0x1  }
0x3b: {  	v3 =	vperm.xlane v3, v2;
	_ =	sdelay $0x1  }
0x3c: {  	s19 =	simm.s32 $0x4200;
	v3 =	vadd.s32 v1, v3  }
0x3d: {  	[hbm4b:s3+s2] =	stream.indirect_vreg.scatter [tilespmem:s19], [sflag:$0x1], $0x80, v4, vm0, $0xb8;
	[tilespmem:$0x10200] =	vst v63  }
0x3e: {  	s20 =	simm.s32 $0x4A00  }
0x3f: {  	[hbm4b:s4+s2] =	stream.indirect_vreg.scatter [tilespmem:s20], [sflag:$0x1], $0x80, v4, vm0, $0xb8;
	[tilespmem:$0x10200] =	vst v63  }
0x40: {  	s21 =	simm.s32 $0x5200  }
0x41: {  	[hbm4b:s3+s2] =	stream.indirect_vreg.scatter [tilespmem:s21], [sflag:$0x1], $0x80, v3, vm0, $0xb8;
	[tilespmem:$0x10200] =	vst v63  }
0x42: {  	s22 =	simm.s32 $0x5A00  }
0x43: {  	[hbm4b:s4+s2] =	stream.indirect_vreg.scatter [tilespmem:s22], [sflag:$0x1], $0x80, v3, vm0, $0xb8;
	[tilespmem:$0x10200] =	vst v63  }
0x44: {  	v3 =	vld [tilespmem:$0x30];
	_ =	sdelay $0x4  }
0x45: {  	v35 =	vshll.u32 v3, $0x2  }
0x46: {  	v3 =	vand.u32 $0x7, v3;
	v4 =	vand.u32 $0xFFFFFFE0, v35  }
0x47: {  	v3 =	vor.u32 v3, v4  }
0x48: {  	v4 =	vperm.xlane v3, v0;
	_ =	sdelay $0x1  }
0x49: {  	v4 =	vadd.s32 v1, v4;
	_ =	sdelay $0x1  }
0x4a: {  	v3 =	vperm.xlane v3, v2;
	_ =	sdelay $0x1  }
0x4b: {  	s23 =	simm.s32 $0x6200;
	v3 =	vadd.s32 v1, v3  }
0x4c: {  	[hbm4b:s3+s2] =	stream.indirect_vreg.scatter [tilespmem:s23], [sflag:$0x1], $0x80, v4, vm0, $0xb8;
	[tilespmem:$0x10200] =	vst v63  }
0x4d: {  	s24 =	simm.s32 $0x6A00  }
0x4e: {  	[hbm4b:s4+s2] =	stream.indirect_vreg.scatter [tilespmem:s24], [sflag:$0x1], $0x80, v4, vm0, $0xb8;
	[tilespmem:$0x10200] =	vst v63  }
0x4f: {  	s26 =	simm.s32 $0x7200  }
0x50: {  	[hbm4b:s3+s2] =	stream.indirect_vreg.scatter [tilespmem:s26], [sflag:$0x1], $0x80, v3, vm0, $0xb8;
	[tilespmem:$0x10200] =	vst v63  }
0x51: {  	s28 =	simm.s32 $0x7A00  }
0x52: {  	[hbm4b:s4+s2] =	stream.indirect_vreg.scatter [tilespmem:s28], [sflag:$0x1], $0x80, v3, vm0, $0xb8;
	[tilespmem:$0x10200] =	vst v63  }
0x53: {  	v3 =	vld [tilespmem:$0x40];
	_ =	sdelay $0x4  }
0x54: {  	v36 =	vshll.u32 v3, $0x2  }
0x55: {  	v3 =	vand.u32 $0x7, v3;
	v4 =	vand.u32 $0xFFFFFFE0, v36  }
0x56: {  	v3 =	vor.u32 v3, v4  }
0x57: {  	v4 =	vperm.xlane v3, v0;
	_ =	sdelay $0x1  }
0x58: {  	v4 =	vadd.s32 v1, v4;
	_ =	sdelay $0x1  }
0x59: {  	v3 =	vperm.xlane v3, v2;
	_ =	sdelay $0x1  }
0x5a: {  	s29 =	simm.s32 $0x8200;
	v3 =	vadd.s32 v1, v3  }
0x5b: {  	[hbm4b:s3+s2] =	stream.indirect_vreg.scatter [tilespmem:s29], [sflag:$0x1], $0x80, v4, vm0, $0xb8;
	[tilespmem:$0x10200] =	vst v63  }
0x5c: {  	s30 =	simm.s32 $0x8A00  }
0x5d: {  	[hbm4b:s4+s2] =	stream.indirect_vreg.scatter [tilespmem:s30], [sflag:$0x1], $0x80, v4, vm0, $0xb8;
	[tilespmem:$0x10200] =	vst v63  }
0x5e: {  	s31 =	simm.s32 $0x9200  }
0x5f: {  	[hbm4b:s3+s2] =	stream.indirect_vreg.scatter [tilespmem:s31], [sflag:$0x1], $0x80, v3, vm0, $0xb8;
	[tilespmem:$0x10200] =	vst v63  }
0x60: {  	s12 =	simm.s32 $0x9A00  }
0x61: {  	[hbm4b:s4+s2] =	stream.indirect_vreg.scatter [tilespmem:s12], [sflag:$0x1], $0x80, v3, vm0, $0xb8;
	[tilespmem:$0x10200] =	vst v63  }
0x62: {  	v3 =	vld [tilespmem:$0x50];
	_ =	sdelay $0x4  }
0x63: {  	v37 =	vshll.u32 v3, $0x2  }
0x64: {  	v3 =	vand.u32 $0x7, v3;
	v4 =	vand.u32 $0xFFFFFFE0, v37  }
0x65: {  	v3 =	vor.u32 v3, v4  }
0x66: {  	v4 =	vperm.xlane v3, v0;
	_ =	sdelay $0x1  }
0x67: {  	v4 =	vadd.s32 v1, v4;
	_ =	sdelay $0x1  }
0x68: {  	v3 =	vperm.xlane v3, v2;
	_ =	sdelay $0x1  }
0x69: {  	s13 =	simm.s32 $0xA200;
	v3 =	vadd.s32 v1, v3  }
0x6a: {  	[hbm4b:s3+s2] =	stream.indirect_vreg.scatter [tilespmem:s13], [sflag:$0x1], $0x80, v4, vm0, $0xb8;
	[tilespmem:$0x10200] =	vst v63  }
0x6b: {  	s14 =	simm.s32 $0xAA00  }
0x6c: {  	[hbm4b:s4+s2] =	stream.indirect_vreg.scatter [tilespmem:s14], [sflag:$0x1], $0x80, v4, vm0, $0xb8;
	[tilespmem:$0x10200] =	vst v63  }
0x6d: {  	s15 =	simm.s32 $0xB200  }
0x6e: {  	[hbm4b:s3+s2] =	stream.indirect_vreg.scatter [tilespmem:s15], [sflag:$0x1], $0x80, v3, vm0, $0xb8;
	[tilespmem:$0x10200] =	vst v63  }
0x6f: {  	s16 =	simm.s32 $0xBA00  }
0x70: {  	[hbm4b:s4+s2] =	stream.indirect_vreg.scatter [tilespmem:s16], [sflag:$0x1], $0x80, v3, vm0, $0xb8;
	[tilespmem:$0x10200] =	vst v63  }
0x71: {  	v3 =	vld [tilespmem:$0x60];
	_ =	sdelay $0x4  }
0x72: {  	v38 =	vshll.u32 v3, $0x2  }
0x73: {  	v3 =	vand.u32 $0x7, v3;
	v4 =	vand.u32 $0xFFFFFFE0, v38  }
0x74: {  	v3 =	vor.u32 v3, v4  }
0x75: {  	v4 =	vperm.xlane v3, v0;
	_ =	sdelay $0x1  }
0x76: {  	v4 =	vadd.s32 v1, v4;
	_ =	sdelay $0x1  }
0x77: {  	v3 =	vperm.xlane v3, v2;
	_ =	sdelay $0x1  }
0x78: {  	s17 =	simm.s32 $0xC200;
	v3 =	vadd.s32 v1, v3  }
0x79: {  	[hbm4b:s3+s2] =	stream.indirect_vreg.scatter [tilespmem:s17], [sflag:$0x1], $0x80, v4, vm0, $0xb8;
	[tilespmem:$0x10200] =	vst v63  }
0x7a: {  	s18 =	simm.s32 $0xCA00  }
0x7b: {  	[hbm4b:s4+s2] =	stream.indirect_vreg.scatter [tilespmem:s18], [sflag:$0x1], $0x80, v4, vm0, $0xb8;
	[tilespmem:$0x10200] =	vst v63  }
0x7c: {  	s19 =	simm.s32 $0xD200  }
0x7d: {  	[hbm4b:s3+s2] =	stream.indirect_vreg.scatter [tilespmem:s19], [sflag:$0x1], $0x80, v3, vm0, $0xb8;
	[tilespmem:$0x10200] =	vst v63  }
0x7e: {  	s20 =	simm.s32 $0xDA00  }
0x7f: {  	[hbm4b:s4+s2] =	stream.indirect_vreg.scatter [tilespmem:s20], [sflag:$0x1], $0x80, v3, vm0, $0xb8;
	[tilespmem:$0x10200] =	vst v63  }
0x80: {  	v3 =	vld [tilespmem:$0x70];
	_ =	sdelay $0x4  }
0x81: {  	v39 =	vshll.u32 v3, $0x2  }
0x82: {  	v3 =	vand.u32 $0x7, v3;
	v4 =	vand.u32 $0xFFFFFFE0, v39  }
0x83: {  	v3 =	vor.u32 v3, v4  }
0x84: {  	v4 =	vperm.xlane v3, v0;
	_ =	sdelay $0x1  }
0x85: {  	v4 =	vadd.s32 v1, v4;
	_ =	sdelay $0x1  }
0x86: {  	v3 =	vperm.xlane v3, v2;
	_ =	sdelay $0x1  }
0x87: {  	s21 =	simm.s32 $0xE200;
	v3 =	vadd.s32 v1, v3  }
0x88: {  	[hbm4b:s3+s2] =	stream.indirect_vreg.scatter [tilespmem:s21], [sflag:$0x1], $0x80, v4, vm0, $0xb8;
	[tilespmem:$0x10200] =	vst v63  }
0x89: {  	s22 =	simm.s32 $0xEA00  }
0x8a: {  	[hbm4b:s4+s2] =	stream.indirect_vreg.scatter [tilespmem:s22], [sflag:$0x1], $0x80, v4, vm0, $0xb8;
	[tilespmem:$0x10200] =	vst v63  }
0x8b: {  	s24 =	simm.s32 $0xF200  }
0x8c: {  	[hbm4b:s3+s2] =	stream.indirect_vreg.scatter [tilespmem:s24], [sflag:$0x1], $0x80, v3, vm0, $0xb8;
	[tilespmem:$0x10200] =	vst v63  }
0x8d: {  	s28 =	simm.s32 $0xFA00  }
0x8e: {  	[hbm4b:s4+s2] =	stream.indirect_vreg.scatter [tilespmem:s28], [sflag:$0x1], $0x80, v3, vm0, $0xb8;
	[tilespmem:$0x10200] =	vst v63  }
0x8f: {  	_ =	swait.ge [sflag:s6], $0x10000  }
0x90: {  	[sflag:s6] =	ssyncset.done $0x0  }
0x91: {  	s29 =	rddreg [dreg:$0x5];
	[sflag:s6] =	ssyncadd.s32 $0xFFFF0000  }
0x92: {  	[tilespmem:s25], [sflag:$0x1] =	stream.linear.gather [hbm4b:s29+s2], $0x10000, $0x38;
	[tilespmem:$0x10200] =	vst v63  }
0x93: {  	_ =	swait.ge [sflag:s6], $0x10000  }
0x94: {  	[sflag:s6] =	ssyncset.done $0x0  }
0x95: {  	[sflag:s6] =	ssyncadd.s32 $0xFFFF0000  }
0x96: {  	v3 =	vld [tilespmem:$0x80];
	_ =	sdelay $0x4  }
0x97: {  	v40 =	vshll.u32 v3, $0x2  }
0x98: {  	v3 =	vand.u32 $0x7, v3;
	v4 =	vand.u32 $0xFFFFFFE0, v40  }
0x99: {  	v3 =	vor.u32 v3, v4  }
0x9a: {  	v4 =	vperm.xlane v3, v0;
	_ =	sdelay $0x1  }
0x9b: {  	v4 =	vadd.s32 v1, v4;
	_ =	sdelay $0x1  }
0x9c: {  	v3 =	vperm.xlane v3, v2;
	_ =	sdelay $0x1  }
0x9d: {  	v3 =	vadd.s32 v1, v3  }
0x9e: {  	[hbm4b:s3+s2] =	stream.indirect_vreg.scatter [tilespmem:s25], [sflag:$0x1], $0x80, v4, vm0, $0xb8;
	[tilespmem:$0x10200] =	vst v63  }
0x9f: {  	s1 =	simm.s32 $0xA00  }
0xa0: {  	[hbm4b:s4+s2] =	stream.indirect_vreg.scatter [tilespmem:s1], [sflag:$0x1], $0x80, v4, vm0, $0xb8;
	[tilespmem:$0x10200] =	vst v63  }
0xa1: {  	s7 =	simm.s32 $0x1200  }
0xa2: {  	[hbm4b:s3+s2] =	stream.indirect_vreg.scatter [tilespmem:s7], [sflag:$0x1], $0x80, v3, vm0, $0xb8;
	[tilespmem:$0x10200] =	vst v63  }
0xa3: {  	s11 =	simm.s32 $0x1A00  }
0xa4: {  	[hbm4b:s4+s2] =	stream.indirect_vreg.scatter [tilespmem:s11], [sflag:$0x1], $0x80, v3, vm0, $0xb8;
	[tilespmem:$0x10200] =	vst v63  }
0xa5: {  	v3 =	vld [tilespmem:$0x90];
	_ =	sdelay $0x4  }
0xa6: {  	v41 =	vshll.u32 v3, $0x2  }
0xa7: {  	v3 =	vand.u32 $0x7, v3;
	v4 =	vand.u32 $0xFFFFFFE0, v41  }
0xa8: {  	v3 =	vor.u32 v3, v4  }
0xa9: {  	v4 =	vperm.xlane v3, v0;
	_ =	sdelay $0x1  }
0xaa: {  	v4 =	vadd.s32 v1, v4;
	_ =	sdelay $0x1  }
0xab: {  	v3 =	vperm.xlane v3, v2;
	_ =	sdelay $0x1  }
0xac: {  	s8 =	simm.s32 $0x2200;
	v3 =	vadd.s32 v1, v3  }
0xad: {  	[hbm4b:s3+s2] =	stream.indirect_vreg.scatter [tilespmem:s8], [sflag:$0x1], $0x80, v4, vm0, $0xb8;
	[tilespmem:$0x10200] =	vst v63  }
0xae: {  	s9 =	simm.s32 $0x2A00  }
0xaf: {  	[hbm4b:s4+s2] =	stream.indirect_vreg.scatter [tilespmem:s9], [sflag:$0x1], $0x80, v4, vm0, $0xb8;
	[tilespmem:$0x10200] =	vst v63  }
0xb0: {  	s10 =	simm.s32 $0x3200  }
0xb1: {  	[hbm4b:s3+s2] =	stream.indirect_vreg.scatter [tilespmem:s10], [sflag:$0x1], $0x80, v3, vm0, $0xb8;
	[tilespmem:$0x10200] =	vst v63  }
0xb2: {  	s13 =	simm.s32 $0x3A00  }
0xb3: {  	[hbm4b:s4+s2] =	stream.indirect_vreg.scatter [tilespmem:s13], [sflag:$0x1], $0x80, v3, vm0, $0xb8;
	[tilespmem:$0x10200] =	vst v63  }
0xb4: {  	v3 =	vld [tilespmem:$0xA0];
	_ =	sdelay $0x4  }
0xb5: {  	v42 =	vshll.u32 v3, $0x2  }
0xb6: {  	v3 =	vand.u32 $0x7, v3;
	v4 =	vand.u32 $0xFFFFFFE0, v42  }
0xb7: {  	v3 =	vor.u32 v3, v4  }
0xb8: {  	v4 =	vperm.xlane v3, v0;
	_ =	sdelay $0x1  }
0xb9: {  	v4 =	vadd.s32 v1, v4;
	_ =	sdelay $0x1  }
0xba: {  	v3 =	vperm.xlane v3, v2;
	_ =	sdelay $0x1  }
0xbb: {  	s12 =	simm.s32 $0x4200;
	v3 =	vadd.s32 v1, v3  }
0xbc: {  	[hbm4b:s3+s2] =	stream.indirect_vreg.scatter [tilespmem:s12], [sflag:$0x1], $0x80, v4, vm0, $0xb8;
	[tilespmem:$0x10200] =	vst v63  }
0xbd: {  	s15 =	simm.s32 $0x4A00  }
0xbe: {  	[hbm4b:s4+s2] =	stream.indirect_vreg.scatter [tilespmem:s15], [sflag:$0x1], $0x80, v4, vm0, $0xb8;
	[tilespmem:$0x10200] =	vst v63  }
0xbf: {  	s16 =	simm.s32 $0x5200  }
0xc0: {  	[hbm4b:s3+s2] =	stream.indirect_vreg.scatter [tilespmem:s16], [sflag:$0x1], $0x80, v3, vm0, $0xb8;
	[tilespmem:$0x10200] =	vst v63  }
0xc1: {  	s17 =	simm.s32 $0x5A00  }
0xc2: {  	[hbm4b:s4+s2] =	stream.indirect_vreg.scatter [tilespmem:s17], [sflag:$0x1], $0x80, v3, vm0, $0xb8;
	[tilespmem:$0x10200] =	vst v63  }
0xc3: {  	v3 =	vld [tilespmem:$0xB0];
	_ =	sdelay $0x4  }
0xc4: {  	v43 =	vshll.u32 v3, $0x2  }
0xc5: {  	v3 =	vand.u32 $0x7, v3;
	v4 =	vand.u32 $0xFFFFFFE0, v43  }
0xc6: {  	v3 =	vor.u32 v3, v4  }
0xc7: {  	v4 =	vperm.xlane v3, v0;
	_ =	sdelay $0x1  }
0xc8: {  	v4 =	vadd.s32 v1, v4;
	_ =	sdelay $0x1  }
0xc9: {  	v3 =	vperm.xlane v3, v2;
	_ =	sdelay $0x1  }
0xca: {  	s18 =	simm.s32 $0x6200;
	v3 =	vadd.s32 v1, v3  }
0xcb: {  	[hbm4b:s3+s2] =	stream.indirect_vreg.scatter [tilespmem:s18], [sflag:$0x1], $0x80, v4, vm0, $0xb8;
	[tilespmem:$0x10200] =	vst v63  }
0xcc: {  	s19 =	simm.s32 $0x6A00  }
0xcd: {  	[hbm4b:s4+s2] =	stream.indirect_vreg.scatter [tilespmem:s19], [sflag:$0x1], $0x80, v4, vm0, $0xb8;
	[tilespmem:$0x10200] =	vst v63  }
0xce: {  	s20 =	simm.s32 $0x7200  }
0xcf: {  	[hbm4b:s3+s2] =	stream.indirect_vreg.scatter [tilespmem:s20], [sflag:$0x1], $0x80, v3, vm0, $0xb8;
	[tilespmem:$0x10200] =	vst v63  }
0xd0: {  	s21 =	simm.s32 $0x7A00  }
0xd1: {  	[hbm4b:s4+s2] =	stream.indirect_vreg.scatter [tilespmem:s21], [sflag:$0x1], $0x80, v3, vm0, $0xb8;
	[tilespmem:$0x10200] =	vst v63  }
0xd2: {  	v3 =	vld [tilespmem:$0xC0];
	_ =	sdelay $0x4  }
0xd3: {  	v44 =	vshll.u32 v3, $0x2  }
0xd4: {  	v3 =	vand.u32 $0x7, v3;
	v4 =	vand.u32 $0xFFFFFFE0, v44  }
0xd5: {  	v3 =	vor.u32 v3, v4  }
0xd6: {  	v4 =	vperm.xlane v3, v0;
	_ =	sdelay $0x1  }
0xd7: {  	v4 =	vadd.s32 v1, v4;
	_ =	sdelay $0x1  }
0xd8: {  	v3 =	vperm.xlane v3, v2;
	_ =	sdelay $0x1  }
0xd9: {  	s22 =	simm.s32 $0x8200;
	v3 =	vadd.s32 v1, v3  }
0xda: {  	[hbm4b:s3+s2] =	stream.indirect_vreg.scatter [tilespmem:s22], [sflag:$0x1], $0x80, v4, vm0, $0xb8;
	[tilespmem:$0x10200] =	vst v63  }
0xdb: {  	s0 =	simm.s32 $0x8A00  }
0xdc: {  	[hbm4b:s4+s2] =	stream.indirect_vreg.scatter [tilespmem:s0], [sflag:$0x1], $0x80, v4, vm0, $0xb8;
	[tilespmem:$0x10200] =	vst v63  }
0xdd: {  	s1 =	simm.s32 $0x9200  }
0xde: {  	[hbm4b:s3+s2] =	stream.indirect_vreg.scatter [tilespmem:s1], [sflag:$0x1], $0x80, v3, vm0, $0xb8;
	[tilespmem:$0x10200] =	vst v63  }
0xdf: {  	s10 =	simm.s32 $0x9A00  }
0xe0: {  	[hbm4b:s4+s2] =	stream.indirect_vreg.scatter [tilespmem:s10], [sflag:$0x1], $0x80, v3, vm0, $0xb8;
	[tilespmem:$0x10200] =	vst v63  }
0xe1: {  	v3 =	vld [tilespmem:$0xD0];
	_ =	sdelay $0x4  }
0xe2: {  	v45 =	vshll.u32 v3, $0x2  }
0xe3: {  	v3 =	vand.u32 $0x7, v3;
	v4 =	vand.u32 $0xFFFFFFE0, v45  }
0xe4: {  	v3 =	vor.u32 v3, v4  }
0xe5: {  	v4 =	vperm.xlane v3, v0;
	_ =	sdelay $0x1  }
0xe6: {  	v4 =	vadd.s32 v1, v4;
	_ =	sdelay $0x1  }
0xe7: {  	v3 =	vperm.xlane v3, v2;
	_ =	sdelay $0x1  }
0xe8: {  	s7 =	simm.s32 $0xA200;
	v3 =	vadd.s32 v1, v3  }
0xe9: {  	[hbm4b:s3+s2] =	stream.indirect_vreg.scatter [tilespmem:s7], [sflag:$0x1], $0x80, v4, vm0, $0xb8;
	[tilespmem:$0x10200] =	vst v63  }
0xea: {  	s8 =	simm.s32 $0xAA00  }
0xeb: {  	[hbm4b:s4+s2] =	stream.indirect_vreg.scatter [tilespmem:s8], [sflag:$0x1], $0x80, v4, vm0, $0xb8;
	[tilespmem:$0x10200] =	vst v63  }
0xec: {  	s9 =	simm.s32 $0xB200  }
0xed: {  	[hbm4b:s3+s2] =	stream.indirect_vreg.scatter [tilespmem:s9], [sflag:$0x1], $0x80, v3, vm0, $0xb8;
	[tilespmem:$0x10200] =	vst v63  }
0xee: {  	s11 =	simm.s32 $0xBA00  }
0xef: {  	[hbm4b:s4+s2] =	stream.indirect_vreg.scatter [tilespmem:s11], [sflag:$0x1], $0x80, v3, vm0, $0xb8;
	[tilespmem:$0x10200] =	vst v63  }
0xf0: {  	v3 =	vld [tilespmem:$0xE0];
	_ =	sdelay $0x4  }
0xf1: {  	v46 =	vshll.u32 v3, $0x2  }
0xf2: {  	v3 =	vand.u32 $0x7, v3;
	v4 =	vand.u32 $0xFFFFFFE0, v46  }
0xf3: {  	v3 =	vor.u32 v3, v4  }
0xf4: {  	v4 =	vperm.xlane v3, v0;
	_ =	sdelay $0x1  }
0xf5: {  	v4 =	vadd.s32 v1, v4;
	_ =	sdelay $0x1  }
0xf6: {  	v3 =	vperm.xlane v3, v2;
	_ =	sdelay $0x1  }
0xf7: {  	s31 =	simm.s32 $0xC200;
	v3 =	vadd.s32 v1, v3  }
0xf8: {  	[hbm4b:s3+s2] =	stream.indirect_vreg.scatter [tilespmem:s31], [sflag:$0x1], $0x80, v4, vm0, $0xb8;
	[tilespmem:$0x10200] =	vst v63  }
0xf9: {  	s26 =	simm.s32 $0xCA00  }
0xfa: {  	[hbm4b:s4+s2] =	stream.indirect_vreg.scatter [tilespmem:s26], [sflag:$0x1], $0x80, v4, vm0, $0xb8;
	[tilespmem:$0x10200] =	vst v63  }
0xfb: {  	s31 =	simm.s32 $0xD200  }
0xfc: {  	[hbm4b:s3+s2] =	stream.indirect_vreg.scatter [tilespmem:s31], [sflag:$0x1], $0x80, v3, vm0, $0xb8;
	[tilespmem:$0x10200] =	vst v63  }
0xfd: {  	s23 =	simm.s32 $0xDA00  }
0xfe: {  	[hbm4b:s4+s2] =	stream.indirect_vreg.scatter [tilespmem:s23], [sflag:$0x1], $0x80, v3, vm0, $0xb8;
	[tilespmem:$0x10200] =	vst v63  }
0xff: {  	v3 =	vld [tilespmem:$0xF0];
	_ =	sdelay $0x4  }
0x100: {  	v47 =	vshll.u32 v3, $0x2  }
0x101: {  	v3 =	vand.u32 $0x7, v3;
	v4 =	vand.u32 $0xFFFFFFE0, v47  }
0x102: {  	v3 =	vor.u32 v3, v4  }
0x103: {  	v4 =	vperm.xlane v3, v0;
	_ =	sdelay $0x1  }
0x104: {  	v4 =	vadd.s32 v1, v4;
	_ =	sdelay $0x1  }
0x105: {  	v3 =	vperm.xlane v3, v2;
	_ =	sdelay $0x1  }
0x106: {  	s23 =	simm.s32 $0xE200;
	v3 =	vadd.s32 v1, v3  }
0x107: {  	[hbm4b:s3+s2] =	stream.indirect_vreg.scatter [tilespmem:s23], [sflag:$0x1], $0x80, v4, vm0, $0xb8;
	[tilespmem:$0x10200] =	vst v63  }
0x108: {  	s30 =	simm.s32 $0xEA00  }
0x109: {  	[hbm4b:s4+s2] =	stream.indirect_vreg.scatter [tilespmem:s30], [sflag:$0x1], $0x80, v4, vm0, $0xb8;
	[tilespmem:$0x10200] =	vst v63  }
0x10a: {  	s30 =	simm.s32 $0xF200  }
0x10b: {  	[hbm4b:s3+s2] =	stream.indirect_vreg.scatter [tilespmem:s30], [sflag:$0x1], $0x80, v3, vm0, $0xb8;
	[tilespmem:$0x10200] =	vst v63  }
0x10c: {  	s24 =	simm.s32 $0xFA00  }
0x10d: {  	[hbm4b:s4+s2] =	stream.indirect_vreg.scatter [tilespmem:s24], [sflag:$0x1], $0x80, v3, vm0, $0xb8;
	[tilespmem:$0x10200] =	vst v63  }
0x10e: {  	_ =	swait.ge [sflag:s6], $0x10000  }
0x10f: {  	[sflag:s6] =	ssyncset.done $0x0  }
0x110: {  	s24 =	rddreg [dreg:$0x6];
	[sflag:s6] =	ssyncadd.s32 $0xFFFF0000  }
0x111: {  	[tilespmem:s25], [sflag:$0x1] =	stream.linear.gather [hbm4b:s24+s2], $0x10000, $0x38;
	[tilespmem:$0x10200] =	vst v63  }
0x112: {  	_ =	swait.ge [sflag:s6], $0x10000  }
0x113: {  	[sflag:s6] =	ssyncset.done $0x0  }
0x114: {  	[sflag:s6] =	ssyncadd.s32 $0xFFFF0000  }
0x115: {  	v3 =	vld [tilespmem:$0x100];
	_ =	sdelay $0x4  }
0x116: {  	v48 =	vshll.u32 v3, $0x2  }
0x117: {  	v3 =	vand.u32 $0x7, v3;
	v4 =	vand.u32 $0xFFFFFFE0, v48  }
0x118: {  	v3 =	vor.u32 v3, v4  }
0x119: {  	v4 =	vperm.xlane v3, v0;
	_ =	sdelay $0x1  }
0x11a: {  	v4 =	vadd.s32 v1, v4;
	_ =	sdelay $0x1  }
0x11b: {  	v3 =	vperm.xlane v3, v2;
	_ =	sdelay $0x1  }
0x11c: {  	v3 =	vadd.s32 v1, v3  }
0x11d: {  	[hbm4b:s3+s2] =	stream.indirect_vreg.scatter [tilespmem:s25], [sflag:$0x1], $0x80, v4, vm0, $0xb8;
	[tilespmem:$0x10200] =	vst v63  }
0x11e: {  	s24 =	simm.s32 $0xA00  }
0x11f: {  	[hbm4b:s4+s2] =	stream.indirect_vreg.scatter [tilespmem:s24], [sflag:$0x1], $0x80, v4, vm0, $0xb8;
	[tilespmem:$0x10200] =	vst v63  }
0x120: {  	s24 =	simm.s32 $0x1200  }
0x121: {  	[hbm4b:s3+s2] =	stream.indirect_vreg.scatter [tilespmem:s24], [sflag:$0x1], $0x80, v3, vm0, $0xb8;
	[tilespmem:$0x10200] =	vst v63  }
0x122: {  	s24 =	simm.s32 $0x1A00  }
0x123: {  	[hbm4b:s4+s2] =	stream.indirect_vreg.scatter [tilespmem:s24], [sflag:$0x1], $0x80, v3, vm0, $0xb8;
	[tilespmem:$0x10200] =	vst v63  }
0x124: {  	v3 =	vld [tilespmem:$0x110];
	_ =	sdelay $0x4  }
0x125: {  	v49 =	vshll.u32 v3, $0x2  }
0x126: {  	v3 =	vand.u32 $0x7, v3;
	v4 =	vand.u32 $0xFFFFFFE0, v49  }
0x127: {  	v3 =	vor.u32 v3, v4  }
0x128: {  	v4 =	vperm.xlane v3, v0;
	_ =	sdelay $0x1  }
0x129: {  	v4 =	vadd.s32 v1, v4;
	_ =	sdelay $0x1  }
0x12a: {  	v3 =	vperm.xlane v3, v2;
	_ =	sdelay $0x1  }
0x12b: {  	s24 =	simm.s32 $0x2200;
	v3 =	vadd.s32 v1, v3  }
0x12c: {  	[hbm4b:s3+s2] =	stream.indirect_vreg.scatter [tilespmem:s24], [sflag:$0x1], $0x80, v4, vm0, $0xb8;
	[tilespmem:$0x10200] =	vst v63  }
0x12d: {  	s24 =	simm.s32 $0x2A00  }
0x12e: {  	[hbm4b:s4+s2] =	stream.indirect_vreg.scatter [tilespmem:s24], [sflag:$0x1], $0x80, v4, vm0, $0xb8;
	[tilespmem:$0x10200] =	vst v63  }
0x12f: {  	s24 =	simm.s32 $0x3200  }
0x130: {  	[hbm4b:s3+s2] =	stream.indirect_vreg.scatter [tilespmem:s24], [sflag:$0x1], $0x80, v3, vm0, $0xb8;
	[tilespmem:$0x10200] =	vst v63  }
0x131: {  	_ = 	snop  }
0x132: {  	[hbm4b:s4+s2] =	stream.indirect_vreg.scatter [tilespmem:s13], [sflag:$0x1], $0x80, v3, vm0, $0xb8;
	[tilespmem:$0x10200] =	vst v63  }
0x133: {  	v3 =	vld [tilespmem:$0x120];
	_ =	sdelay $0x4  }
0x134: {  	v50 =	vshll.u32 v3, $0x2  }
0x135: {  	v3 =	vand.u32 $0x7, v3;
	v4 =	vand.u32 $0xFFFFFFE0, v50  }
0x136: {  	v3 =	vor.u32 v3, v4  }
0x137: {  	v4 =	vperm.xlane v3, v0;
	_ =	sdelay $0x1  }
0x138: {  	v4 =	vadd.s32 v1, v4;
	_ =	sdelay $0x1  }
0x139: {  	v3 =	vperm.xlane v3, v2;
	_ =	sdelay $0x1  }
0x13a: {  	v3 =	vadd.s32 v1, v3  }
0x13b: {  	[hbm4b:s3+s2] =	stream.indirect_vreg.scatter [tilespmem:s12], [sflag:$0x1], $0x80, v4, vm0, $0xb8;
	[tilespmem:$0x10200] =	vst v63  }
0x13c: {  	_ = 	snop  }
0x13d: {  	[hbm4b:s4+s2] =	stream.indirect_vreg.scatter [tilespmem:s15], [sflag:$0x1], $0x80, v4, vm0, $0xb8;
	[tilespmem:$0x10200] =	vst v63  }
0x13e: {  	_ = 	snop  }
0x13f: {  	[hbm4b:s3+s2] =	stream.indirect_vreg.scatter [tilespmem:s16], [sflag:$0x1], $0x80, v3, vm0, $0xb8;
	[tilespmem:$0x10200] =	vst v63  }
0x140: {  	_ = 	snop  }
0x141: {  	[hbm4b:s4+s2] =	stream.indirect_vreg.scatter [tilespmem:s17], [sflag:$0x1], $0x80, v3, vm0, $0xb8;
	[tilespmem:$0x10200] =	vst v63  }
0x142: {  	v3 =	vld [tilespmem:$0x130];
	_ =	sdelay $0x4  }
0x143: {  	v51 =	vshll.u32 v3, $0x2  }
0x144: {  	v3 =	vand.u32 $0x7, v3;
	v4 =	vand.u32 $0xFFFFFFE0, v51  }
0x145: {  	v3 =	vor.u32 v3, v4  }
0x146: {  	v4 =	vperm.xlane v3, v0;
	_ =	sdelay $0x1  }
0x147: {  	v4 =	vadd.s32 v1, v4;
	_ =	sdelay $0x1  }
0x148: {  	v3 =	vperm.xlane v3, v2;
	_ =	sdelay $0x1  }
0x149: {  	v3 =	vadd.s32 v1, v3  }
0x14a: {  	[hbm4b:s3+s2] =	stream.indirect_vreg.scatter [tilespmem:s18], [sflag:$0x1], $0x80, v4, vm0, $0xb8;
	[tilespmem:$0x10200] =	vst v63  }
0x14b: {  	_ = 	snop  }
0x14c: {  	[hbm4b:s4+s2] =	stream.indirect_vreg.scatter [tilespmem:s19], [sflag:$0x1], $0x80, v4, vm0, $0xb8;
	[tilespmem:$0x10200] =	vst v63  }
0x14d: {  	_ = 	snop  }
0x14e: {  	[hbm4b:s3+s2] =	stream.indirect_vreg.scatter [tilespmem:s20], [sflag:$0x1], $0x80, v3, vm0, $0xb8;
	[tilespmem:$0x10200] =	vst v63  }
0x14f: {  	_ = 	snop  }
0x150: {  	[hbm4b:s4+s2] =	stream.indirect_vreg.scatter [tilespmem:s21], [sflag:$0x1], $0x80, v3, vm0, $0xb8;
	[tilespmem:$0x10200] =	vst v63  }
0x151: {  	v3 =	vld [tilespmem:$0x140];
	_ =	sdelay $0x4  }
0x152: {  	v52 =	vshll.u32 v3, $0x2  }
0x153: {  	v3 =	vand.u32 $0x7, v3;
	v4 =	vand.u32 $0xFFFFFFE0, v52  }
0x154: {  	v3 =	vor.u32 v3, v4  }
0x155: {  	v4 =	vperm.xlane v3, v0;
	_ =	sdelay $0x1  }
0x156: {  	v4 =	vadd.s32 v1, v4;
	_ =	sdelay $0x1  }
0x157: {  	v3 =	vperm.xlane v3, v2;
	_ =	sdelay $0x1  }
0x158: {  	v3 =	vadd.s32 v1, v3  }
0x159: {  	[hbm4b:s3+s2] =	stream.indirect_vreg.scatter [tilespmem:s22], [sflag:$0x1], $0x80, v4, vm0, $0xb8;
	[tilespmem:$0x10200] =	vst v63  }
0x15a: {  	_ = 	snop  }
0x15b: {  	[hbm4b:s4+s2] =	stream.indirect_vreg.scatter [tilespmem:s0], [sflag:$0x1], $0x80, v4, vm0, $0xb8;
	[tilespmem:$0x10200] =	vst v63  }
0x15c: {  	_ = 	snop  }
0x15d: {  	[hbm4b:s3+s2] =	stream.indirect_vreg.scatter [tilespmem:s1], [sflag:$0x1], $0x80, v3, vm0, $0xb8;
	[tilespmem:$0x10200] =	vst v63  }
0x15e: {  	_ = 	snop  }
0x15f: {  	[hbm4b:s4+s2] =	stream.indirect_vreg.scatter [tilespmem:s10], [sflag:$0x1], $0x80, v3, vm0, $0xb8;
	[tilespmem:$0x10200] =	vst v63  }
0x160: {  	v3 =	vld [tilespmem:$0x150];
	_ =	sdelay $0x4  }
0x161: {  	v53 =	vshll.u32 v3, $0x2  }
0x162: {  	v3 =	vand.u32 $0x7, v3;
	v4 =	vand.u32 $0xFFFFFFE0, v53  }
0x163: {  	v3 =	vor.u32 v3, v4  }
0x164: {  	v4 =	vperm.xlane v3, v0;
	_ =	sdelay $0x1  }
0x165: {  	v4 =	vadd.s32 v1, v4;
	_ =	sdelay $0x1  }
0x166: {  	v3 =	vperm.xlane v3, v2;
	_ =	sdelay $0x1  }
0x167: {  	v3 =	vadd.s32 v1, v3  }
0x168: {  	[hbm4b:s3+s2] =	stream.indirect_vreg.scatter [tilespmem:s7], [sflag:$0x1], $0x80, v4, vm0, $0xb8;
	[tilespmem:$0x10200] =	vst v63  }
0x169: {  	_ = 	snop  }
0x16a: {  	[hbm4b:s4+s2] =	stream.indirect_vreg.scatter [tilespmem:s8], [sflag:$0x1], $0x80, v4, vm0, $0xb8;
	[tilespmem:$0x10200] =	vst v63  }
0x16b: {  	_ = 	snop  }
0x16c: {  	[hbm4b:s3+s2] =	stream.indirect_vreg.scatter [tilespmem:s9], [sflag:$0x1], $0x80, v3, vm0, $0xb8;
	[tilespmem:$0x10200] =	vst v63  }
0x16d: {  	_ = 	snop  }
0x16e: {  	[hbm4b:s4+s2] =	stream.indirect_vreg.scatter [tilespmem:s11], [sflag:$0x1], $0x80, v3, vm0, $0xb8;
	[tilespmem:$0x10200] =	vst v63  }
0x16f: {  	v3 =	vld [tilespmem:$0x160];
	_ =	sdelay $0x4  }
0x170: {  	v54 =	vshll.u32 v3, $0x2  }
0x171: {  	v3 =	vand.u32 $0x7, v3;
	v4 =	vand.u32 $0xFFFFFFE0, v54  }
0x172: {  	v3 =	vor.u32 v3, v4  }
0x173: {  	v4 =	vperm.xlane v3, v0;
	_ =	sdelay $0x1  }
0x174: {  	v4 =	vadd.s32 v1, v4;
	_ =	sdelay $0x1  }
0x175: {  	v3 =	vperm.xlane v3, v2;
	_ =	sdelay $0x1  }
0x176: {  	s28 =	simm.s32 $0xC200;
	v3 =	vadd.s32 v1, v3  }
0x177: {  	[hbm4b:s3+s2] =	stream.indirect_vreg.scatter [tilespmem:s28], [sflag:$0x1], $0x80, v4, vm0, $0xb8;
	[tilespmem:$0x10200] =	vst v63  }
0x178: {  	s29 =	simm.s32 $0xCA00  }
0x179: {  	[hbm4b:s4+s2] =	stream.indirect_vreg.scatter [tilespmem:s29], [sflag:$0x1], $0x80, v4, vm0, $0xb8;
	[tilespmem:$0x10200] =	vst v63  }
0x17a: {  	s26 =	simm.s32 $0xD200  }
0x17b: {  	[hbm4b:s3+s2] =	stream.indirect_vreg.scatter [tilespmem:s26], [sflag:$0x1], $0x80, v3, vm0, $0xb8;
	[tilespmem:$0x10200] =	vst v63  }
0x17c: {  	s28 =	simm.s32 $0xDA00  }
0x17d: {  	[hbm4b:s4+s2] =	stream.indirect_vreg.scatter [tilespmem:s28], [sflag:$0x1], $0x80, v3, vm0, $0xb8;
	[tilespmem:$0x10200] =	vst v63  }
0x17e: {  	v3 =	vld [tilespmem:$0x170];
	_ =	sdelay $0x4  }
0x17f: {  	v55 =	vshll.u32 v3, $0x2  }
0x180: {  	v3 =	vand.u32 $0x7, v3;
	v4 =	vand.u32 $0xFFFFFFE0, v55  }
0x181: {  	v3 =	vor.u32 v3, v4  }
0x182: {  	v4 =	vperm.xlane v3, v0;
	_ =	sdelay $0x1  }
0x183: {  	v4 =	vadd.s32 v1, v4;
	_ =	sdelay $0x1  }
0x184: {  	v3 =	vperm.xlane v3, v2;
	_ =	sdelay $0x1  }
0x185: {  	s23 =	simm.s32 $0xE200;
	v3 =	vadd.s32 v1, v3  }
0x186: {  	[hbm4b:s3+s2] =	stream.indirect_vreg.scatter [tilespmem:s23], [sflag:$0x1], $0x80, v4, vm0, $0xb8;
	[tilespmem:$0x10200] =	vst v63  }
0x187: {  	s31 =	simm.s32 $0xEA00  }
0x188: {  	[hbm4b:s4+s2] =	stream.indirect_vreg.scatter [tilespmem:s31], [sflag:$0x1], $0x80, v4, vm0, $0xb8;
	[tilespmem:$0x10200] =	vst v63  }
0x189: {  	s30 =	simm.s32 $0xF200  }
0x18a: {  	[hbm4b:s3+s2] =	stream.indirect_vreg.scatter [tilespmem:s30], [sflag:$0x1], $0x80, v3, vm0, $0xb8;
	[tilespmem:$0x10200] =	vst v63  }
0x18b: {  	s30 =	simm.s32 $0xFA00  }
0x18c: {  	[hbm4b:s4+s2] =	stream.indirect_vreg.scatter [tilespmem:s30], [sflag:$0x1], $0x80, v3, vm0, $0xb8;
	[tilespmem:$0x10200] =	vst v63  }
0x18d: {  	_ =	swait.ge [sflag:s6], $0x10000  }
0x18e: {  	[sflag:s6] =	ssyncset.done $0x0  }
0x18f: {  	s31 =	rddreg [dreg:$0x7];
	[sflag:s6] =	ssyncadd.s32 $0xFFFF0000  }
0x190: {  	[tilespmem:s25], [sflag:$0x1] =	stream.linear.gather [hbm4b:s31+s2], $0x10000, $0x38;
	[tilespmem:$0x10200] =	vst v63  }
0x191: {  	_ =	swait.ge [sflag:s6], $0x10000  }
0x192: {  	[sflag:s6] =	ssyncset.done $0x0  }
0x193: {  	[sflag:s6] =	ssyncadd.s32 $0xFFFF0000  }
0x194: {  	v3 =	vld [tilespmem:$0x180];
	_ =	sdelay $0x4  }
0x195: {  	v56 =	vshll.u32 v3, $0x2  }
0x196: {  	v3 =	vand.u32 $0x7, v3;
	v4 =	vand.u32 $0xFFFFFFE0, v56  }
0x197: {  	v3 =	vor.u32 v3, v4  }
0x198: {  	v4 =	vperm.xlane v3, v0;
	_ =	sdelay $0x1  }
0x199: {  	v4 =	vadd.s32 v1, v4;
	_ =	sdelay $0x1  }
0x19a: {  	v3 =	vperm.xlane v3, v2;
	_ =	sdelay $0x1  }
0x19b: {  	v3 =	vadd.s32 v1, v3  }
0x19c: {  	[hbm4b:s3+s2] =	stream.indirect_vreg.scatter [tilespmem:s25], [sflag:$0x1], $0x80, v4, vm0, $0xb8;
	[tilespmem:$0x10200] =	vst v63  }
0x19d: {  	s31 =	simm.s32 $0xA00  }
0x19e: {  	[hbm4b:s4+s2] =	stream.indirect_vreg.scatter [tilespmem:s31], [sflag:$0x1], $0x80, v4, vm0, $0xb8;
	[tilespmem:$0x10200] =	vst v63  }
0x19f: {  	s31 =	simm.s32 $0x1200  }
0x1a0: {  	[hbm4b:s3+s2] =	stream.indirect_vreg.scatter [tilespmem:s31], [sflag:$0x1], $0x80, v3, vm0, $0xb8;
	[tilespmem:$0x10200] =	vst v63  }
0x1a1: {  	s31 =	simm.s32 $0x1A00  }
0x1a2: {  	[hbm4b:s4+s2] =	stream.indirect_vreg.scatter [tilespmem:s31], [sflag:$0x1], $0x80, v3, vm0, $0xb8;
	[tilespmem:$0x10200] =	vst v63  }
0x1a3: {  	v3 =	vld [tilespmem:$0x190];
	_ =	sdelay $0x4  }
0x1a4: {  	v57 =	vshll.u32 v3, $0x2  }
0x1a5: {  	v3 =	vand.u32 $0x7, v3;
	v4 =	vand.u32 $0xFFFFFFE0, v57  }
0x1a6: {  	v3 =	vor.u32 v3, v4  }
0x1a7: {  	v4 =	vperm.xlane v3, v0;
	_ =	sdelay $0x1  }
0x1a8: {  	v4 =	vadd.s32 v1, v4;
	_ =	sdelay $0x1  }
0x1a9: {  	v3 =	vperm.xlane v3, v2;
	_ =	sdelay $0x1  }
0x1aa: {  	s31 =	simm.s32 $0x2200;
	v3 =	vadd.s32 v1, v3  }
0x1ab: {  	[hbm4b:s3+s2] =	stream.indirect_vreg.scatter [tilespmem:s31], [sflag:$0x1], $0x80, v4, vm0, $0xb8;
	[tilespmem:$0x10200] =	vst v63  }
0x1ac: {  	s31 =	simm.s32 $0x2A00  }
0x1ad: {  	[hbm4b:s4+s2] =	stream.indirect_vreg.scatter [tilespmem:s31], [sflag:$0x1], $0x80, v4, vm0, $0xb8;
	[tilespmem:$0x10200] =	vst v63  }
0x1ae: {  	s31 =	simm.s32 $0x3200  }
0x1af: {  	[hbm4b:s3+s2] =	stream.indirect_vreg.scatter [tilespmem:s31], [sflag:$0x1], $0x80, v3, vm0, $0xb8;
	[tilespmem:$0x10200] =	vst v63  }
0x1b0: {  	s13 =	simm.s32 $0x3A00  }
0x1b1: {  	[hbm4b:s4+s2] =	stream.indirect_vreg.scatter [tilespmem:s13], [sflag:$0x1], $0x80, v3, vm0, $0xb8;
	[tilespmem:$0x10200] =	vst v63  }
0x1b2: {  	v3 =	vld [tilespmem:$0x1A0];
	_ =	sdelay $0x4  }
0x1b3: {  	v58 =	vshll.u32 v3, $0x2  }
0x1b4: {  	v3 =	vand.u32 $0x7, v3;
	v4 =	vand.u32 $0xFFFFFFE0, v58  }
0x1b5: {  	v3 =	vor.u32 v3, v4  }
0x1b6: {  	v4 =	vperm.xlane v3, v0;
	_ =	sdelay $0x1  }
0x1b7: {  	v4 =	vadd.s32 v1, v4;
	_ =	sdelay $0x1  }
0x1b8: {  	v3 =	vperm.xlane v3, v2;
	_ =	sdelay $0x1  }
0x1b9: {  	s12 =	simm.s32 $0x4200;
	v3 =	vadd.s32 v1, v3  }
0x1ba: {  	[hbm4b:s3+s2] =	stream.indirect_vreg.scatter [tilespmem:s12], [sflag:$0x1], $0x80, v4, vm0, $0xb8;
	[tilespmem:$0x10200] =	vst v63  }
0x1bb: {  	s15 =	simm.s32 $0x4A00  }
0x1bc: {  	[hbm4b:s4+s2] =	stream.indirect_vreg.scatter [tilespmem:s15], [sflag:$0x1], $0x80, v4, vm0, $0xb8;
	[tilespmem:$0x10200] =	vst v63  }
0x1bd: {  	s16 =	simm.s32 $0x5200  }
0x1be: {  	[hbm4b:s3+s2] =	stream.indirect_vreg.scatter [tilespmem:s16], [sflag:$0x1], $0x80, v3, vm0, $0xb8;
	[tilespmem:$0x10200] =	vst v63  }
0x1bf: {  	s17 =	simm.s32 $0x5A00  }
0x1c0: {  	[hbm4b:s4+s2] =	stream.indirect_vreg.scatter [tilespmem:s17], [sflag:$0x1], $0x80, v3, vm0, $0xb8;
	[tilespmem:$0x10200] =	vst v63  }
0x1c1: {  	v3 =	vld [tilespmem:$0x1B0];
	_ =	sdelay $0x4  }
0x1c2: {  	v59 =	vshll.u32 v3, $0x2  }
0x1c3: {  	v3 =	vand.u32 $0x7, v3;
	v4 =	vand.u32 $0xFFFFFFE0, v59  }
0x1c4: {  	v3 =	vor.u32 v3, v4  }
0x1c5: {  	v4 =	vperm.xlane v3, v0;
	_ =	sdelay $0x1  }
0x1c6: {  	v4 =	vadd.s32 v1, v4;
	_ =	sdelay $0x1  }
0x1c7: {  	v3 =	vperm.xlane v3, v2;
	_ =	sdelay $0x1  }
0x1c8: {  	s18 =	simm.s32 $0x6200;
	v3 =	vadd.s32 v1, v3  }
0x1c9: {  	[hbm4b:s3+s2] =	stream.indirect_vreg.scatter [tilespmem:s18], [sflag:$0x1], $0x80, v4, vm0, $0xb8;
	[tilespmem:$0x10200] =	vst v63  }
0x1ca: {  	s19 =	simm.s32 $0x6A00  }
0x1cb: {  	[hbm4b:s4+s2] =	stream.indirect_vreg.scatter [tilespmem:s19], [sflag:$0x1], $0x80, v4, vm0, $0xb8;
	[tilespmem:$0x10200] =	vst v63  }
0x1cc: {  	s20 =	simm.s32 $0x7200  }
0x1cd: {  	[hbm4b:s3+s2] =	stream.indirect_vreg.scatter [tilespmem:s20], [sflag:$0x1], $0x80, v3, vm0, $0xb8;
	[tilespmem:$0x10200] =	vst v63  }
0x1ce: {  	s21 =	simm.s32 $0x7A00  }
0x1cf: {  	[hbm4b:s4+s2] =	stream.indirect_vreg.scatter [tilespmem:s21], [sflag:$0x1], $0x80, v3, vm0, $0xb8;
	[tilespmem:$0x10200] =	vst v63  }
0x1d0: {  	v3 =	vld [tilespmem:$0x1C0];
	_ =	sdelay $0x4  }
0x1d1: {  	v60 =	vshll.u32 v3, $0x2  }
0x1d2: {  	v3 =	vand.u32 $0x7, v3;
	v4 =	vand.u32 $0xFFFFFFE0, v60  }
0x1d3: {  	v3 =	vor.u32 v3, v4  }
0x1d4: {  	v4 =	vperm.xlane v3, v0;
	_ =	sdelay $0x1  }
0x1d5: {  	v4 =	vadd.s32 v1, v4;
	_ =	sdelay $0x1  }
0x1d6: {  	v3 =	vperm.xlane v3, v2;
	_ =	sdelay $0x1  }
0x1d7: {  	s22 =	simm.s32 $0x8200;
	v3 =	vadd.s32 v1, v3  }
0x1d8: {  	[hbm4b:s3+s2] =	stream.indirect_vreg.scatter [tilespmem:s22], [sflag:$0x1], $0x80, v4, vm0, $0xb8;
	[tilespmem:$0x10200] =	vst v63  }
0x1d9: {  	s0 =	simm.s32 $0x8A00  }
0x1da: {  	[hbm4b:s4+s2] =	stream.indirect_vreg.scatter [tilespmem:s0], [sflag:$0x1], $0x80, v4, vm0, $0xb8;
	[tilespmem:$0x10200] =	vst v63  }
0x1db: {  	s1 =	simm.s32 $0x9200  }
0x1dc: {  	[hbm4b:s3+s2] =	stream.indirect_vreg.scatter [tilespmem:s1], [sflag:$0x1], $0x80, v3, vm0, $0xb8;
	[tilespmem:$0x10200] =	vst v63  }
0x1dd: {  	s10 =	simm.s32 $0x9A00  }
0x1de: {  	[hbm4b:s4+s2] =	stream.indirect_vreg.scatter [tilespmem:s10], [sflag:$0x1], $0x80, v3, vm0, $0xb8;
	[tilespmem:$0x10200] =	vst v63  }
0x1df: {  	v3 =	vld [tilespmem:$0x1D0];
	_ =	sdelay $0x4  }
0x1e0: {  	v61 =	vshll.u32 v3, $0x2  }
0x1e1: {  	v3 =	vand.u32 $0x7, v3;
	v4 =	vand.u32 $0xFFFFFFE0, v61  }
0x1e2: {  	v3 =	vor.u32 v3, v4  }
0x1e3: {  	v4 =	vperm.xlane v3, v0;
	_ =	sdelay $0x1  }
0x1e4: {  	v4 =	vadd.s32 v1, v4;
	_ =	sdelay $0x1  }
0x1e5: {  	v3 =	vperm.xlane v3, v2;
	_ =	sdelay $0x1  }
0x1e6: {  	s7 =	simm.s32 $0xA200;
	v3 =	vadd.s32 v1, v3  }
0x1e7: {  	[hbm4b:s3+s2] =	stream.indirect_vreg.scatter [tilespmem:s7], [sflag:$0x1], $0x80, v4, vm0, $0xb8;
	[tilespmem:$0x10200] =	vst v63  }
0x1e8: {  	s8 =	simm.s32 $0xAA00  }
0x1e9: {  	[hbm4b:s4+s2] =	stream.indirect_vreg.scatter [tilespmem:s8], [sflag:$0x1], $0x80, v4, vm0, $0xb8;
	[tilespmem:$0x10200] =	vst v63  }
0x1ea: {  	s9 =	simm.s32 $0xB200  }
0x1eb: {  	[hbm4b:s3+s2] =	stream.indirect_vreg.scatter [tilespmem:s9], [sflag:$0x1], $0x80, v3, vm0, $0xb8;
	[tilespmem:$0x10200] =	vst v63  }
0x1ec: {  	s11 =	simm.s32 $0xBA00  }
0x1ed: {  	[hbm4b:s4+s2] =	stream.indirect_vreg.scatter [tilespmem:s11], [sflag:$0x1], $0x80, v3, vm0, $0xb8;
	[tilespmem:$0x10200] =	vst v63  }
0x1ee: {  	v3 =	vld [tilespmem:$0x1E0];
	_ =	sdelay $0x4  }
0x1ef: {  	v62 =	vshll.u32 v3, $0x2  }
0x1f0: {  	v3 =	vand.u32 $0x7, v3;
	v4 =	vand.u32 $0xFFFFFFE0, v62  }
0x1f1: {  	v3 =	vor.u32 v3, v4  }
0x1f2: {  	v4 =	vperm.xlane v3, v0;
	_ =	sdelay $0x1  }
0x1f3: {  	v4 =	vadd.s32 v1, v4;
	_ =	sdelay $0x1  }
0x1f4: {  	v3 =	vperm.xlane v3, v2;
	_ =	sdelay $0x1  }
0x1f5: {  	s24 =	simm.s32 $0xC200;
	v3 =	vadd.s32 v1, v3  }
0x1f6: {  	[hbm4b:s3+s2] =	stream.indirect_vreg.scatter [tilespmem:s24], [sflag:$0x1], $0x80, v4, vm0, $0xb8;
	[tilespmem:$0x10200] =	vst v63  }
0x1f7: {  	s24 =	simm.s32 $0xCA00  }
0x1f8: {  	[hbm4b:s4+s2] =	stream.indirect_vreg.scatter [tilespmem:s24], [sflag:$0x1], $0x80, v4, vm0, $0xb8;
	[tilespmem:$0x10200] =	vst v63  }
0x1f9: {  	s29 =	simm.s32 $0xD200  }
0x1fa: {  	[hbm4b:s3+s2] =	stream.indirect_vreg.scatter [tilespmem:s29], [sflag:$0x1], $0x80, v3, vm0, $0xb8;
	[tilespmem:$0x10200] =	vst v63  }
0x1fb: {  	s31 =	simm.s32 $0xDA00  }
0x1fc: {  	[hbm4b:s4+s2] =	stream.indirect_vreg.scatter [tilespmem:s31], [sflag:$0x1], $0x80, v3, vm0, $0xb8;
	[tilespmem:$0x10200] =	vst v63  }
0x1fd: {  	v3 =	vld [tilespmem:$0x1F0];
	_ =	sdelay $0x4  }
0x1fe: {  	v63 =	vshll.u32 v3, $0x2  }
0x1ff: {  	v3 =	vand.u32 $0x7, v3;
	v4 =	vand.u32 $0xFFFFFFE0, v63  }
0x200: {  	v3 =	vor.u32 v3, v4  }
0x201: {  	v4 =	vperm.xlane v3, v0;
	_ =	sdelay $0x1  }
0x202: {  	v4 =	vadd.s32 v1, v4;
	_ =	sdelay $0x1  }
0x203: {  	v3 =	vperm.xlane v3, v2;
	_ =	sdelay $0x1  }
0x204: {  	s26 =	simm.s32 $0xE200;
	v3 =	vadd.s32 v1, v3  }
0x205: {  	[hbm4b:s3+s2] =	stream.indirect_vreg.scatter [tilespmem:s26], [sflag:$0x1], $0x80, v4, vm0, $0xb8;
	[tilespmem:$0x10200] =	vst v63  }
0x206: {  	s28 =	simm.s32 $0xEA00  }
0x207: {  	[hbm4b:s4+s2] =	stream.indirect_vreg.scatter [tilespmem:s28], [sflag:$0x1], $0x80, v4, vm0, $0xb8;
	[tilespmem:$0x10200] =	vst v63  }
0x208: {  	p0 =	sne.s32 s5, $0x1;
	s23 =	simm.s32 $0xF200  }
0x209: {  	[hbm4b:s3+s2] =	stream.indirect_vreg.scatter [tilespmem:s23], [sflag:$0x1], $0x80, v3, vm0, $0xb8;
	[tilespmem:$0x10200] =	vst v63  }
.Ltmp0:
0x20a: {  	s30 =	simm.s32 $0xFA00;
	(pc) =	sbr.rel @p0 .LBB2_1-.Ltmp0, $4  }
0x20b: {  	[hbm4b:s4+s2] =	stream.indirect_vreg.scatter [tilespmem:s30], [sflag:$0x1], $0x80, v3, vm0, $0xb8;
	[tilespmem:$0x10200] =	vst v63  }
0x20c: {  	_ =	swait.ge [sflag:s6], $0x10000  }
0x20d: {  	[sflag:s6] =	ssyncset.done $0x0  }
0x20e: {  	s5 =	sadd.s32 $0xFFFFFFFF, s5;
	[sflag:s6] =	ssyncadd.s32 $0xFFFF0000  }
0x20f: {  	_ =	sfence.sel $0x180000  }
0x210: {  	[bflag:$0x0] =	sbarrier.arrive $0xFFFF  }
0x211: {  	_ =	strace $0x90000047  }
0x212: {  	s0 =	stileid.u32;
	[bflag:$0x2] =	sbarrier.arrive $0xFFFF  }
0x213: {  	p0 =	sne.s32 s0, $0x0;
	s0 =	rddreg [dreg:$0x2]  }
0x214: {  	s0 =	sadd.s32 @!p0 $0x100000, s0  }
0x215: {  	[sflag:s0] =	ssyncadd.tile.s32 @!p0 $0x1;
	_ =	shalt  }
.Lfunc_end2:
_tile_overlayer_lowered:
.L_overlay_start_2:
0x216: {  	(tag) =	ssettag $0x2  }
0x217: {  	s0 =	rddreg [dreg:$0x0];
	s2 =	stileid.u32  }
0x218: {  	s1 =	rddreg [dreg:$0x1];
	p0 =	sne.s32 s2, $0x0  }
0x219: {  	s3 =	rddreg [dreg:$0x2];
	[bflag:$0x3] =	sbarrier.arrive $0xFFFF;
	s2 =	simm.s32 @!p0 $0x1C01  }
0x21a: {  	[timem:s3], [sflag:s2] =	dma.local @!p0 [hbm:s0], s1  }
0x21b: {  	s0 =	simm.s32 @!p0 $0x1  }
0x21c: {  	_ =	swait.ge @!p0 [sflag:s0], s1  }
0x21d: {  	s1 =	ssub.s32 @!p0 $0x0, s1;
	[sflag:s0] =	ssyncset.done @!p0 $0x0  }
0x21e: {  	[sflag:s0] =	ssyncadd.s32 @!p0 s1  }
0x21f: {  	[bflag:$0x3] =	sbarrier.arrive $0xFFFF  }
0x220: {  	_ =	shalt  }

</sc_bundles>
